<compile_context>
chip_gen: v7x
topology: tpu7x:2x2x1
jax: 0.10.2.dev20260603
libtpu: 0.0.44.dev20260713+nightly
codegen_flags: <defaults>
</compile_context>

<pallas_src>
import functools

import jax
import jax.numpy as jnp
from jax import lax
from jax.experimental import pallas as pl
from jax.experimental.pallas import tpu as pltpu
from jax.experimental.pallas import tpu_sc as plsc

NC = 2
NS = 16
K = 128


def _mesh():
    return plsc.VectorSubcoreMesh(core_axis_name="c", subcore_axis_name="s")


def _make_deg_kernel(CW, NP):
    span = NP // NS

    @functools.partial(
        pl.kernel,
        mesh=_mesh(),
        out_type=jax.ShapeDtypeStruct((NC, NP), jnp.float32),
        scratch_types=[
            pltpu.VMEM((CW, K), jnp.int32),
            pltpu.VMEM((K,), jnp.float32),
            pltpu.VMEM((span,), jnp.float32),
            pltpu.VMEM_SHARED((NP,), jnp.float32),
            pltpu.SemaphoreType.DMA,
        ],
    )
    def deg_kernel(dst2d_hbm, out_hbm, didx, ones_v, zbuf, deg_sh, sem):
        c = lax.axis_index("c")
        s = lax.axis_index("s")
        w = c * NS + s
        for i in range(K // 16):
            ones_v[pl.ds(16 * i, 16)] = jnp.ones((16,), jnp.float32)
        for i in range(span // 16):
            zbuf[pl.ds(16 * i, 16)] = jnp.zeros((16,), jnp.float32)
        pltpu.sync_copy(dst2d_hbm.at[pl.ds(w * CW, CW), :], didx)
        pltpu.sync_copy(zbuf, deg_sh.at[pl.ds(s * span, span)])
        plsc.subcore_barrier()

        def fire(j, carry):
            pltpu.async_copy(ones_v, deg_sh.at[didx.at[j]], sem, add=True)
            return carry

        def drain(j, carry):
            pltpu.make_async_copy(ones_v, deg_sh.at[didx.at[j]], sem).wait()
            return carry

        lax.fori_loop(0, CW, fire, 0)
        lax.fori_loop(0, CW, drain, 0)
        plsc.subcore_barrier()
        pltpu.sync_copy(deg_sh.at[pl.ds(s * span, span)],
                        out_hbm.at[c, pl.ds(s * span, span)])

    return deg_kernel


def _make_prop_kernel(CW, NP, D):
    span = NP // NS
    PH = 2
    CWp = CW // PH
    assert CW % (2 * PH) == 0 and CWp % 8 == 0

    @functools.partial(
        pl.kernel,
        mesh=_mesh(),
        out_type=jax.ShapeDtypeStruct((NC, NP, D), jnp.float32),
        scratch_types=(
            [pltpu.VMEM((CWp, K), jnp.int32),
             pltpu.VMEM((CWp, K), jnp.int32)]
            + [pltpu.VMEM((2 * K, D), jnp.float32)]
            + [pltpu.VMEM_SHARED((NP, D), jnp.float32)]
            + [pltpu.SemaphoreType.DMA] * 2
        ),
    )
    def prop_kernel(src2d_hbm, dst2d_hbm, u_hbm, zeros_hbm, out_hbm,
                    sidx, didx, rows_buf, acc_sh, *gsem):
        rows = [rows_buf.at[pl.ds(b * K, K), :] for b in range(2)]
        c = lax.axis_index("c")
        s = lax.axis_index("s")
        w = c * NS + s
        sp = pl.ds(s * span, span)
        pltpu.sync_copy(zeros_hbm.at[sp, :], acc_sh.at[sp, :])
        plsc.subcore_barrier()

        for p in range(PH):
            base = w * CW + p * CWp
            pltpu.sync_copy(src2d_hbm.at[pl.ds(base, CWp), :], sidx)
            pltpu.sync_copy(dst2d_hbm.at[pl.ds(base, CWp), :], didx)
            for b in range(2):
                pltpu.async_copy(u_hbm.at[sidx.at[b]], rows[b], gsem[b])

            def step(t, carry):
                for b in range(2):
                    j = t * 2 + b
                    pltpu.make_async_copy(
                        u_hbm.at[sidx.at[j]], rows[b], gsem[b]).wait()
                    pltpu.sync_copy(rows[b], acc_sh.at[didx.at[j]], add=True)

                    @pl.when(j + 2 < CWp)
                    def _():
                        pltpu.async_copy(
                            u_hbm.at[sidx.at[j + 2]], rows[b], gsem[b])
                return carry

            lax.fori_loop(0, CWp // 2, step, 0)

        plsc.subcore_barrier()
        pltpu.sync_copy(acc_sh.at[sp, :], out_hbm.at[c, sp, :])

    return prop_kernel


def _make_thin_prop_kernel(CW, NP):
    span = NP // NS
    assert CW % 2 == 0

    @functools.partial(
        pl.kernel,
        mesh=_mesh(),
        out_type=jax.ShapeDtypeStruct((NC, 2, NP), jnp.float32),
        scratch_types=(
            [pltpu.VMEM((CW, K), jnp.int32),
             pltpu.VMEM((CW, K), jnp.int32)]
            + [pltpu.VMEM((K,), jnp.float32)] * 4
            + [pltpu.VMEM((span,), jnp.float32)]
            + [pltpu.VMEM_SHARED((NP,), jnp.float32)] * 2
            + [pltpu.SemaphoreType.DMA] * 2
        ),
    )
    def thin_prop(src2d_hbm, dst2d_hbm, u20_hbm, u21_hbm, out_hbm,
                  sidx, didx, *rest):
        vals0 = rest[0:2]
        vals1 = rest[2:4]
        zbuf = rest[4]
        acc0_sh = rest[5]
        acc1_sh = rest[6]
        gsem = rest[7:9]
        c = lax.axis_index("c")
        s = lax.axis_index("s")
        w = c * NS + s
        sp = pl.ds(s * span, span)
        pltpu.sync_copy(src2d_hbm.at[pl.ds(w * CW, CW), :], sidx)
        pltpu.sync_copy(dst2d_hbm.at[pl.ds(w * CW, CW), :], didx)
        for i in range(span // 16):
            zbuf[pl.ds(16 * i, 16)] = jnp.zeros((16,), jnp.float32)
        pltpu.sync_copy(zbuf, acc0_sh.at[sp])
        pltpu.sync_copy(zbuf, acc1_sh.at[sp])
        plsc.subcore_barrier()

        for b in range(2):
            pltpu.async_copy(u20_hbm.at[sidx.at[b]], vals0[b], gsem[b])
            pltpu.async_copy(u21_hbm.at[sidx.at[b]], vals1[b], gsem[b])

        def step(t, carry):
            for b in range(2):
                j = t * 2 + b
                pltpu.make_async_copy(
                    u20_hbm.at[sidx.at[j]], vals0[b], gsem[b]).wait()
                pltpu.make_async_copy(
                    u21_hbm.at[sidx.at[j]], vals1[b], gsem[b]).wait()
                pltpu.sync_copy(vals0[b], acc0_sh.at[didx.at[j]], add=True)
                pltpu.sync_copy(vals1[b], acc1_sh.at[didx.at[j]], add=True)

                @pl.when(j + 2 < CW)
                def _():
                    pltpu.async_copy(u20_hbm.at[sidx.at[j + 2]], vals0[b],
                                     gsem[b])
                    pltpu.async_copy(u21_hbm.at[sidx.at[j + 2]], vals1[b],
                                     gsem[b])
            return carry

        lax.fori_loop(0, CW // 2, step, 0)
        plsc.subcore_barrier()
        pltpu.sync_copy(acc0_sh.at[sp], out_hbm.at[c, 0, sp])
        pltpu.sync_copy(acc1_sh.at[sp], out_hbm.at[c, 1, sp])

    return thin_prop


def _dinv_and_scale(degt_ref, x_ref, ddt_ref, u_ref):
    dp = degt_ref[...]
    deg = dp[:, 0:1] + dp[:, 1:2] + 1.0
    dinv = lax.rsqrt(deg)
    ddt_ref[:, 0:1] = dinv
    ddt_ref[:, 1:2] = dinv * dinv
    u_ref[...] = x_ref[...] * dinv


def _dense_block(acc0_ref, acc1_ref, x_ref, dinv_ref, dinv2_ref,
                 w1_ref, b1_ref, w2_ref, g_ref, u2_ref):
    y = dinv_ref[...] * (acc0_ref[...] + acc1_ref[...]) + dinv2_ref[...] * x_ref[...]
    h = jnp.dot(y, w1_ref[...], preferred_element_type=jnp.float32) + b1_ref[...]
    h = jnp.maximum(h, 0.0)
    g = jnp.dot(h, w2_ref[...], preferred_element_type=jnp.float32)
    g_ref[...] = g
    u2_ref[...] = dinv_ref[...] * g


def _make_final(NP, NB):
    def final_body(a20_ref, a21_ref, gt_ref, dinvr_ref, dinv2r_ref,
                   b2_ref, batch_ref, out_ref):
        dinv = dinvr_ref[...]
        dinv2 = dinv2r_ref[...]
        z0 = (dinv * (a20_ref[0:1, :] + a20_ref[1:2, :])
              + dinv2 * gt_ref[0:1, :] + b2_ref[0, 0])
        z1 = (dinv * (a21_ref[0:1, :] + a21_ref[1:2, :])
              + dinv2 * gt_ref[1:2, :] + b2_ref[0, 1])
        bt = batch_ref[...]
        gids = lax.broadcasted_iota(jnp.int32, (NB, NP), 0)
        onehot = (bt == gids).astype(jnp.float32)
        cnt = jnp.sum(onehot, axis=1, keepdims=True)
        s0 = jnp.sum(onehot * z0, axis=1, keepdims=True)
        s1 = jnp.sum(onehot * z1, axis=1, keepdims=True)
        out_ref[...] = jnp.concatenate([s0, s1], axis=1) / jnp.maximum(cnt, 1.0)

    return final_body


def kernel(x, edge_index, batch, W1, b1, W2, b2):
    N, D_IN = x.shape
    E = edge_index.shape[1]
    D_H = W1.shape[1]
    D_OUT = W2.shape[1]
    NB = 16

    NP = ((N + 511) // 512) * 512
    CW = -(-E // (NC * NS * K))
    CWQ = 8
    CW = ((CW + CWQ - 1) // CWQ) * CWQ
    E_pad = NC * NS * CW * K

    pad_src = N + jnp.arange(E_pad - E + 8 * K, dtype=jnp.int32) % (NP - N)
    pad_dst = pad_src[:E_pad - E]
    src2d = jnp.concatenate([edge_index[0], pad_src]).reshape(-1, K)
    dst2d = jnp.concatenate([edge_index[1], pad_dst]).reshape(-1, K)
    xp = jnp.pad(x, ((0, NP - N), (0, 0)))
    batchp = jnp.pad(batch, (0, NP - N), constant_values=NB).reshape(1, NP)

    deg_p = _make_deg_kernel(CW, NP)(dst2d)

    RB = 1024
    nblk = NP // RB
    ddt, u = pl.pallas_call(
        _dinv_and_scale,
        grid=(nblk,),
        in_specs=[
            pl.BlockSpec((RB, 2), lambda i: (i, 0)),
            pl.BlockSpec((RB, D_IN), lambda i: (i, 0)),
        ],
        out_specs=[
            pl.BlockSpec((RB, 2), lambda i: (i, 0)),
            pl.BlockSpec((RB, D_IN), lambda i: (i, 0)),
        ],
        out_shape=[
            jax.ShapeDtypeStruct((NP, 2), jnp.float32),
            jax.ShapeDtypeStruct((NP, D_IN), jnp.float32),
        ],
    )(deg_p.T, xp)
    dinv_c = ddt[:, 0:1]
    dinv2_c = ddt[:, 1:2]

    zeros_wide = jnp.zeros((NP, D_IN), jnp.float32)
    acc = _make_prop_kernel(CW, NP, D_IN)(src2d, dst2d, u, zeros_wide)

    g, u2 = pl.pallas_call(
        _dense_block,
        grid=(nblk,),
        in_specs=[
            pl.BlockSpec((RB, D_IN), lambda i: (i, 0)),
            pl.BlockSpec((RB, D_IN), lambda i: (i, 0)),
            pl.BlockSpec((RB, D_IN), lambda i: (i, 0)),
            pl.BlockSpec((RB, 1), lambda i: (i, 0)),
            pl.BlockSpec((RB, 1), lambda i: (i, 0)),
            pl.BlockSpec((D_IN, D_H), lambda i: (0, 0)),
            pl.BlockSpec((1, D_H), lambda i: (0, 0)),
            pl.BlockSpec((D_H, D_OUT), lambda i: (0, 0)),
        ],
        out_specs=[
            pl.BlockSpec((RB, D_OUT), lambda i: (i, 0)),
            pl.BlockSpec((RB, D_OUT), lambda i: (i, 0)),
        ],
        out_shape=[
            jax.ShapeDtypeStruct((NP, D_OUT), jnp.float32),
            jax.ShapeDtypeStruct((NP, D_OUT), jnp.float32),
        ],
    )(acc[0], acc[1], xp, dinv_c, dinv2_c, W1, b1.reshape(1, D_H), W2)

    gt = g.T
    u2t = u2.T
    acc2 = _make_thin_prop_kernel(CW, NP)(src2d, dst2d, u2t[0], u2t[1])

    out = pl.pallas_call(
        _make_final(NP, NB),
        out_shape=jax.ShapeDtypeStruct((NB, D_OUT), jnp.float32),
    )(acc2[:, 0, :], acc2[:, 1, :], gt, ddt[:, 0].reshape(1, NP),
      ddt[:, 1].reshape(1, NP), b2.reshape(1, D_OUT), batchp)
    return out

# --- scband reference (transcript-rebuilt; emitter-appended) ---
"""Pipeline reference for scband-gcnnet-5016521802311 (READ-ONLY COPY).

The authoritative reference and input builder live on the scoring server;
editing this copy changes nothing except your own understanding.
"""

import jax, jax.numpy as jnp
import numpy as np

N = 10000
E = 320000
D_IN = 128
D_H = 256
D_OUT = 2
B = 16


def setup_inputs(seed: int = 0) -> dict:
    key = jax.random.key(seed)
    k1, k2, k3, k4, k5 = jax.random.split(key, 5)
    x = jax.random.normal(k1, (N, D_IN), dtype=jnp.float32)
    edge_index = jax.random.randint(k2, (2, E), 0, N, dtype=jnp.int32)
    batch = jnp.sort(jax.random.randint(k3, (N,), 0, B, dtype=jnp.int32))
    W1 = jax.random.normal(k4, (D_IN, D_H), dtype=jnp.float32) * (1.0 / np.sqrt(D_IN))
    b1 = jnp.zeros((D_H,), dtype=jnp.float32)
    W2 = jax.random.normal(k5, (D_H, D_OUT), dtype=jnp.float32) * (1.0 / np.sqrt(D_H))
    b2 = jnp.zeros((D_OUT,), dtype=jnp.float32)
    return {"x": x, "edge_index": edge_index, "batch": batch, "W1": W1, "b1": b1, "W2": W2, "b2": b2}


def gcn_conv(x, edge_index, W, b):
    n = x.shape[0]
    self_loops = jnp.arange(n, dtype=edge_index.dtype)
    src = jnp.concatenate([edge_index[0], self_loops])
    dst = jnp.concatenate([edge_index[1], self_loops])
    h = x @ W
    ones = jnp.ones_like(dst, dtype=h.dtype)
    deg = jax.ops.segment_sum(ones, dst, num_segments=n)
    dinv = jnp.where(deg > 0, deg ** -0.5, 0.0)
    norm = dinv[src] * dinv[dst]
    msg = h[src] * norm[:, None]
    out = jax.ops.segment_sum(msg, dst, num_segments=n)
    return out + b


def global_mean_pool(x, batch, num_graphs):
    s = jax.ops.segment_sum(x, batch, num_segments=num_graphs)
    cnt = jax.ops.segment_sum(jnp.ones((x.shape[0],), dtype=x.dtype), batch, num_segments=num_graphs)
    return s / jnp.clip(cnt, 1.0)[:, None]


def reference(x, edge_index, batch, W1, b1, W2, b2):
    h = gcn_conv(x, edge_index, W1, b1)
    h = jax.nn.relu(h)
    # dropout is identity at inference (training=False)
    h = gcn_conv(h, edge_index, W2, b2)
    out = global_mean_pool(h, batch, B)
    return out

if __name__ == "__main__":
    import jax
    _d = setup_inputs()
    print(jax.jit(kernel)(*tuple(_d.values())))

</pallas_src>

<mosaic_0001>
#map = affine_map<(d0, d1) -> (0, 0)>
module attributes {stable_mosaic.version = 14 : i64} {
  func.func @deg_kernel(%arg0: i32, %arg1: i32, %arg2: memref<2560x128xi32, #tpu.memory_space<hbm>>, %arg3: memref<2x10240xf32, #tpu.memory_space<hbm>>, %arg4: memref<80x128xi32, #tpu.memory_space<vmem>>, %arg5: memref<128xf32, #tpu.memory_space<vmem>>, %arg6: memref<640xf32, #tpu.memory_space<vmem>>, %arg7: memref<10240xf32, #tpu.memory_space<vmem_shared>>, %arg8: memref<!tpu.dma_semaphore, #tpu.memory_space<semaphore_mem>>) attributes {dimension_semantics = [#tpu.dimension_semantics<core_parallel>, #tpu.dimension_semantics<subcore_parallel>], iteration_bounds = array<i64: 2, 16>, scalar_prefetch = 0 : i64, scratch_operands = 5 : i64, tpu.core_type = #tpu.core_type<sc_vector_subcore>, window_params = [{transform_indices = #map}, {transform_indices = #map}]} {
    %mul3A = arith.constant 16 : i32
    %mul3A_0 = arith.muli %arg0, %mul3A : i32
    %add3A = arith.addi %mul3A_0, %arg1 : i32
    %broadcast_in_dim3A = arith.constant 1.000000e+00 : f32
    %broadcast_in_dim3A_1 = vector.broadcast %broadcast_in_dim3A : f32 to vector<16xf32>
    %swap3A = arith.constant 0 : index
    %swap3A_2 = tpu.vector_load %arg5[%swap3A] {strides = array<i32>} : memref<128xf32, #tpu.memory_space<vmem>>, vector<16xf32>,
    %swap3A_3 = vector.shape_cast %swap3A_2 : vector<16xf32> to vector<16xf32>
    %swap3A_4 = vector.shape_cast %broadcast_in_dim3A_1 : vector<16xf32> to vector<16xf32>
    tpu.vector_store %arg5[%swap3A], %swap3A_4 {strides = array<i32>} : memref<128xf32, #tpu.memory_space<vmem>>, vector<16xf32>,
    %broadcast_in_dim3A_5 = arith.constant 1.000000e+00 : f32
    %broadcast_in_dim3A_6 = vector.broadcast %broadcast_in_dim3A_5 : f32 to vector<16xf32>
    %swap3A_7 = arith.constant 16 : index
    %swap3A_8 = tpu.vector_load %arg5[%swap3A_7] {strides = array<i32>} : memref<128xf32, #tpu.memory_space<vmem>>, vector<16xf32>,
    %swap3A_9 = vector.shape_cast %swap3A_8 : vector<16xf32> to vector<16xf32>
    %swap3A_10 = vector.shape_cast %broadcast_in_dim3A_6 : vector<16xf32> to vector<16xf32>
    tpu.vector_store %arg5[%swap3A_7], %swap3A_10 {strides = array<i32>} : memref<128xf32, #tpu.memory_space<vmem>>, vector<16xf32>,
    %broadcast_in_dim3A_11 = arith.constant 1.000000e+00 : f32
    %broadcast_in_dim3A_12 = vector.broadcast %broadcast_in_dim3A_11 : f32 to vector<16xf32>
    %swap3A_13 = arith.constant 32 : index
    %swap3A_14 = tpu.vector_load %arg5[%swap3A_13] {strides = array<i32>} : memref<128xf32, #tpu.memory_space<vmem>>, vector<16xf32>,
    %swap3A_15 = vector.shape_cast %swap3A_14 : vector<16xf32> to vector<16xf32>
    %swap3A_16 = vector.shape_cast %broadcast_in_dim3A_12 : vector<16xf32> to vector<16xf32>
    tpu.vector_store %arg5[%swap3A_13], %swap3A_16 {strides = array<i32>} : memref<128xf32, #tpu.memory_space<vmem>>, vector<16xf32>,
    %broadcast_in_dim3A_17 = arith.constant 1.000000e+00 : f32
    %broadcast_in_dim3A_18 = vector.broadcast %broadcast_in_dim3A_17 : f32 to vector<16xf32>
    %swap3A_19 = arith.constant 48 : index
    %swap3A_20 = tpu.vector_load %arg5[%swap3A_19] {strides = array<i32>} : memref<128xf32, #tpu.memory_space<vmem>>, vector<16xf32>,
    %swap3A_21 = vector.shape_cast %swap3A_20 : vector<16xf32> to vector<16xf32>
    %swap3A_22 = vector.shape_cast %broadcast_in_dim3A_18 : vector<16xf32> to vector<16xf32>
    tpu.vector_store %arg5[%swap3A_19], %swap3A_22 {strides = array<i32>} : memref<128xf32, #tpu.memory_space<vmem>>, vector<16xf32>,
    %broadcast_in_dim3A_23 = arith.constant 1.000000e+00 : f32
    %broadcast_in_dim3A_24 = vector.broadcast %broadcast_in_dim3A_23 : f32 to vector<16xf32>
    %swap3A_25 = arith.constant 64 : index
    %swap3A_26 = tpu.vector_load %arg5[%swap3A_25] {strides = array<i32>} : memref<128xf32, #tpu.memory_space<vmem>>, vector<16xf32>,
    %swap3A_27 = vector.shape_cast %swap3A_26 : vector<16xf32> to vector<16xf32>
    %swap3A_28 = vector.shape_cast %broadcast_in_dim3A_24 : vector<16xf32> to vector<16xf32>
    tpu.vector_store %arg5[%swap3A_25], %swap3A_28 {strides = array<i32>} : memref<128xf32, #tpu.memory_space<vmem>>, vector<16xf32>,
    %broadcast_in_dim3A_29 = arith.constant 1.000000e+00 : f32
    %broadcast_in_dim3A_30 = vector.broadcast %broadcast_in_dim3A_29 : f32 to vector<16xf32>
    %swap3A_31 = arith.constant 80 : index
    %swap3A_32 = tpu.vector_load %arg5[%swap3A_31] {strides = array<i32>} : memref<128xf32, #tpu.memory_space<vmem>>, vector<16xf32>,
    %swap3A_33 = vector.shape_cast %swap3A_32 : vector<16xf32> to vector<16xf32>
    %swap3A_34 = vector.shape_cast %broadcast_in_dim3A_30 : vector<16xf32> to vector<16xf32>
    tpu.vector_store %arg5[%swap3A_31], %swap3A_34 {strides = array<i32>} : memref<128xf32, #tpu.memory_space<vmem>>, vector<16xf32>,
    %broadcast_in_dim3A_35 = arith.constant 1.000000e+00 : f32
    %broadcast_in_dim3A_36 = vector.broadcast %broadcast_in_dim3A_35 : f32 to vector<16xf32>
    %swap3A_37 = arith.constant 96 : index
    %swap3A_38 = tpu.vector_load %arg5[%swap3A_37] {strides = array<i32>} : memref<128xf32, #tpu.memory_space<vmem>>, vector<16xf32>,
    %swap3A_39 = vector.shape_cast %swap3A_38 : vector<16xf32> to vector<16xf32>
    %swap3A_40 = vector.shape_cast %broadcast_in_dim3A_36 : vector<16xf32> to vector<16xf32>
    tpu.vector_store %arg5[%swap3A_37], %swap3A_40 {strides = array<i32>} : memref<128xf32, #tpu.memory_space<vmem>>, vector<16xf32>,
    %broadcast_in_dim3A_41 = arith.constant 1.000000e+00 : f32
    %broadcast_in_dim3A_42 = vector.broadcast %broadcast_in_dim3A_41 : f32 to vector<16xf32>
    %swap3A_43 = arith.constant 112 : index
    %swap3A_44 = tpu.vector_load %arg5[%swap3A_43] {strides = array<i32>} : memref<128xf32, #tpu.memory_space<vmem>>, vector<16xf32>,
    %swap3A_45 = vector.shape_cast %swap3A_44 : vector<16xf32> to vector<16xf32>
    %swap3A_46 = vector.shape_cast %broadcast_in_dim3A_42 : vector<16xf32> to vector<16xf32>
    tpu.vector_store %arg5[%swap3A_43], %swap3A_46 {strides = array<i32>} : memref<128xf32, #tpu.memory_space<vmem>>, vector<16xf32>,
    %broadcast_in_dim3A_47 = arith.constant 0.000000e+00 : f32
    %broadcast_in_dim3A_48 = vector.broadcast %broadcast_in_dim3A_47 : f32 to vector<16xf32>
    %swap3A_49 = arith.constant 0 : index
    %swap3A_50 = tpu.vector_load %arg6[%swap3A_49] {strides = array<i32>} : memref<640xf32, #tpu.memory_space<vmem>>, vector<16xf32>,
    %swap3A_51 = vector.shape_cast %swap3A_50 : vector<16xf32> to vector<16xf32>
    %swap3A_52 = vector.shape_cast %broadcast_in_dim3A_48 : vector<16xf32> to vector<16xf32>
    tpu.vector_store %arg6[%swap3A_49], %swap3A_52 {strides = array<i32>} : memref<640xf32, #tpu.memory_space<vmem>>, vector<16xf32>,
    %broadcast_in_dim3A_53 = arith.constant 0.000000e+00 : f32
    %broadcast_in_dim3A_54 = vector.broadcast %broadcast_in_dim3A_53 : f32 to vector<16xf32>
    %swap3A_55 = arith.constant 16 : index
    %swap3A_56 = tpu.vector_load %arg6[%swap3A_55] {strides = array<i32>} : memref<640xf32, #tpu.memory_space<vmem>>, vector<16xf32>,
    %swap3A_57 = vector.shape_cast %swap3A_56 : vector<16xf32> to vector<16xf32>
    %swap3A_58 = vector.shape_cast %broadcast_in_dim3A_54 : vector<16xf32> to vector<16xf32>
    tpu.vector_store %arg6[%swap3A_55], %swap3A_58 {strides = array<i32>} : memref<640xf32, #tpu.memory_space<vmem>>, vector<16xf32>,
    %broadcast_in_dim3A_59 = arith.constant 0.000000e+00 : f32
    %broadcast_in_dim3A_60 = vector.broadcast %broadcast_in_dim3A_59 : f32 to vector<16xf32>
    %swap3A_61 = arith.constant 32 : index
    %swap3A_62 = tpu.vector_load %arg6[%swap3A_61] {strides = array<i32>} : memref<640xf32, #tpu.memory_space<vmem>>, vector<16xf32>,
    %swap3A_63 = vector.shape_cast %swap3A_62 : vector<16xf32> to vector<16xf32>
    %swap3A_64 = vector.shape_cast %broadcast_in_dim3A_60 : vector<16xf32> to vector<16xf32>
    tpu.vector_store %arg6[%swap3A_61], %swap3A_64 {strides = array<i32>} : memref<640xf32, #tpu.memory_space<vmem>>, vector<16xf32>,
    %broadcast_in_dim3A_65 = arith.constant 0.000000e+00 : f32
    %broadcast_in_dim3A_66 = vector.broadcast %broadcast_in_dim3A_65 : f32 to vector<16xf32>
    %swap3A_67 = arith.constant 48 : index
    %swap3A_68 = tpu.vector_load %arg6[%swap3A_67] {strides = array<i32>} : memref<640xf32, #tpu.memory_space<vmem>>, vector<16xf32>,
    %swap3A_69 = vector.shape_cast %swap3A_68 : vector<16xf32> to vector<16xf32>
    %swap3A_70 = vector.shape_cast %broadcast_in_dim3A_66 : vector<16xf32> to vector<16xf32>
    tpu.vector_store %arg6[%swap3A_67], %swap3A_70 {strides = array<i32>} : memref<640xf32, #tpu.memory_space<vmem>>, vector<16xf32>,
    %broadcast_in_dim3A_71 = arith.constant 0.000000e+00 : f32
    %broadcast_in_dim3A_72 = vector.broadcast %broadcast_in_dim3A_71 : f32 to vector<16xf32>
    %swap3A_73 = arith.constant 64 : index
    %swap3A_74 = tpu.vector_load %arg6[%swap3A_73] {strides = array<i32>} : memref<640xf32, #tpu.memory_space<vmem>>, vector<16xf32>,
    %swap3A_75 = vector.shape_cast %swap3A_74 : vector<16xf32> to vector<16xf32>
    %swap3A_76 = vector.shape_cast %broadcast_in_dim3A_72 : vector<16xf32> to vector<16xf32>
    tpu.vector_store %arg6[%swap3A_73], %swap3A_76 {strides = array<i32>} : memref<640xf32, #tpu.memory_space<vmem>>, vector<16xf32>,
    %broadcast_in_dim3A_77 = arith.constant 0.000000e+00 : f32
    %broadcast_in_dim3A_78 = vector.broadcast %broadcast_in_dim3A_77 : f32 to vector<16xf32>
    %swap3A_79 = arith.constant 80 : index
    %swap3A_80 = tpu.vector_load %arg6[%swap3A_79] {strides = array<i32>} : memref<640xf32, #tpu.memory_space<vmem>>, vector<16xf32>,
    %swap3A_81 = vector.shape_cast %swap3A_80 : vector<16xf32> to vector<16xf32>
    %swap3A_82 = vector.shape_cast %broadcast_in_dim3A_78 : vector<16xf32> to vector<16xf32>
    tpu.vector_store %arg6[%swap3A_79], %swap3A_82 {strides = array<i32>} : memref<640xf32, #tpu.memory_space<vmem>>, vector<16xf32>,
    %broadcast_in_dim3A_83 = arith.constant 0.000000e+00 : f32
    %broadcast_in_dim3A_84 = vector.broadcast %broadcast_in_dim3A_83 : f32 to vector<16xf32>
    %swap3A_85 = arith.constant 96 : index
    %swap3A_86 = tpu.vector_load %arg6[%swap3A_85] {strides = array<i32>} : memref<640xf32, #tpu.memory_space<vmem>>, vector<16xf32>,
    %swap3A_87 = vector.shape_cast %swap3A_86 : vector<16xf32> to vector<16xf32>
    %swap3A_88 = vector.shape_cast %broadcast_in_dim3A_84 : vector<16xf32> to vector<16xf32>
    tpu.vector_store %arg6[%swap3A_85], %swap3A_88 {strides = array<i32>} : memref<640xf32, #tpu.memory_space<vmem>>, vector<16xf32>,
    %broadcast_in_dim3A_89 = arith.constant 0.000000e+00 : f32
    %broadcast_in_dim3A_90 = vector.broadcast %broadcast_in_dim3A_89 : f32 to vector<16xf32>
    %swap3A_91 = arith.constant 112 : index
    %swap3A_92 = tpu.vector_load %arg6[%swap3A_91] {strides = array<i32>} : memref<640xf32, #tpu.memory_space<vmem>>, vector<16xf32>,
    %swap3A_93 = vector.shape_cast %swap3A_92 : vector<16xf32> to vector<16xf32>
    %swap3A_94 = vector.shape_cast %broadcast_in_dim3A_90 : vector<16xf32> to vector<16xf32>
    tpu.vector_store %arg6[%swap3A_91], %swap3A_94 {strides = array<i32>} : memref<640xf32, #tpu.memory_space<vmem>>, vector<16xf32>,
    %broadcast_in_dim3A_95 = arith.constant 0.000000e+00 : f32
    %broadcast_in_dim3A_96 = vector.broadcast %broadcast_in_dim3A_95 : f32 to vector<16xf32>
    %swap3A_97 = arith.constant 128 : index
    %swap3A_98 = tpu.vector_load %arg6[%swap3A_97] {strides = array<i32>} : memref<640xf32, #tpu.memory_space<vmem>>, vector<16xf32>,
    %swap3A_99 = vector.shape_cast %swap3A_98 : vector<16xf32> to vector<16xf32>
    %swap3A_100 = vector.shape_cast %broadcast_in_dim3A_96 : vector<16xf32> to vector<16xf32>
    tpu.vector_store %arg6[%swap3A_97], %swap3A_100 {strides = array<i32>} : memref<640xf32, #tpu.memory_space<vmem>>, vector<16xf32>,
    %broadcast_in_dim3A_101 = arith.constant 0.000000e+00 : f32
    %broadcast_in_dim3A_102 = vector.broadcast %broadcast_in_dim3A_101 : f32 to vector<16xf32>
    %swap3A_103 = arith.constant 144 : index
    %swap3A_104 = tpu.vector_load %arg6[%swap3A_103] {strides = array<i32>} : memref<640xf32, #tpu.memory_space<vmem>>, vector<16xf32>,
    %swap3A_105 = vector.shape_cast %swap3A_104 : vector<16xf32> to vector<16xf32>
    %swap3A_106 = vector.shape_cast %broadcast_in_dim3A_102 : vector<16xf32> to vector<16xf32>
    tpu.vector_store %arg6[%swap3A_103], %swap3A_106 {strides = array<i32>} : memref<640xf32, #tpu.memory_space<vmem>>, vector<16xf32>,
    %broadcast_in_dim3A_107 = arith.constant 0.000000e+00 : f32
    %broadcast_in_dim3A_108 = vector.broadcast %broadcast_in_dim3A_107 : f32 to vector<16xf32>
    %swap3A_109 = arith.constant 160 : index
    %swap3A_110 = tpu.vector_load %arg6[%swap3A_109] {strides = array<i32>} : memref<640xf32, #tpu.memory_space<vmem>>, vector<16xf32>,
    %swap3A_111 = vector.shape_cast %swap3A_110 : vector<16xf32> to vector<16xf32>
    %swap3A_112 = vector.shape_cast %broadcast_in_dim3A_108 : vector<16xf32> to vector<16xf32>
    tpu.vector_store %arg6[%swap3A_109], %swap3A_112 {strides = array<i32>} : memref<640xf32, #tpu.memory_space<vmem>>, vector<16xf32>,
    %broadcast_in_dim3A_113 = arith.constant 0.000000e+00 : f32
    %broadcast_in_dim3A_114 = vector.broadcast %broadcast_in_dim3A_113 : f32 to vector<16xf32>
    %swap3A_115 = arith.constant 176 : index
    %swap3A_116 = tpu.vector_load %arg6[%swap3A_115] {strides = array<i32>} : memref<640xf32, #tpu.memory_space<vmem>>, vector<16xf32>,
    %swap3A_117 = vector.shape_cast %swap3A_116 : vector<16xf32> to vector<16xf32>
    %swap3A_118 = vector.shape_cast %broadcast_in_dim3A_114 : vector<16xf32> to vector<16xf32>
    tpu.vector_store %arg6[%swap3A_115], %swap3A_118 {strides = array<i32>} : memref<640xf32, #tpu.memory_space<vmem>>, vector<16xf32>,
    %broadcast_in_dim3A_119 = arith.constant 0.000000e+00 : f32
    %broadcast_in_dim3A_120 = vector.broadcast %broadcast_in_dim3A_119 : f32 to vector<16xf32>
    %swap3A_121 = arith.constant 192 : index
    %swap3A_122 = tpu.vector_load %arg6[%swap3A_121] {strides = array<i32>} : memref<640xf32, #tpu.memory_space<vmem>>, vector<16xf32>,
    %swap3A_123 = vector.shape_cast %swap3A_122 : vector<16xf32> to vector<16xf32>
    %swap3A_124 = vector.shape_cast %broadcast_in_dim3A_120 : vector<16xf32> to vector<16xf32>
    tpu.vector_store %arg6[%swap3A_121], %swap3A_124 {strides = array<i32>} : memref<640xf32, #tpu.memory_space<vmem>>, vector<16xf32>,
    %broadcast_in_dim3A_125 = arith.constant 0.000000e+00 : f32
    %broadcast_in_dim3A_126 = vector.broadcast %broadcast_in_dim3A_125 : f32 to vector<16xf32>
    %swap3A_127 = arith.constant 208 : index
    %swap3A_128 = tpu.vector_load %arg6[%swap3A_127] {strides = array<i32>} : memref<640xf32, #tpu.memory_space<vmem>>, vector<16xf32>,
    %swap3A_129 = vector.shape_cast %swap3A_128 : vector<16xf32> to vector<16xf32>
    %swap3A_130 = vector.shape_cast %broadcast_in_dim3A_126 : vector<16xf32> to vector<16xf32>
    tpu.vector_store %arg6[%swap3A_127], %swap3A_130 {strides = array<i32>} : memref<640xf32, #tpu.memory_space<vmem>>, vector<16xf32>,
    %broadcast_in_dim3A_131 = arith.constant 0.000000e+00 : f32
    %broadcast_in_dim3A_132 = vector.broadcast %broadcast_in_dim3A_131 : f32 to vector<16xf32>
    %swap3A_133 = arith.constant 224 : index
    %swap3A_134 = tpu.vector_load %arg6[%swap3A_133] {strides = array<i32>} : memref<640xf32, #tpu.memory_space<vmem>>, vector<16xf32>,
    %swap3A_135 = vector.shape_cast %swap3A_134 : vector<16xf32> to vector<16xf32>
    %swap3A_136 = vector.shape_cast %broadcast_in_dim3A_132 : vector<16xf32> to vector<16xf32>
    tpu.vector_store %arg6[%swap3A_133], %swap3A_136 {strides = array<i32>} : memref<640xf32, #tpu.memory_space<vmem>>, vector<16xf32>,
    %broadcast_in_dim3A_137 = arith.constant 0.000000e+00 : f32
    %broadcast_in_dim3A_138 = vector.broadcast %broadcast_in_dim3A_137 : f32 to vector<16xf32>
    %swap3A_139 = arith.constant 240 : index
    %swap3A_140 = tpu.vector_load %arg6[%swap3A_139] {strides = array<i32>} : memref<640xf32, #tpu.memory_space<vmem>>, vector<16xf32>,
    %swap3A_141 = vector.shape_cast %swap3A_140 : vector<16xf32> to vector<16xf32>
    %swap3A_142 = vector.shape_cast %broadcast_in_dim3A_138 : vector<16xf32> to vector<16xf32>
    tpu.vector_store %arg6[%swap3A_139], %swap3A_142 {strides = array<i32>} : memref<640xf32, #tpu.memory_space<vmem>>, vector<16xf32>,
    %broadcast_in_dim3A_143 = arith.constant 0.000000e+00 : f32
    %broadcast_in_dim3A_144 = vector.broadcast %broadcast_in_dim3A_143 : f32 to vector<16xf32>
    %swap3A_145 = arith.constant 256 : index
    %swap3A_146 = tpu.vector_load %arg6[%swap3A_145] {strides = array<i32>} : memref<640xf32, #tpu.memory_space<vmem>>, vector<16xf32>,
    %swap3A_147 = vector.shape_cast %swap3A_146 : vector<16xf32> to vector<16xf32>
    %swap3A_148 = vector.shape_cast %broadcast_in_dim3A_144 : vector<16xf32> to vector<16xf32>
    tpu.vector_store %arg6[%swap3A_145], %swap3A_148 {strides = array<i32>} : memref<640xf32, #tpu.memory_space<vmem>>, vector<16xf32>,
    %broadcast_in_dim3A_149 = arith.constant 0.000000e+00 : f32
    %broadcast_in_dim3A_150 = vector.broadcast %broadcast_in_dim3A_149 : f32 to vector<16xf32>
    %swap3A_151 = arith.constant 272 : index
    %swap3A_152 = tpu.vector_load %arg6[%swap3A_151] {strides = array<i32>} : memref<640xf32, #tpu.memory_space<vmem>>, vector<16xf32>,
    %swap3A_153 = vector.shape_cast %swap3A_152 : vector<16xf32> to vector<16xf32>
    %swap3A_154 = vector.shape_cast %broadcast_in_dim3A_150 : vector<16xf32> to vector<16xf32>
    tpu.vector_store %arg6[%swap3A_151], %swap3A_154 {strides = array<i32>} : memref<640xf32, #tpu.memory_space<vmem>>, vector<16xf32>,
    %broadcast_in_dim3A_155 = arith.constant 0.000000e+00 : f32
    %broadcast_in_dim3A_156 = vector.broadcast %broadcast_in_dim3A_155 : f32 to vector<16xf32>
    %swap3A_157 = arith.constant 288 : index
    %swap3A_158 = tpu.vector_load %arg6[%swap3A_157] {strides = array<i32>} : memref<640xf32, #tpu.memory_space<vmem>>, vector<16xf32>,
    %swap3A_159 = vector.shape_cast %swap3A_158 : vector<16xf32> to vector<16xf32>
    %swap3A_160 = vector.shape_cast %broadcast_in_dim3A_156 : vector<16xf32> to vector<16xf32>
    tpu.vector_store %arg6[%swap3A_157], %swap3A_160 {strides = array<i32>} : memref<640xf32, #tpu.memory_space<vmem>>, vector<16xf32>,
    %broadcast_in_dim3A_161 = arith.constant 0.000000e+00 : f32
    %broadcast_in_dim3A_162 = vector.broadcast %broadcast_in_dim3A_161 : f32 to vector<16xf32>
    %swap3A_163 = arith.constant 304 : index
    %swap3A_164 = tpu.vector_load %arg6[%swap3A_163] {strides = array<i32>} : memref<640xf32, #tpu.memory_space<vmem>>, vector<16xf32>,
    %swap3A_165 = vector.shape_cast %swap3A_164 : vector<16xf32> to vector<16xf32>
    %swap3A_166 = vector.shape_cast %broadcast_in_dim3A_162 : vector<16xf32> to vector<16xf32>
    tpu.vector_store %arg6[%swap3A_163], %swap3A_166 {strides = array<i32>} : memref<640xf32, #tpu.memory_space<vmem>>, vector<16xf32>,
    %broadcast_in_dim3A_167 = arith.constant 0.000000e+00 : f32
    %broadcast_in_dim3A_168 = vector.broadcast %broadcast_in_dim3A_167 : f32 to vector<16xf32>
    %swap3A_169 = arith.constant 320 : index
    %swap3A_170 = tpu.vector_load %arg6[%swap3A_169] {strides = array<i32>} : memref<640xf32, #tpu.memory_space<vmem>>, vector<16xf32>,
    %swap3A_171 = vector.shape_cast %swap3A_170 : vector<16xf32> to vector<16xf32>
    %swap3A_172 = vector.shape_cast %broadcast_in_dim3A_168 : vector<16xf32> to vector<16xf32>
    tpu.vector_store %arg6[%swap3A_169], %swap3A_172 {strides = array<i32>} : memref<640xf32, #tpu.memory_space<vmem>>, vector<16xf32>,
    %broadcast_in_dim3A_173 = arith.constant 0.000000e+00 : f32
    %broadcast_in_dim3A_174 = vector.broadcast %broadcast_in_dim3A_173 : f32 to vector<16xf32>
    %swap3A_175 = arith.constant 336 : index
    %swap3A_176 = tpu.vector_load %arg6[%swap3A_175] {strides = array<i32>} : memref<640xf32, #tpu.memory_space<vmem>>, vector<16xf32>,
    %swap3A_177 = vector.shape_cast %swap3A_176 : vector<16xf32> to vector<16xf32>
    %swap3A_178 = vector.shape_cast %broadcast_in_dim3A_174 : vector<16xf32> to vector<16xf32>
    tpu.vector_store %arg6[%swap3A_175], %swap3A_178 {strides = array<i32>} : memref<640xf32, #tpu.memory_space<vmem>>, vector<16xf32>,
    %broadcast_in_dim3A_179 = arith.constant 0.000000e+00 : f32
    %broadcast_in_dim3A_180 = vector.broadcast %broadcast_in_dim3A_179 : f32 to vector<16xf32>
    %swap3A_181 = arith.constant 352 : index
    %swap3A_182 = tpu.vector_load %arg6[%swap3A_181] {strides = array<i32>} : memref<640xf32, #tpu.memory_space<vmem>>, vector<16xf32>,
    %swap3A_183 = vector.shape_cast %swap3A_182 : vector<16xf32> to vector<16xf32>
    %swap3A_184 = vector.shape_cast %broadcast_in_dim3A_180 : vector<16xf32> to vector<16xf32>
    tpu.vector_store %arg6[%swap3A_181], %swap3A_184 {strides = array<i32>} : memref<640xf32, #tpu.memory_space<vmem>>, vector<16xf32>,
    %broadcast_in_dim3A_185 = arith.constant 0.000000e+00 : f32
    %broadcast_in_dim3A_186 = vector.broadcast %broadcast_in_dim3A_185 : f32 to vector<16xf32>
    %swap3A_187 = arith.constant 368 : index
    %swap3A_188 = tpu.vector_load %arg6[%swap3A_187] {strides = array<i32>} : memref<640xf32, #tpu.memory_space<vmem>>, vector<16xf32>,
    %swap3A_189 = vector.shape_cast %swap3A_188 : vector<16xf32> to vector<16xf32>
    %swap3A_190 = vector.shape_cast %broadcast_in_dim3A_186 : vector<16xf32> to vector<16xf32>
    tpu.vector_store %arg6[%swap3A_187], %swap3A_190 {strides = array<i32>} : memref<640xf32, #tpu.memory_space<vmem>>, vector<16xf32>,
    %broadcast_in_dim3A_191 = arith.constant 0.000000e+00 : f32
    %broadcast_in_dim3A_192 = vector.broadcast %broadcast_in_dim3A_191 : f32 to vector<16xf32>
    %swap3A_193 = arith.constant 384 : index
    %swap3A_194 = tpu.vector_load %arg6[%swap3A_193] {strides = array<i32>} : memref<640xf32, #tpu.memory_space<vmem>>, vector<16xf32>,
    %swap3A_195 = vector.shape_cast %swap3A_194 : vector<16xf32> to vector<16xf32>
    %swap3A_196 = vector.shape_cast %broadcast_in_dim3A_192 : vector<16xf32> to vector<16xf32>
    tpu.vector_store %arg6[%swap3A_193], %swap3A_196 {strides = array<i32>} : memref<640xf32, #tpu.memory_space<vmem>>, vector<16xf32>,
    %broadcast_in_dim3A_197 = arith.constant 0.000000e+00 : f32
    %broadcast_in_dim3A_198 = vector.broadcast %broadcast_in_dim3A_197 : f32 to vector<16xf32>
    %swap3A_199 = arith.constant 400 : index
    %swap3A_200 = tpu.vector_load %arg6[%swap3A_199] {strides = array<i32>} : memref<640xf32, #tpu.memory_space<vmem>>, vector<16xf32>,
    %swap3A_201 = vector.shape_cast %swap3A_200 : vector<16xf32> to vector<16xf32>
    %swap3A_202 = vector.shape_cast %broadcast_in_dim3A_198 : vector<16xf32> to vector<16xf32>
    tpu.vector_store %arg6[%swap3A_199], %swap3A_202 {strides = array<i32>} : memref<640xf32, #tpu.memory_space<vmem>>, vector<16xf32>,
    %broadcast_in_dim3A_203 = arith.constant 0.000000e+00 : f32
    %broadcast_in_dim3A_204 = vector.broadcast %broadcast_in_dim3A_203 : f32 to vector<16xf32>
    %swap3A_205 = arith.constant 416 : index
    %swap3A_206 = tpu.vector_load %arg6[%swap3A_205] {strides = array<i32>} : memref<640xf32, #tpu.memory_space<vmem>>, vector<16xf32>,
    %swap3A_207 = vector.shape_cast %swap3A_206 : vector<16xf32> to vector<16xf32>
    %swap3A_208 = vector.shape_cast %broadcast_in_dim3A_204 : vector<16xf32> to vector<16xf32>
    tpu.vector_store %arg6[%swap3A_205], %swap3A_208 {strides = array<i32>} : memref<640xf32, #tpu.memory_space<vmem>>, vector<16xf32>,
    %broadcast_in_dim3A_209 = arith.constant 0.000000e+00 : f32
    %broadcast_in_dim3A_210 = vector.broadcast %broadcast_in_dim3A_209 : f32 to vector<16xf32>
    %swap3A_211 = arith.constant 432 : index
    %swap3A_212 = tpu.vector_load %arg6[%swap3A_211] {strides = array<i32>} : memref<640xf32, #tpu.memory_space<vmem>>, vector<16xf32>,
    %swap3A_213 = vector.shape_cast %swap3A_212 : vector<16xf32> to vector<16xf32>
    %swap3A_214 = vector.shape_cast %broadcast_in_dim3A_210 : vector<16xf32> to vector<16xf32>
    tpu.vector_store %arg6[%swap3A_211], %swap3A_214 {strides = array<i32>} : memref<640xf32, #tpu.memory_space<vmem>>, vector<16xf32>,
    %broadcast_in_dim3A_215 = arith.constant 0.000000e+00 : f32
    %broadcast_in_dim3A_216 = vector.broadcast %broadcast_in_dim3A_215 : f32 to vector<16xf32>
    %swap3A_217 = arith.constant 448 : index
    %swap3A_218 = tpu.vector_load %arg6[%swap3A_217] {strides = array<i32>} : memref<640xf32, #tpu.memory_space<vmem>>, vector<16xf32>,
    %swap3A_219 = vector.shape_cast %swap3A_218 : vector<16xf32> to vector<16xf32>
    %swap3A_220 = vector.shape_cast %broadcast_in_dim3A_216 : vector<16xf32> to vector<16xf32>
    tpu.vector_store %arg6[%swap3A_217], %swap3A_220 {strides = array<i32>} : memref<640xf32, #tpu.memory_space<vmem>>, vector<16xf32>,
    %broadcast_in_dim3A_221 = arith.constant 0.000000e+00 : f32
    %broadcast_in_dim3A_222 = vector.broadcast %broadcast_in_dim3A_221 : f32 to vector<16xf32>
    %swap3A_223 = arith.constant 464 : index
    %swap3A_224 = tpu.vector_load %arg6[%swap3A_223] {strides = array<i32>} : memref<640xf32, #tpu.memory_space<vmem>>, vector<16xf32>,
    %swap3A_225 = vector.shape_cast %swap3A_224 : vector<16xf32> to vector<16xf32>
    %swap3A_226 = vector.shape_cast %broadcast_in_dim3A_222 : vector<16xf32> to vector<16xf32>
    tpu.vector_store %arg6[%swap3A_223], %swap3A_226 {strides = array<i32>} : memref<640xf32, #tpu.memory_space<vmem>>, vector<16xf32>,
    %broadcast_in_dim3A_227 = arith.constant 0.000000e+00 : f32
    %broadcast_in_dim3A_228 = vector.broadcast %broadcast_in_dim3A_227 : f32 to vector<16xf32>
    %swap3A_229 = arith.constant 480 : index
    %swap3A_230 = tpu.vector_load %arg6[%swap3A_229] {strides = array<i32>} : memref<640xf32, #tpu.memory_space<vmem>>, vector<16xf32>,
    %swap3A_231 = vector.shape_cast %swap3A_230 : vector<16xf32> to vector<16xf32>
    %swap3A_232 = vector.shape_cast %broadcast_in_dim3A_228 : vector<16xf32> to vector<16xf32>
    tpu.vector_store %arg6[%swap3A_229], %swap3A_232 {strides = array<i32>} : memref<640xf32, #tpu.memory_space<vmem>>, vector<16xf32>,
    %broadcast_in_dim3A_233 = arith.constant 0.000000e+00 : f32
    %broadcast_in_dim3A_234 = vector.broadcast %broadcast_in_dim3A_233 : f32 to vector<16xf32>
    %swap3A_235 = arith.constant 496 : index
    %swap3A_236 = tpu.vector_load %arg6[%swap3A_235] {strides = array<i32>} : memref<640xf32, #tpu.memory_space<vmem>>, vector<16xf32>,
    %swap3A_237 = vector.shape_cast %swap3A_236 : vector<16xf32> to vector<16xf32>
    %swap3A_238 = vector.shape_cast %broadcast_in_dim3A_234 : vector<16xf32> to vector<16xf32>
    tpu.vector_store %arg6[%swap3A_235], %swap3A_238 {strides = array<i32>} : memref<640xf32, #tpu.memory_space<vmem>>, vector<16xf32>,
    %broadcast_in_dim3A_239 = arith.constant 0.000000e+00 : f32
    %broadcast_in_dim3A_240 = vector.broadcast %broadcast_in_dim3A_239 : f32 to vector<16xf32>
    %swap3A_241 = arith.constant 512 : index
    %swap3A_242 = tpu.vector_load %arg6[%swap3A_241] {strides = array<i32>} : memref<640xf32, #tpu.memory_space<vmem>>, vector<16xf32>,
    %swap3A_243 = vector.shape_cast %swap3A_242 : vector<16xf32> to vector<16xf32>
    %swap3A_244 = vector.shape_cast %broadcast_in_dim3A_240 : vector<16xf32> to vector<16xf32>
    tpu.vector_store %arg6[%swap3A_241], %swap3A_244 {strides = array<i32>} : memref<640xf32, #tpu.memory_space<vmem>>, vector<16xf32>,
    %broadcast_in_dim3A_245 = arith.constant 0.000000e+00 : f32
    %broadcast_in_dim3A_246 = vector.broadcast %broadcast_in_dim3A_245 : f32 to vector<16xf32>
    %swap3A_247 = arith.constant 528 : index
    %swap3A_248 = tpu.vector_load %arg6[%swap3A_247] {strides = array<i32>} : memref<640xf32, #tpu.memory_space<vmem>>, vector<16xf32>,
    %swap3A_249 = vector.shape_cast %swap3A_248 : vector<16xf32> to vector<16xf32>
    %swap3A_250 = vector.shape_cast %broadcast_in_dim3A_246 : vector<16xf32> to vector<16xf32>
    tpu.vector_store %arg6[%swap3A_247], %swap3A_250 {strides = array<i32>} : memref<640xf32, #tpu.memory_space<vmem>>, vector<16xf32>,
    %broadcast_in_dim3A_251 = arith.constant 0.000000e+00 : f32
    %broadcast_in_dim3A_252 = vector.broadcast %broadcast_in_dim3A_251 : f32 to vector<16xf32>
    %swap3A_253 = arith.constant 544 : index
    %swap3A_254 = tpu.vector_load %arg6[%swap3A_253] {strides = array<i32>} : memref<640xf32, #tpu.memory_space<vmem>>, vector<16xf32>,
    %swap3A_255 = vector.shape_cast %swap3A_254 : vector<16xf32> to vector<16xf32>
    %swap3A_256 = vector.shape_cast %broadcast_in_dim3A_252 : vector<16xf32> to vector<16xf32>
    tpu.vector_store %arg6[%swap3A_253], %swap3A_256 {strides = array<i32>} : memref<640xf32, #tpu.memory_space<vmem>>, vector<16xf32>,
    %broadcast_in_dim3A_257 = arith.constant 0.000000e+00 : f32
    %broadcast_in_dim3A_258 = vector.broadcast %broadcast_in_dim3A_257 : f32 to vector<16xf32>
    %swap3A_259 = arith.constant 560 : index
    %swap3A_260 = tpu.vector_load %arg6[%swap3A_259] {strides = array<i32>} : memref<640xf32, #tpu.memory_space<vmem>>, vector<16xf32>,
    %swap3A_261 = vector.shape_cast %swap3A_260 : vector<16xf32> to vector<16xf32>
    %swap3A_262 = vector.shape_cast %broadcast_in_dim3A_258 : vector<16xf32> to vector<16xf32>
    tpu.vector_store %arg6[%swap3A_259], %swap3A_262 {strides = array<i32>} : memref<640xf32, #tpu.memory_space<vmem>>, vector<16xf32>,
    %broadcast_in_dim3A_263 = arith.constant 0.000000e+00 : f32
    %broadcast_in_dim3A_264 = vector.broadcast %broadcast_in_dim3A_263 : f32 to vector<16xf32>
    %swap3A_265 = arith.constant 576 : index
    %swap3A_266 = tpu.vector_load %arg6[%swap3A_265] {strides = array<i32>} : memref<640xf32, #tpu.memory_space<vmem>>, vector<16xf32>,
    %swap3A_267 = vector.shape_cast %swap3A_266 : vector<16xf32> to vector<16xf32>
    %swap3A_268 = vector.shape_cast %broadcast_in_dim3A_264 : vector<16xf32> to vector<16xf32>
    tpu.vector_store %arg6[%swap3A_265], %swap3A_268 {strides = array<i32>} : memref<640xf32, #tpu.memory_space<vmem>>, vector<16xf32>,
    %broadcast_in_dim3A_269 = arith.constant 0.000000e+00 : f32
    %broadcast_in_dim3A_270 = vector.broadcast %broadcast_in_dim3A_269 : f32 to vector<16xf32>
    %swap3A_271 = arith.constant 592 : index
    %swap3A_272 = tpu.vector_load %arg6[%swap3A_271] {strides = array<i32>} : memref<640xf32, #tpu.memory_space<vmem>>, vector<16xf32>,
    %swap3A_273 = vector.shape_cast %swap3A_272 : vector<16xf32> to vector<16xf32>
    %swap3A_274 = vector.shape_cast %broadcast_in_dim3A_270 : vector<16xf32> to vector<16xf32>
    tpu.vector_store %arg6[%swap3A_271], %swap3A_274 {strides = array<i32>} : memref<640xf32, #tpu.memory_space<vmem>>, vector<16xf32>,
    %broadcast_in_dim3A_275 = arith.constant 0.000000e+00 : f32
    %broadcast_in_dim3A_276 = vector.broadcast %broadcast_in_dim3A_275 : f32 to vector<16xf32>
    %swap3A_277 = arith.constant 608 : index
    %swap3A_278 = tpu.vector_load %arg6[%swap3A_277] {strides = array<i32>} : memref<640xf32, #tpu.memory_space<vmem>>, vector<16xf32>,
    %swap3A_279 = vector.shape_cast %swap3A_278 : vector<16xf32> to vector<16xf32>
    %swap3A_280 = vector.shape_cast %broadcast_in_dim3A_276 : vector<16xf32> to vector<16xf32>
    tpu.vector_store %arg6[%swap3A_277], %swap3A_280 {strides = array<i32>} : memref<640xf32, #tpu.memory_space<vmem>>, vector<16xf32>,
    %broadcast_in_dim3A_281 = arith.constant 0.000000e+00 : f32
    %broadcast_in_dim3A_282 = vector.broadcast %broadcast_in_dim3A_281 : f32 to vector<16xf32>
    %swap3A_283 = arith.constant 624 : index
    %swap3A_284 = tpu.vector_load %arg6[%swap3A_283] {strides = array<i32>} : memref<640xf32, #tpu.memory_space<vmem>>, vector<16xf32>,
    %swap3A_285 = vector.shape_cast %swap3A_284 : vector<16xf32> to vector<16xf32>
    %swap3A_286 = vector.shape_cast %broadcast_in_dim3A_282 : vector<16xf32> to vector<16xf32>
    tpu.vector_store %arg6[%swap3A_283], %swap3A_286 {strides = array<i32>} : memref<640xf32, #tpu.memory_space<vmem>>, vector<16xf32>,
    %mul3A_287 = arith.constant 80 : i32
    %mul3A_288 = arith.muli %add3A, %mul3A_287 : i32
    "tpu.region"() ({
      %run_scoped3A = tpu.sem_alloc : memref<!tpu.dma_semaphore, #tpu.memory_space<semaphore_mem>>
      %dma_start3A = arith.constant 0 : i32
      %dma_start3A_307 = tpu.memref_slice %arg2[%mul3A_288, %dma_start3A] : memref<2560x128xi32, #tpu.memory_space<hbm>> -> memref<80x128xi32, #tpu.memory_space<hbm>>
      %dma_start3A_308 = arith.constant 0 : i32
      %dma_start3A_309 = tpu.memref_slice %arg2[%mul3A_288, %dma_start3A_308] : memref<2560x128xi32, #tpu.memory_space<hbm>> -> memref<80x128xi32, #tpu.memory_space<hbm>>
      tpu.enqueue_dma source(%dma_start3A_309 : memref<80x128xi32, #tpu.memory_space<hbm>>) target(%arg4 : memref<80x128xi32, #tpu.memory_space<vmem>>) target_semaphore(%run_scoped3A : memref<!tpu.dma_semaphore, #tpu.memory_space<semaphore_mem>>)
      %dma_wait3A = arith.constant 0 : i32
      %dma_wait3A_310 = tpu.memref_slice %arg2[%mul3A_288, %dma_wait3A] : memref<2560x128xi32, #tpu.memory_space<hbm>> -> memref<80x128xi32, #tpu.memory_space<hbm>>
      %dma_wait3A_311 = arith.constant 0 : i32
      %dma_wait3A_312 = tpu.memref_slice %arg2[%mul3A_288, %dma_wait3A_311] : memref<2560x128xi32, #tpu.memory_space<hbm>> -> memref<80x128xi32, #tpu.memory_space<hbm>>
      tpu.wait_dma2 semaphore(%run_scoped3A : memref<!tpu.dma_semaphore, #tpu.memory_space<semaphore_mem>>) src(%dma_wait3A_312 : memref<80x128xi32, #tpu.memory_space<hbm>>) dst(%arg4 : memref<80x128xi32, #tpu.memory_space<vmem>>)
      tpu.yield
    }) : () -> ()
    %mul3A_289 = arith.constant 640 : i32
    %mul3A_290 = arith.muli %arg1, %mul3A_289 : i32
    "tpu.region"() ({
      %run_scoped3A = tpu.sem_alloc : memref<!tpu.dma_semaphore, #tpu.memory_space<semaphore_mem>>
      %dma_start3A = tpu.memref_slice %arg7[%mul3A_290] : memref<10240xf32, #tpu.memory_space<vmem_shared>> -> memref<640xf32, #tpu.memory_space<vmem_shared>>
      %dma_start3A_307 = tpu.memref_slice %arg7[%mul3A_290] : memref<10240xf32, #tpu.memory_space<vmem_shared>> -> memref<640xf32, #tpu.memory_space<vmem_shared>>
      tpu.enqueue_dma source(%arg6 : memref<640xf32, #tpu.memory_space<vmem>>) target(%dma_start3A_307 : memref<640xf32, #tpu.memory_space<vmem_shared>>) target_semaphore(%run_scoped3A : memref<!tpu.dma_semaphore, #tpu.memory_space<semaphore_mem>>)
      %dma_wait3A = tpu.memref_slice %arg7[%mul3A_290] : memref<10240xf32, #tpu.memory_space<vmem_shared>> -> memref<640xf32, #tpu.memory_space<vmem_shared>>
      %dma_wait3A_308 = tpu.memref_slice %arg7[%mul3A_290] : memref<10240xf32, #tpu.memory_space<vmem_shared>> -> memref<640xf32, #tpu.memory_space<vmem_shared>>
      tpu.wait_dma2 semaphore(%run_scoped3A : memref<!tpu.dma_semaphore, #tpu.memory_space<semaphore_mem>>) src(%arg6 : memref<640xf32, #tpu.memory_space<vmem>>) dst(%dma_wait3A_308 : memref<640xf32, #tpu.memory_space<vmem_shared>>)
      tpu.yield
    }) : () -> ()
    %barrier3A = arith.constant 0 : index
    tpu.barrier barrier_id(%barrier3A)
    %scan3A = arith.constant 0 : i32
    %scan3A_291 = arith.constant 0 : i32
    %scan3A_292 = arith.constant 80 : i32
    %scan3A_293 = arith.addi %scan3A_291, %scan3A_292 : i32
    %scan3A_294 = arith.constant 1 : i32
    scf.for %scan3A_307 = %scan3A_291 to %scan3A_293 step %scan3A_294  : i32 {
      %dma_start3A = arith.constant 0 : i32
      %dma_start3A_308 = tpu.memref_slice %arg4[%scan3A_307, %dma_start3A] : memref<80x128xi32, #tpu.memory_space<vmem>> -> memref<1x128xi32, #tpu.memory_space<vmem>>
      %dma_start3A_309 = tpu.memref_squeeze %dma_start3A_308 : memref<1x128xi32, #tpu.memory_space<vmem>> -> memref<128xi32, #tpu.memory_space<vmem>>
      %dma_start3A_310 = arith.constant 0 : i32
      %dma_start3A_311 = tpu.memref_slice %arg7[%dma_start3A_310] : memref<10240xf32, #tpu.memory_space<vmem_shared>> -> memref<10240xf32, #tpu.memory_space<vmem_shared>>
      tpu.enqueue_indirect_dma source(%arg5 : memref<128xf32, #tpu.memory_space<vmem>>) target(%dma_start3A_311 : memref<10240xf32, #tpu.memory_space<vmem_shared>>) offsets(%dma_start3A_309 : memref<128xi32, #tpu.memory_space<vmem>>) semaphore(%arg8 : memref<!tpu.dma_semaphore, #tpu.memory_space<semaphore_mem>>) {add = true}
    }
    %scan3A_295 = arith.constant 80 : i32
    %scan3A_296 = arith.constant 0 : i32
    %scan3A_297 = arith.constant 0 : i32
    %scan3A_298 = arith.constant 80 : i32
    %scan3A_299 = arith.addi %scan3A_297, %scan3A_298 : i32
    %scan3A_300 = arith.constant 1 : i32
    scf.for %scan3A_307 = %scan3A_297 to %scan3A_299 step %scan3A_300  : i32 {
      %dma_wait3A = arith.constant 0 : i32
      %dma_wait3A_308 = tpu.memref_slice %arg4[%scan3A_307, %dma_wait3A] : memref<80x128xi32, #tpu.memory_space<vmem>> -> memref<1x128xi32, #tpu.memory_space<vmem>>
      %dma_wait3A_309 = tpu.memref_squeeze %dma_wait3A_308 : memref<1x128xi32, #tpu.memory_space<vmem>> -> memref<128xi32, #tpu.memory_space<vmem>>
      %dma_wait3A_310 = arith.constant 0 : i32
      %dma_wait3A_311 = tpu.memref_slice %arg7[%dma_wait3A_310] : memref<10240xf32, #tpu.memory_space<vmem_shared>> -> memref<10240xf32, #tpu.memory_space<vmem_shared>>
      tpu.wait_indirect_dma semaphore(%arg8 : memref<!tpu.dma_semaphore, #tpu.memory_space<semaphore_mem>>) src(%arg5 : memref<128xf32, #tpu.memory_space<vmem>>) dst(%dma_wait3A_311 : memref<10240xf32, #tpu.memory_space<vmem_shared>>)
    }
    %scan3A_301 = arith.constant 80 : i32
    %barrier3A_302 = arith.constant 0 : index
    tpu.barrier barrier_id(%barrier3A_302)
    %mul3A_303 = arith.constant 640 : i32
    %mul3A_304 = arith.muli %arg1, %mul3A_303 : i32
    %mul3A_305 = arith.constant 640 : i32
    %mul3A_306 = arith.muli %arg1, %mul3A_305 : i32
    "tpu.region"() ({
      %run_scoped3A = tpu.sem_alloc : memref<!tpu.dma_semaphore, #tpu.memory_space<semaphore_mem>>
      %dma_start3A = tpu.memref_slice %arg3[%arg0, %mul3A_306] : memref<2x10240xf32, #tpu.memory_space<hbm>> -> memref<1x640xf32, #tpu.memory_space<hbm>>
      %dma_start3A_307 = tpu.memref_squeeze %dma_start3A : memref<1x640xf32, #tpu.memory_space<hbm>> -> memref<640xf32, #tpu.memory_space<hbm>>
      %dma_start3A_308 = tpu.memref_slice %arg7[%mul3A_304] : memref<10240xf32, #tpu.memory_space<vmem_shared>> -> memref<640xf32, #tpu.memory_space<vmem_shared>>
      tpu.enqueue_dma source(%dma_start3A_308 : memref<640xf32, #tpu.memory_space<vmem_shared>>) target(%dma_start3A_307 : memref<640xf32, #tpu.memory_space<hbm>>) target_semaphore(%run_scoped3A : memref<!tpu.dma_semaphore, #tpu.memory_space<semaphore_mem>>)
      %dma_wait3A = tpu.memref_slice %arg3[%arg0, %mul3A_306] : memref<2x10240xf32, #tpu.memory_space<hbm>> -> memref<1x640xf32, #tpu.memory_space<hbm>>
      %dma_wait3A_309 = tpu.memref_squeeze %dma_wait3A : memref<1x640xf32, #tpu.memory_space<hbm>> -> memref<640xf32, #tpu.memory_space<hbm>>
      %dma_wait3A_310 = tpu.memref_slice %arg7[%mul3A_304] : memref<10240xf32, #tpu.memory_space<vmem_shared>> -> memref<640xf32, #tpu.memory_space<vmem_shared>>
      tpu.wait_dma2 semaphore(%run_scoped3A : memref<!tpu.dma_semaphore, #tpu.memory_space<semaphore_mem>>) src(%dma_wait3A_310 : memref<640xf32, #tpu.memory_space<vmem_shared>>) dst(%dma_wait3A_309 : memref<640xf32, #tpu.memory_space<hbm>>)
      tpu.yield
    }) : () -> ()
    return
  }
}

#map = affine_map<(d0, d1) -> (0, 0)>
#map1 = affine_map<(d0, d1) -> (0, 0, 0)>
module attributes {stable_mosaic.version = 14 : i64} {
  func.func @prop_kernel(%arg0: i32, %arg1: i32, %arg2: memref<2568x128xi32, #tpu.memory_space<hbm>>, %arg3: memref<2560x128xi32, #tpu.memory_space<hbm>>, %arg4: memref<10240x128xf32, #tpu.memory_space<hbm>>, %arg5: memref<10240x128xf32, #tpu.memory_space<hbm>>, %arg6: memref<2x10240x128xf32, #tpu.memory_space<hbm>>, %arg7: memref<40x128xi32, #tpu.memory_space<vmem>>, %arg8: memref<40x128xi32, #tpu.memory_space<vmem>>, %arg9: memref<256x128xf32, #tpu.memory_space<vmem>>, %arg10: memref<10240x128xf32, #tpu.memory_space<vmem_shared>>, %arg11: memref<!tpu.dma_semaphore, #tpu.memory_space<semaphore_mem>>, %arg12: memref<!tpu.dma_semaphore, #tpu.memory_space<semaphore_mem>>) attributes {dimension_semantics = [#tpu.dimension_semantics<core_parallel>, #tpu.dimension_semantics<subcore_parallel>], iteration_bounds = array<i64: 2, 16>, scalar_prefetch = 0 : i64, scratch_operands = 6 : i64, tpu.core_type = #tpu.core_type<sc_vector_subcore>, window_params = [{transform_indices = #map}, {transform_indices = #map}, {transform_indices = #map}, {transform_indices = #map}, {transform_indices = #map1}]} {
    %mul3A = arith.constant 16 : i32
    %mul3A_0 = arith.muli %arg0, %mul3A : i32
    %add3A = arith.addi %mul3A_0, %arg1 : i32
    %mul3A_1 = arith.constant 640 : i32
    %mul3A_2 = arith.muli %arg1, %mul3A_1 : i32
    "tpu.region"() ({
      %run_scoped3A = tpu.sem_alloc : memref<!tpu.dma_semaphore, #tpu.memory_space<semaphore_mem>>
      %dma_start3A_62 = arith.constant 0 : i32
      %dma_start3A_63 = tpu.memref_slice %arg10[%mul3A_2, %dma_start3A_62] : memref<10240x128xf32, #tpu.memory_space<vmem_shared>> -> memref<640x128xf32, #tpu.memory_space<vmem_shared>>
      %dma_start3A_64 = arith.constant 0 : i32
      %dma_start3A_65 = tpu.memref_slice %arg5[%mul3A_2, %dma_start3A_64] : memref<10240x128xf32, #tpu.memory_space<hbm>> -> memref<640x128xf32, #tpu.memory_space<hbm>>
      tpu.enqueue_dma source(%dma_start3A_65 : memref<640x128xf32, #tpu.memory_space<hbm>>) target(%dma_start3A_63 : memref<640x128xf32, #tpu.memory_space<vmem_shared>>) target_semaphore(%run_scoped3A : memref<!tpu.dma_semaphore, #tpu.memory_space<semaphore_mem>>)
      %dma_wait3A = arith.constant 0 : i32
      %dma_wait3A_66 = tpu.memref_slice %arg10[%mul3A_2, %dma_wait3A] : memref<10240x128xf32, #tpu.memory_space<vmem_shared>> -> memref<640x128xf32, #tpu.memory_space<vmem_shared>>
      %dma_wait3A_67 = arith.constant 0 : i32
      %dma_wait3A_68 = tpu.memref_slice %arg5[%mul3A_2, %dma_wait3A_67] : memref<10240x128xf32, #tpu.memory_space<hbm>> -> memref<640x128xf32, #tpu.memory_space<hbm>>
      tpu.wait_dma2 semaphore(%run_scoped3A : memref<!tpu.dma_semaphore, #tpu.memory_space<semaphore_mem>>) src(%dma_wait3A_68 : memref<640x128xf32, #tpu.memory_space<hbm>>) dst(%dma_wait3A_66 : memref<640x128xf32, #tpu.memory_space<vmem_shared>>)
      tpu.yield
    }) : () -> ()
    %barrier3A = arith.constant 0 : index
    tpu.barrier barrier_id(%barrier3A)
    %mul3A_3 = arith.constant 80 : i32
    %mul3A_4 = arith.muli %add3A, %mul3A_3 : i32
    %add3A_5 = arith.constant 0 : i32
    %add3A_6 = arith.addi %mul3A_4, %add3A_5 : i32
    "tpu.region"() ({
      %run_scoped3A = tpu.sem_alloc : memref<!tpu.dma_semaphore, #tpu.memory_space<semaphore_mem>>
      %dma_start3A_62 = arith.constant 0 : i32
      %dma_start3A_63 = tpu.memref_slice %arg2[%add3A_6, %dma_start3A_62] : memref<2568x128xi32, #tpu.memory_space<hbm>> -> memref<40x128xi32, #tpu.memory_space<hbm>>
      %dma_start3A_64 = arith.constant 0 : i32
      %dma_start3A_65 = tpu.memref_slice %arg2[%add3A_6, %dma_start3A_64] : memref<2568x128xi32, #tpu.memory_space<hbm>> -> memref<40x128xi32, #tpu.memory_space<hbm>>
      tpu.enqueue_dma source(%dma_start3A_65 : memref<40x128xi32, #tpu.memory_space<hbm>>) target(%arg7 : memref<40x128xi32, #tpu.memory_space<vmem>>) target_semaphore(%run_scoped3A : memref<!tpu.dma_semaphore, #tpu.memory_space<semaphore_mem>>)
      %dma_wait3A = arith.constant 0 : i32
      %dma_wait3A_66 = tpu.memref_slice %arg2[%add3A_6, %dma_wait3A] : memref<2568x128xi32, #tpu.memory_space<hbm>> -> memref<40x128xi32, #tpu.memory_space<hbm>>
      %dma_wait3A_67 = arith.constant 0 : i32
      %dma_wait3A_68 = tpu.memref_slice %arg2[%add3A_6, %dma_wait3A_67] : memref<2568x128xi32, #tpu.memory_space<hbm>> -> memref<40x128xi32, #tpu.memory_space<hbm>>
      tpu.wait_dma2 semaphore(%run_scoped3A : memref<!tpu.dma_semaphore, #tpu.memory_space<semaphore_mem>>) src(%dma_wait3A_68 : memref<40x128xi32, #tpu.memory_space<hbm>>) dst(%arg7 : memref<40x128xi32, #tpu.memory_space<vmem>>)
      tpu.yield
    }) : () -> ()
    "tpu.region"() ({
      %run_scoped3A = tpu.sem_alloc : memref<!tpu.dma_semaphore, #tpu.memory_space<semaphore_mem>>
      %dma_start3A_62 = arith.constant 0 : i32
      %dma_start3A_63 = tpu.memref_slice %arg3[%add3A_6, %dma_start3A_62] : memref<2560x128xi32, #tpu.memory_space<hbm>> -> memref<40x128xi32, #tpu.memory_space<hbm>>
      %dma_start3A_64 = arith.constant 0 : i32
      %dma_start3A_65 = tpu.memref_slice %arg3[%add3A_6, %dma_start3A_64] : memref<2560x128xi32, #tpu.memory_space<hbm>> -> memref<40x128xi32, #tpu.memory_space<hbm>>
      tpu.enqueue_dma source(%dma_start3A_65 : memref<40x128xi32, #tpu.memory_space<hbm>>) target(%arg8 : memref<40x128xi32, #tpu.memory_space<vmem>>) target_semaphore(%run_scoped3A : memref<!tpu.dma_semaphore, #tpu.memory_space<semaphore_mem>>)
      %dma_wait3A = arith.constant 0 : i32
      %dma_wait3A_66 = tpu.memref_slice %arg3[%add3A_6, %dma_wait3A] : memref<2560x128xi32, #tpu.memory_space<hbm>> -> memref<40x128xi32, #tpu.memory_space<hbm>>
      %dma_wait3A_67 = arith.constant 0 : i32
      %dma_wait3A_68 = tpu.memref_slice %arg3[%add3A_6, %dma_wait3A_67] : memref<2560x128xi32, #tpu.memory_space<hbm>> -> memref<40x128xi32, #tpu.memory_space<hbm>>
      tpu.wait_dma2 semaphore(%run_scoped3A : memref<!tpu.dma_semaphore, #tpu.memory_space<semaphore_mem>>) src(%dma_wait3A_68 : memref<40x128xi32, #tpu.memory_space<hbm>>) dst(%arg8 : memref<40x128xi32, #tpu.memory_space<vmem>>)
      tpu.yield
    }) : () -> ()
    %dma_start3A = arith.constant 0 : i32
    %dma_start3A_7 = arith.constant 0 : i32
    %dma_start3A_8 = arith.constant 0 : i32
    %dma_start3A_9 = tpu.memref_slice %arg9[%dma_start3A_7, %dma_start3A_8] : memref<256x128xf32, #tpu.memory_space<vmem>> -> memref<128x128xf32, #tpu.memory_space<vmem>>
    %dma_start3A_10 = arith.constant 0 : i32
    %dma_start3A_11 = tpu.memref_slice %arg7[%dma_start3A, %dma_start3A_10] : memref<40x128xi32, #tpu.memory_space<vmem>> -> memref<1x128xi32, #tpu.memory_space<vmem>>
    %dma_start3A_12 = tpu.memref_squeeze %dma_start3A_11 : memref<1x128xi32, #tpu.memory_space<vmem>> -> memref<128xi32, #tpu.memory_space<vmem>>
    %dma_start3A_13 = arith.constant 0 : i32
    %dma_start3A_14 = arith.constant 0 : i32
    %dma_start3A_15 = tpu.memref_slice %arg4[%dma_start3A_13, %dma_start3A_14] : memref<10240x128xf32, #tpu.memory_space<hbm>> -> memref<10240x128xf32, #tpu.memory_space<hbm>>
    tpu.enqueue_indirect_dma source(%dma_start3A_15 : memref<10240x128xf32, #tpu.memory_space<hbm>>) target(%dma_start3A_9 : memref<128x128xf32, #tpu.memory_space<vmem>>) offsets(%dma_start3A_12 : memref<128xi32, #tpu.memory_space<vmem>>) semaphore(%arg11 : memref<!tpu.dma_semaphore, #tpu.memory_space<semaphore_mem>>)
    %dma_start3A_16 = arith.constant 1 : i32
    %dma_start3A_17 = arith.constant 128 : i32
    %dma_start3A_18 = arith.constant 0 : i32
    %dma_start3A_19 = tpu.memref_slice %arg9[%dma_start3A_17, %dma_start3A_18] : memref<256x128xf32, #tpu.memory_space<vmem>> -> memref<128x128xf32, #tpu.memory_space<vmem>>
    %dma_start3A_20 = arith.constant 0 : i32
    %dma_start3A_21 = tpu.memref_slice %arg7[%dma_start3A_16, %dma_start3A_20] : memref<40x128xi32, #tpu.memory_space<vmem>> -> memref<1x128xi32, #tpu.memory_space<vmem>>
    %dma_start3A_22 = tpu.memref_squeeze %dma_start3A_21 : memref<1x128xi32, #tpu.memory_space<vmem>> -> memref<128xi32, #tpu.memory_space<vmem>>
    %dma_start3A_23 = arith.constant 0 : i32
    %dma_start3A_24 = arith.constant 0 : i32
    %dma_start3A_25 = tpu.memref_slice %arg4[%dma_start3A_23, %dma_start3A_24] : memref<10240x128xf32, #tpu.memory_space<hbm>> -> memref<10240x128xf32, #tpu.memory_space<hbm>>
    tpu.enqueue_indirect_dma source(%dma_start3A_25 : memref<10240x128xf32, #tpu.memory_space<hbm>>) target(%dma_start3A_19 : memref<128x128xf32, #tpu.memory_space<vmem>>) offsets(%dma_start3A_22 : memref<128xi32, #tpu.memory_space<vmem>>) semaphore(%arg12 : memref<!tpu.dma_semaphore, #tpu.memory_space<semaphore_mem>>)
    %scan3A = arith.constant 0 : i32
    %scan3A_26 = arith.constant 0 : i32
    %scan3A_27 = arith.constant 20 : i32
    %scan3A_28 = arith.addi %scan3A_26, %scan3A_27 : i32
    %scan3A_29 = arith.constant 1 : i32
    scf.for %scan3A_62 = %scan3A_26 to %scan3A_28 step %scan3A_29  : i32 {
      %mul3A_63 = arith.constant 2 : i32
      %mul3A_64 = arith.muli %scan3A_62, %mul3A_63 : i32
      %add3A_65 = arith.constant 0 : i32
      %add3A_66 = arith.addi %mul3A_64, %add3A_65 : i32
      %dma_wait3A = arith.constant 0 : i32
      %dma_wait3A_67 = arith.constant 0 : i32
      %dma_wait3A_68 = tpu.memref_slice %arg9[%dma_wait3A, %dma_wait3A_67] : memref<256x128xf32, #tpu.memory_space<vmem>> -> memref<128x128xf32, #tpu.memory_space<vmem>>
      %dma_wait3A_69 = arith.constant 0 : i32
      %dma_wait3A_70 = tpu.memref_slice %arg7[%add3A_66, %dma_wait3A_69] : memref<40x128xi32, #tpu.memory_space<vmem>> -> memref<1x128xi32, #tpu.memory_space<vmem>>
      %dma_wait3A_71 = tpu.memref_squeeze %dma_wait3A_70 : memref<1x128xi32, #tpu.memory_space<vmem>> -> memref<128xi32, #tpu.memory_space<vmem>>
      %dma_wait3A_72 = arith.constant 0 : i32
      %dma_wait3A_73 = arith.constant 0 : i32
      %dma_wait3A_74 = tpu.memref_slice %arg4[%dma_wait3A_72, %dma_wait3A_73] : memref<10240x128xf32, #tpu.memory_space<hbm>> -> memref<10240x128xf32, #tpu.memory_space<hbm>>
      tpu.wait_indirect_dma semaphore(%arg11 : memref<!tpu.dma_semaphore, #tpu.memory_space<semaphore_mem>>) src(%dma_wait3A_74 : memref<10240x128xf32, #tpu.memory_space<hbm>>) dst(%dma_wait3A_68 : memref<128x128xf32, #tpu.memory_space<vmem>>)
      "tpu.region"() ({
        %run_scoped3A = tpu.sem_alloc : memref<!tpu.dma_semaphore, #tpu.memory_space<semaphore_mem>>
        %dma_start3A_99 = arith.constant 0 : i32
        %dma_start3A_100 = arith.constant 0 : i32
        %dma_start3A_101 = tpu.memref_slice %arg9[%dma_start3A_99, %dma_start3A_100] : memref<256x128xf32, #tpu.memory_space<vmem>> -> memref<128x128xf32, #tpu.memory_space<vmem>>
        %dma_start3A_102 = arith.constant 0 : i32
        %dma_start3A_103 = tpu.memref_slice %arg8[%add3A_66, %dma_start3A_102] : memref<40x128xi32, #tpu.memory_space<vmem>> -> memref<1x128xi32, #tpu.memory_space<vmem>>
        %dma_start3A_104 = tpu.memref_squeeze %dma_start3A_103 : memref<1x128xi32, #tpu.memory_space<vmem>> -> memref<128xi32, #tpu.memory_space<vmem>>
        %dma_start3A_105 = arith.constant 0 : i32
        %dma_start3A_106 = arith.constant 0 : i32
        %dma_start3A_107 = tpu.memref_slice %arg10[%dma_start3A_105, %dma_start3A_106] : memref<10240x128xf32, #tpu.memory_space<vmem_shared>> -> memref<10240x128xf32, #tpu.memory_space<vmem_shared>>
        tpu.enqueue_indirect_dma source(%dma_start3A_101 : memref<128x128xf32, #tpu.memory_space<vmem>>) target(%dma_start3A_107 : memref<10240x128xf32, #tpu.memory_space<vmem_shared>>) offsets(%dma_start3A_104 : memref<128xi32, #tpu.memory_space<vmem>>) semaphore(%run_scoped3A : memref<!tpu.dma_semaphore, #tpu.memory_space<semaphore_mem>>) {add = true}
        %dma_wait3A_108 = arith.constant 0 : i32
        %dma_wait3A_109 = arith.constant 0 : i32
        %dma_wait3A_110 = tpu.memref_slice %arg9[%dma_wait3A_108, %dma_wait3A_109] : memref<256x128xf32, #tpu.memory_space<vmem>> -> memref<128x128xf32, #tpu.memory_space<vmem>>
        %dma_wait3A_111 = arith.constant 0 : i32
        %dma_wait3A_112 = tpu.memref_slice %arg8[%add3A_66, %dma_wait3A_111] : memref<40x128xi32, #tpu.memory_space<vmem>> -> memref<1x128xi32, #tpu.memory_space<vmem>>
        %dma_wait3A_113 = tpu.memref_squeeze %dma_wait3A_112 : memref<1x128xi32, #tpu.memory_space<vmem>> -> memref<128xi32, #tpu.memory_space<vmem>>
        %dma_wait3A_114 = arith.constant 0 : i32
        %dma_wait3A_115 = arith.constant 0 : i32
        %dma_wait3A_116 = tpu.memref_slice %arg10[%dma_wait3A_114, %dma_wait3A_115] : memref<10240x128xf32, #tpu.memory_space<vmem_shared>> -> memref<10240x128xf32, #tpu.memory_space<vmem_shared>>
        tpu.wait_indirect_dma semaphore(%run_scoped3A : memref<!tpu.dma_semaphore, #tpu.memory_space<semaphore_mem>>) src(%dma_wait3A_110 : memref<128x128xf32, #tpu.memory_space<vmem>>) dst(%dma_wait3A_116 : memref<10240x128xf32, #tpu.memory_space<vmem_shared>>)
        tpu.yield
      }) : () -> ()
      %add3A_75 = arith.constant 2 : i32
      %add3A_76 = arith.addi %add3A_66, %add3A_75 : i32
      %lt3A = arith.constant 40 : i32
      %lt3A_77 = arith.cmpi slt, %add3A_76, %lt3A : i32
      %convert_element_type3A = arith.extui %lt3A_77 : i1 to i32
      %cond3A = arith.constant 0 : i32
      %cond3A_78 = arith.cmpi ne, %convert_element_type3A, %cond3A : i32
      scf.if %cond3A_78 {
        %add3A_99 = arith.constant 2 : i32
        %add3A_100 = arith.addi %add3A_66, %add3A_99 : i32
        %dma_start3A_101 = arith.constant 0 : i32
        %dma_start3A_102 = arith.constant 0 : i32
        %dma_start3A_103 = tpu.memref_slice %arg9[%dma_start3A_101, %dma_start3A_102] : memref<256x128xf32, #tpu.memory_space<vmem>> -> memref<128x128xf32, #tpu.memory_space<vmem>>
        %dma_start3A_104 = arith.constant 0 : i32
        %dma_start3A_105 = tpu.memref_slice %arg7[%add3A_100, %dma_start3A_104] : memref<40x128xi32, #tpu.memory_space<vmem>> -> memref<1x128xi32, #tpu.memory_space<vmem>>
        %dma_start3A_106 = tpu.memref_squeeze %dma_start3A_105 : memref<1x128xi32, #tpu.memory_space<vmem>> -> memref<128xi32, #tpu.memory_space<vmem>>
        %dma_start3A_107 = arith.constant 0 : i32
        %dma_start3A_108 = arith.constant 0 : i32
        %dma_start3A_109 = tpu.memref_slice %arg4[%dma_start3A_107, %dma_start3A_108] : memref<10240x128xf32, #tpu.memory_space<hbm>> -> memref<10240x128xf32, #tpu.memory_space<hbm>>
        tpu.enqueue_indirect_dma source(%dma_start3A_109 : memref<10240x128xf32, #tpu.memory_space<hbm>>) target(%dma_start3A_103 : memref<128x128xf32, #tpu.memory_space<vmem>>) offsets(%dma_start3A_106 : memref<128xi32, #tpu.memory_space<vmem>>) semaphore(%arg11 : memref<!tpu.dma_semaphore, #tpu.memory_space<semaphore_mem>>)
      } else {
      }
      %mul3A_79 = arith.constant 2 : i32
      %mul3A_80 = arith.muli %scan3A_62, %mul3A_79 : i32
      %add3A_81 = arith.constant 1 : i32
      %add3A_82 = arith.addi %mul3A_80, %add3A_81 : i32
      %dma_wait3A_83 = arith.constant 128 : i32
      %dma_wait3A_84 = arith.constant 0 : i32
      %dma_wait3A_85 = tpu.memref_slice %arg9[%dma_wait3A_83, %dma_wait3A_84] : memref<256x128xf32, #tpu.memory_space<vmem>> -> memref<128x128xf32, #tpu.memory_space<vmem>>
      %dma_wait3A_86 = arith.constant 0 : i32
      %dma_wait3A_87 = tpu.memref_slice %arg7[%add3A_82, %dma_wait3A_86] : memref<40x128xi32, #tpu.memory_space<vmem>> -> memref<1x128xi32, #tpu.memory_space<vmem>>
      %dma_wait3A_88 = tpu.memref_squeeze %dma_wait3A_87 : memref<1x128xi32, #tpu.memory_space<vmem>> -> memref<128xi32, #tpu.memory_space<vmem>>
      %dma_wait3A_89 = arith.constant 0 : i32
      %dma_wait3A_90 = arith.constant 0 : i32
      %dma_wait3A_91 = tpu.memref_slice %arg4[%dma_wait3A_89, %dma_wait3A_90] : memref<10240x128xf32, #tpu.memory_space<hbm>> -> memref<10240x128xf32, #tpu.memory_space<hbm>>
      tpu.wait_indirect_dma semaphore(%arg12 : memref<!tpu.dma_semaphore, #tpu.memory_space<semaphore_mem>>) src(%dma_wait3A_91 : memref<10240x128xf32, #tpu.memory_space<hbm>>) dst(%dma_wait3A_85 : memref<128x128xf32, #tpu.memory_space<vmem>>)
      "tpu.region"() ({
        %run_scoped3A = tpu.sem_alloc : memref<!tpu.dma_semaphore, #tpu.memory_space<semaphore_mem>>
        %dma_start3A_99 = arith.constant 128 : i32
        %dma_start3A_100 = arith.constant 0 : i32
        %dma_start3A_101 = tpu.memref_slice %arg9[%dma_start3A_99, %dma_start3A_100] : memref<256x128xf32, #tpu.memory_space<vmem>> -> memref<128x128xf32, #tpu.memory_space<vmem>>
        %dma_start3A_102 = arith.constant 0 : i32
        %dma_start3A_103 = tpu.memref_slice %arg8[%add3A_82, %dma_start3A_102] : memref<40x128xi32, #tpu.memory_space<vmem>> -> memref<1x128xi32, #tpu.memory_space<vmem>>
        %dma_start3A_104 = tpu.memref_squeeze %dma_start3A_103 : memref<1x128xi32, #tpu.memory_space<vmem>> -> memref<128xi32, #tpu.memory_space<vmem>>
        %dma_start3A_105 = arith.constant 0 : i32
        %dma_start3A_106 = arith.constant 0 : i32
        %dma_start3A_107 = tpu.memref_slice %arg10[%dma_start3A_105, %dma_start3A_106] : memref<10240x128xf32, #tpu.memory_space<vmem_shared>> -> memref<10240x128xf32, #tpu.memory_space<vmem_shared>>
        tpu.enqueue_indirect_dma source(%dma_start3A_101 : memref<128x128xf32, #tpu.memory_space<vmem>>) target(%dma_start3A_107 : memref<10240x128xf32, #tpu.memory_space<vmem_shared>>) offsets(%dma_start3A_104 : memref<128xi32, #tpu.memory_space<vmem>>) semaphore(%run_scoped3A : memref<!tpu.dma_semaphore, #tpu.memory_space<semaphore_mem>>) {add = true}
        %dma_wait3A_108 = arith.constant 128 : i32
        %dma_wait3A_109 = arith.constant 0 : i32
        %dma_wait3A_110 = tpu.memref_slice %arg9[%dma_wait3A_108, %dma_wait3A_109] : memref<256x128xf32, #tpu.memory_space<vmem>> -> memref<128x128xf32, #tpu.memory_space<vmem>>
        %dma_wait3A_111 = arith.constant 0 : i32
        %dma_wait3A_112 = tpu.memref_slice %arg8[%add3A_82, %dma_wait3A_111] : memref<40x128xi32, #tpu.memory_space<vmem>> -> memref<1x128xi32, #tpu.memory_space<vmem>>
        %dma_wait3A_113 = tpu.memref_squeeze %dma_wait3A_112 : memref<1x128xi32, #tpu.memory_space<vmem>> -> memref<128xi32, #tpu.memory_space<vmem>>
        %dma_wait3A_114 = arith.constant 0 : i32
        %dma_wait3A_115 = arith.constant 0 : i32
        %dma_wait3A_116 = tpu.memref_slice %arg10[%dma_wait3A_114, %dma_wait3A_115] : memref<10240x128xf32, #tpu.memory_space<vmem_shared>> -> memref<10240x128xf32, #tpu.memory_space<vmem_shared>>
        tpu.wait_indirect_dma semaphore(%run_scoped3A : memref<!tpu.dma_semaphore, #tpu.memory_space<semaphore_mem>>) src(%dma_wait3A_110 : memref<128x128xf32, #tpu.memory_space<vmem>>) dst(%dma_wait3A_116 : memref<10240x128xf32, #tpu.memory_space<vmem_shared>>)
        tpu.yield
      }) : () -> ()
      %add3A_92 = arith.constant 2 : i32
      %add3A_93 = arith.addi %add3A_82, %add3A_92 : i32
      %lt3A_94 = arith.constant 40 : i32
      %lt3A_95 = arith.cmpi slt, %add3A_93, %lt3A_94 : i32
      %convert_element_type3A_96 = arith.extui %lt3A_95 : i1 to i32
      %cond3A_97 = arith.constant 0 : i32
      %cond3A_98 = arith.cmpi ne, %convert_element_type3A_96, %cond3A_97 : i32
      scf.if %cond3A_98 {
        %add3A_99 = arith.constant 2 : i32
        %add3A_100 = arith.addi %add3A_82, %add3A_99 : i32
        %dma_start3A_101 = arith.constant 128 : i32
        %dma_start3A_102 = arith.constant 0 : i32
        %dma_start3A_103 = tpu.memref_slice %arg9[%dma_start3A_101, %dma_start3A_102] : memref<256x128xf32, #tpu.memory_space<vmem>> -> memref<128x128xf32, #tpu.memory_space<vmem>>
        %dma_start3A_104 = arith.constant 0 : i32
        %dma_start3A_105 = tpu.memref_slice %arg7[%add3A_100, %dma_start3A_104] : memref<40x128xi32, #tpu.memory_space<vmem>> -> memref<1x128xi32, #tpu.memory_space<vmem>>
        %dma_start3A_106 = tpu.memref_squeeze %dma_start3A_105 : memref<1x128xi32, #tpu.memory_space<vmem>> -> memref<128xi32, #tpu.memory_space<vmem>>
        %dma_start3A_107 = arith.constant 0 : i32
        %dma_start3A_108 = arith.constant 0 : i32
        %dma_start3A_109 = tpu.memref_slice %arg4[%dma_start3A_107, %dma_start3A_108] : memref<10240x128xf32, #tpu.memory_space<hbm>> -> memref<10240x128xf32, #tpu.memory_space<hbm>>
        tpu.enqueue_indirect_dma source(%dma_start3A_109 : memref<10240x128xf32, #tpu.memory_space<hbm>>) target(%dma_start3A_103 : memref<128x128xf32, #tpu.memory_space<vmem>>) offsets(%dma_start3A_106 : memref<128xi32, #tpu.memory_space<vmem>>) semaphore(%arg12 : memref<!tpu.dma_semaphore, #tpu.memory_space<semaphore_mem>>)
      } else {
      }
    }
    %scan3A_30 = arith.constant 20 : i32
    %mul3A_31 = arith.constant 80 : i32
    %mul3A_32 = arith.muli %add3A, %mul3A_31 : i32
    %add3A_33 = arith.constant 40 : i32
    %add3A_34 = arith.addi %mul3A_32, %add3A_33 : i32
    "tpu.region"() ({
      %run_scoped3A = tpu.sem_alloc : memref<!tpu.dma_semaphore, #tpu.memory_space<semaphore_mem>>
      %dma_start3A_62 = arith.constant 0 : i32
      %dma_start3A_63 = tpu.memref_slice %arg2[%add3A_34, %dma_start3A_62] : memref<2568x128xi32, #tpu.memory_space<hbm>> -> memref<40x128xi32, #tpu.memory_space<hbm>>
      %dma_start3A_64 = arith.constant 0 : i32
      %dma_start3A_65 = tpu.memref_slice %arg2[%add3A_34, %dma_start3A_64] : memref<2568x128xi32, #tpu.memory_space<hbm>> -> memref<40x128xi32, #tpu.memory_space<hbm>>
      tpu.enqueue_dma source(%dma_start3A_65 : memref<40x128xi32, #tpu.memory_space<hbm>>) target(%arg7 : memref<40x128xi32, #tpu.memory_space<vmem>>) target_semaphore(%run_scoped3A : memref<!tpu.dma_semaphore, #tpu.memory_space<semaphore_mem>>)
      %dma_wait3A = arith.constant 0 : i32
      %dma_wait3A_66 = tpu.memref_slice %arg2[%add3A_34, %dma_wait3A] : memref<2568x128xi32, #tpu.memory_space<hbm>> -> memref<40x128xi32, #tpu.memory_space<hbm>>
      %dma_wait3A_67 = arith.constant 0 : i32
      %dma_wait3A_68 = tpu.memref_slice %arg2[%add3A_34, %dma_wait3A_67] : memref<2568x128xi32, #tpu.memory_space<hbm>> -> memref<40x128xi32, #tpu.memory_space<hbm>>
      tpu.wait_dma2 semaphore(%run_scoped3A : memref<!tpu.dma_semaphore, #tpu.memory_space<semaphore_mem>>) src(%dma_wait3A_68 : memref<40x128xi32, #tpu.memory_space<hbm>>) dst(%arg7 : memref<40x128xi32, #tpu.memory_space<vmem>>)
      tpu.yield
    }) : () -> ()
    "tpu.region"() ({
      %run_scoped3A = tpu.sem_alloc : memref<!tpu.dma_semaphore, #tpu.memory_space<semaphore_mem>>
      %dma_start3A_62 = arith.constant 0 : i32
      %dma_start3A_63 = tpu.memref_slice %arg3[%add3A_34, %dma_start3A_62] : memref<2560x128xi32, #tpu.memory_space<hbm>> -> memref<40x128xi32, #tpu.memory_space<hbm>>
      %dma_start3A_64 = arith.constant 0 : i32
      %dma_start3A_65 = tpu.memref_slice %arg3[%add3A_34, %dma_start3A_64] : memref<2560x128xi32, #tpu.memory_space<hbm>> -> memref<40x128xi32, #tpu.memory_space<hbm>>
      tpu.enqueue_dma source(%dma_start3A_65 : memref<40x128xi32, #tpu.memory_space<hbm>>) target(%arg8 : memref<40x128xi32, #tpu.memory_space<vmem>>) target_semaphore(%run_scoped3A : memref<!tpu.dma_semaphore, #tpu.memory_space<semaphore_mem>>)
      %dma_wait3A = arith.constant 0 : i32
      %dma_wait3A_66 = tpu.memref_slice %arg3[%add3A_34, %dma_wait3A] : memref<2560x128xi32, #tpu.memory_space<hbm>> -> memref<40x128xi32, #tpu.memory_space<hbm>>
      %dma_wait3A_67 = arith.constant 0 : i32
      %dma_wait3A_68 = tpu.memref_slice %arg3[%add3A_34, %dma_wait3A_67] : memref<2560x128xi32, #tpu.memory_space<hbm>> -> memref<40x128xi32, #tpu.memory_space<hbm>>
      tpu.wait_dma2 semaphore(%run_scoped3A : memref<!tpu.dma_semaphore, #tpu.memory_space<semaphore_mem>>) src(%dma_wait3A_68 : memref<40x128xi32, #tpu.memory_space<hbm>>) dst(%arg8 : memref<40x128xi32, #tpu.memory_space<vmem>>)
      tpu.yield
    }) : () -> ()
    %dma_start3A_35 = arith.constant 0 : i32
    %dma_start3A_36 = arith.constant 0 : i32
    %dma_start3A_37 = arith.constant 0 : i32
    %dma_start3A_38 = tpu.memref_slice %arg9[%dma_start3A_36, %dma_start3A_37] : memref<256x128xf32, #tpu.memory_space<vmem>> -> memref<128x128xf32, #tpu.memory_space<vmem>>
    %dma_start3A_39 = arith.constant 0 : i32
    %dma_start3A_40 = tpu.memref_slice %arg7[%dma_start3A_35, %dma_start3A_39] : memref<40x128xi32, #tpu.memory_space<vmem>> -> memref<1x128xi32, #tpu.memory_space<vmem>>
    %dma_start3A_41 = tpu.memref_squeeze %dma_start3A_40 : memref<1x128xi32, #tpu.memory_space<vmem>> -> memref<128xi32, #tpu.memory_space<vmem>>
    %dma_start3A_42 = arith.constant 0 : i32
    %dma_start3A_43 = arith.constant 0 : i32
    %dma_start3A_44 = tpu.memref_slice %arg4[%dma_start3A_42, %dma_start3A_43] : memref<10240x128xf32, #tpu.memory_space<hbm>> -> memref<10240x128xf32, #tpu.memory_space<hbm>>
    tpu.enqueue_indirect_dma source(%dma_start3A_44 : memref<10240x128xf32, #tpu.memory_space<hbm>>) target(%dma_start3A_38 : memref<128x128xf32, #tpu.memory_space<vmem>>) offsets(%dma_start3A_41 : memref<128xi32, #tpu.memory_space<vmem>>) semaphore(%arg11 : memref<!tpu.dma_semaphore, #tpu.memory_space<semaphore_mem>>)
    %dma_start3A_45 = arith.constant 1 : i32
    %dma_start3A_46 = arith.constant 128 : i32
    %dma_start3A_47 = arith.constant 0 : i32
    %dma_start3A_48 = tpu.memref_slice %arg9[%dma_start3A_46, %dma_start3A_47] : memref<256x128xf32, #tpu.memory_space<vmem>> -> memref<128x128xf32, #tpu.memory_space<vmem>>
    %dma_start3A_49 = arith.constant 0 : i32
    %dma_start3A_50 = tpu.memref_slice %arg7[%dma_start3A_45, %dma_start3A_49] : memref<40x128xi32, #tpu.memory_space<vmem>> -> memref<1x128xi32, #tpu.memory_space<vmem>>
    %dma_start3A_51 = tpu.memref_squeeze %dma_start3A_50 : memref<1x128xi32, #tpu.memory_space<vmem>> -> memref<128xi32, #tpu.memory_space<vmem>>
    %dma_start3A_52 = arith.constant 0 : i32
    %dma_start3A_53 = arith.constant 0 : i32
    %dma_start3A_54 = tpu.memref_slice %arg4[%dma_start3A_52, %dma_start3A_53] : memref<10240x128xf32, #tpu.memory_space<hbm>> -> memref<10240x128xf32, #tpu.memory_space<hbm>>
    tpu.enqueue_indirect_dma source(%dma_start3A_54 : memref<10240x128xf32, #tpu.memory_space<hbm>>) target(%dma_start3A_48 : memref<128x128xf32, #tpu.memory_space<vmem>>) offsets(%dma_start3A_51 : memref<128xi32, #tpu.memory_space<vmem>>) semaphore(%arg12 : memref<!tpu.dma_semaphore, #tpu.memory_space<semaphore_mem>>)
    %scan3A_55 = arith.constant 0 : i32
    %scan3A_56 = arith.constant 0 : i32
    %scan3A_57 = arith.constant 20 : i32
    %scan3A_58 = arith.addi %scan3A_56, %scan3A_57 : i32
    %scan3A_59 = arith.constant 1 : i32
    scf.for %scan3A_62 = %scan3A_56 to %scan3A_58 step %scan3A_59  : i32 {
      %mul3A_63 = arith.constant 2 : i32
      %mul3A_64 = arith.muli %scan3A_62, %mul3A_63 : i32
      %add3A_65 = arith.constant 0 : i32
      %add3A_66 = arith.addi %mul3A_64, %add3A_65 : i32
      %dma_wait3A = arith.constant 0 : i32
      %dma_wait3A_67 = arith.constant 0 : i32
      %dma_wait3A_68 = tpu.memref_slice %arg9[%dma_wait3A, %dma_wait3A_67] : memref<256x128xf32, #tpu.memory_space<vmem>> -> memref<128x128xf32, #tpu.memory_space<vmem>>
      %dma_wait3A_69 = arith.constant 0 : i32
      %dma_wait3A_70 = tpu.memref_slice %arg7[%add3A_66, %dma_wait3A_69] : memref<40x128xi32, #tpu.memory_space<vmem>> -> memref<1x128xi32, #tpu.memory_space<vmem>>
      %dma_wait3A_71 = tpu.memref_squeeze %dma_wait3A_70 : memref<1x128xi32, #tpu.memory_space<vmem>> -> memref<128xi32, #tpu.memory_space<vmem>>
      %dma_wait3A_72 = arith.constant 0 : i32
      %dma_wait3A_73 = arith.constant 0 : i32
      %dma_wait3A_74 = tpu.memref_slice %arg4[%dma_wait3A_72, %dma_wait3A_73] : memref<10240x128xf32, #tpu.memory_space<hbm>> -> memref<10240x128xf32, #tpu.memory_space<hbm>>
      tpu.wait_indirect_dma semaphore(%arg11 : memref<!tpu.dma_semaphore, #tpu.memory_space<semaphore_mem>>) src(%dma_wait3A_74 : memref<10240x128xf32, #tpu.memory_space<hbm>>) dst(%dma_wait3A_68 : memref<128x128xf32, #tpu.memory_space<vmem>>)
      "tpu.region"() ({
        %run_scoped3A = tpu.sem_alloc : memref<!tpu.dma_semaphore, #tpu.memory_space<semaphore_mem>>
        %dma_start3A_99 = arith.constant 0 : i32
        %dma_start3A_100 = arith.constant 0 : i32
        %dma_start3A_101 = tpu.memref_slice %arg9[%dma_start3A_99, %dma_start3A_100] : memref<256x128xf32, #tpu.memory_space<vmem>> -> memref<128x128xf32, #tpu.memory_space<vmem>>
        %dma_start3A_102 = arith.constant 0 : i32
        %dma_start3A_103 = tpu.memref_slice %arg8[%add3A_66, %dma_start3A_102] : memref<40x128xi32, #tpu.memory_space<vmem>> -> memref<1x128xi32, #tpu.memory_space<vmem>>
        %dma_start3A_104 = tpu.memref_squeeze %dma_start3A_103 : memref<1x128xi32, #tpu.memory_space<vmem>> -> memref<128xi32, #tpu.memory_space<vmem>>
        %dma_start3A_105 = arith.constant 0 : i32
        %dma_start3A_106 = arith.constant 0 : i32
        %dma_start3A_107 = tpu.memref_slice %arg10[%dma_start3A_105, %dma_start3A_106] : memref<10240x128xf32, #tpu.memory_space<vmem_shared>> -> memref<10240x128xf32, #tpu.memory_space<vmem_shared>>
        tpu.enqueue_indirect_dma source(%dma_start3A_101 : memref<128x128xf32, #tpu.memory_space<vmem>>) target(%dma_start3A_107 : memref<10240x128xf32, #tpu.memory_space<vmem_shared>>) offsets(%dma_start3A_104 : memref<128xi32, #tpu.memory_space<vmem>>) semaphore(%run_scoped3A : memref<!tpu.dma_semaphore, #tpu.memory_space<semaphore_mem>>) {add = true}
        %dma_wait3A_108 = arith.constant 0 : i32
        %dma_wait3A_109 = arith.constant 0 : i32
        %dma_wait3A_110 = tpu.memref_slice %arg9[%dma_wait3A_108, %dma_wait3A_109] : memref<256x128xf32, #tpu.memory_space<vmem>> -> memref<128x128xf32, #tpu.memory_space<vmem>>
        %dma_wait3A_111 = arith.constant 0 : i32
        %dma_wait3A_112 = tpu.memref_slice %arg8[%add3A_66, %dma_wait3A_111] : memref<40x128xi32, #tpu.memory_space<vmem>> -> memref<1x128xi32, #tpu.memory_space<vmem>>
        %dma_wait3A_113 = tpu.memref_squeeze %dma_wait3A_112 : memref<1x128xi32, #tpu.memory_space<vmem>> -> memref<128xi32, #tpu.memory_space<vmem>>
        %dma_wait3A_114 = arith.constant 0 : i32
        %dma_wait3A_115 = arith.constant 0 : i32
        %dma_wait3A_116 = tpu.memref_slice %arg10[%dma_wait3A_114, %dma_wait3A_115] : memref<10240x128xf32, #tpu.memory_space<vmem_shared>> -> memref<10240x128xf32, #tpu.memory_space<vmem_shared>>
        tpu.wait_indirect_dma semaphore(%run_scoped3A : memref<!tpu.dma_semaphore, #tpu.memory_space<semaphore_mem>>) src(%dma_wait3A_110 : memref<128x128xf32, #tpu.memory_space<vmem>>) dst(%dma_wait3A_116 : memref<10240x128xf32, #tpu.memory_space<vmem_shared>>)
        tpu.yield
      }) : () -> ()
      %add3A_75 = arith.constant 2 : i32
      %add3A_76 = arith.addi %add3A_66, %add3A_75 : i32
      %lt3A = arith.constant 40 : i32
      %lt3A_77 = arith.cmpi slt, %add3A_76, %lt3A : i32
      %convert_element_type3A = arith.extui %lt3A_77 : i1 to i32
      %cond3A = arith.constant 0 : i32
      %cond3A_78 = arith.cmpi ne, %convert_element_type3A, %cond3A : i32
      scf.if %cond3A_78 {
        %add3A_99 = arith.constant 2 : i32
        %add3A_100 = arith.addi %add3A_66, %add3A_99 : i32
        %dma_start3A_101 = arith.constant 0 : i32
        %dma_start3A_102 = arith.constant 0 : i32
        %dma_start3A_103 = tpu.memref_slice %arg9[%dma_start3A_101, %dma_start3A_102] : memref<256x128xf32, #tpu.memory_space<vmem>> -> memref<128x128xf32, #tpu.memory_space<vmem>>
        %dma_start3A_104 = arith.constant 0 : i32
        %dma_start3A_105 = tpu.memref_slice %arg7[%add3A_100, %dma_start3A_104] : memref<40x128xi32, #tpu.memory_space<vmem>> -> memref<1x128xi32, #tpu.memory_space<vmem>>
        %dma_start3A_106 = tpu.memref_squeeze %dma_start3A_105 : memref<1x128xi32, #tpu.memory_space<vmem>> -> memref<128xi32, #tpu.memory_space<vmem>>
        %dma_start3A_107 = arith.constant 0 : i32
        %dma_start3A_108 = arith.constant 0 : i32
        %dma_start3A_109 = tpu.memref_slice %arg4[%dma_start3A_107, %dma_start3A_108] : memref<10240x128xf32, #tpu.memory_space<hbm>> -> memref<10240x128xf32, #tpu.memory_space<hbm>>
        tpu.enqueue_indirect_dma source(%dma_start3A_109 : memref<10240x128xf32, #tpu.memory_space<hbm>>) target(%dma_start3A_103 : memref<128x128xf32, #tpu.memory_space<vmem>>) offsets(%dma_start3A_106 : memref<128xi32, #tpu.memory_space<vmem>>) semaphore(%arg11 : memref<!tpu.dma_semaphore, #tpu.memory_space<semaphore_mem>>)
      } else {
      }
      %mul3A_79 = arith.constant 2 : i32
      %mul3A_80 = arith.muli %scan3A_62, %mul3A_79 : i32
      %add3A_81 = arith.constant 1 : i32
      %add3A_82 = arith.addi %mul3A_80, %add3A_81 : i32
      %dma_wait3A_83 = arith.constant 128 : i32
      %dma_wait3A_84 = arith.constant 0 : i32
      %dma_wait3A_85 = tpu.memref_slice %arg9[%dma_wait3A_83, %dma_wait3A_84] : memref<256x128xf32, #tpu.memory_space<vmem>> -> memref<128x128xf32, #tpu.memory_space<vmem>>
      %dma_wait3A_86 = arith.constant 0 : i32
      %dma_wait3A_87 = tpu.memref_slice %arg7[%add3A_82, %dma_wait3A_86] : memref<40x128xi32, #tpu.memory_space<vmem>> -> memref<1x128xi32, #tpu.memory_space<vmem>>
      %dma_wait3A_88 = tpu.memref_squeeze %dma_wait3A_87 : memref<1x128xi32, #tpu.memory_space<vmem>> -> memref<128xi32, #tpu.memory_space<vmem>>
      %dma_wait3A_89 = arith.constant 0 : i32
      %dma_wait3A_90 = arith.constant 0 : i32
      %dma_wait3A_91 = tpu.memref_slice %arg4[%dma_wait3A_89, %dma_wait3A_90] : memref<10240x128xf32, #tpu.memory_space<hbm>> -> memref<10240x128xf32, #tpu.memory_space<hbm>>
      tpu.wait_indirect_dma semaphore(%arg12 : memref<!tpu.dma_semaphore, #tpu.memory_space<semaphore_mem>>) src(%dma_wait3A_91 : memref<10240x128xf32, #tpu.memory_space<hbm>>) dst(%dma_wait3A_85 : memref<128x128xf32, #tpu.memory_space<vmem>>)
      "tpu.region"() ({
        %run_scoped3A = tpu.sem_alloc : memref<!tpu.dma_semaphore, #tpu.memory_space<semaphore_mem>>
        %dma_start3A_99 = arith.constant 128 : i32
        %dma_start3A_100 = arith.constant 0 : i32
        %dma_start3A_101 = tpu.memref_slice %arg9[%dma_start3A_99, %dma_start3A_100] : memref<256x128xf32, #tpu.memory_space<vmem>> -> memref<128x128xf32, #tpu.memory_space<vmem>>
        %dma_start3A_102 = arith.constant 0 : i32
        %dma_start3A_103 = tpu.memref_slice %arg8[%add3A_82, %dma_start3A_102] : memref<40x128xi32, #tpu.memory_space<vmem>> -> memref<1x128xi32, #tpu.memory_space<vmem>>
        %dma_start3A_104 = tpu.memref_squeeze %dma_start3A_103 : memref<1x128xi32, #tpu.memory_space<vmem>> -> memref<128xi32, #tpu.memory_space<vmem>>
        %dma_start3A_105 = arith.constant 0 : i32
        %dma_start3A_106 = arith.constant 0 : i32
        %dma_start3A_107 = tpu.memref_slice %arg10[%dma_start3A_105, %dma_start3A_106] : memref<10240x128xf32, #tpu.memory_space<vmem_shared>> -> memref<10240x128xf32, #tpu.memory_space<vmem_shared>>
        tpu.enqueue_indirect_dma source(%dma_start3A_101 : memref<128x128xf32, #tpu.memory_space<vmem>>) target(%dma_start3A_107 : memref<10240x128xf32, #tpu.memory_space<vmem_shared>>) offsets(%dma_start3A_104 : memref<128xi32, #tpu.memory_space<vmem>>) semaphore(%run_scoped3A : memref<!tpu.dma_semaphore, #tpu.memory_space<semaphore_mem>>) {add = true}
        %dma_wait3A_108 = arith.constant 128 : i32
        %dma_wait3A_109 = arith.constant 0 : i32
        %dma_wait3A_110 = tpu.memref_slice %arg9[%dma_wait3A_108, %dma_wait3A_109] : memref<256x128xf32, #tpu.memory_space<vmem>> -> memref<128x128xf32, #tpu.memory_space<vmem>>
        %dma_wait3A_111 = arith.constant 0 : i32
        %dma_wait3A_112 = tpu.memref_slice %arg8[%add3A_82, %dma_wait3A_111] : memref<40x128xi32, #tpu.memory_space<vmem>> -> memref<1x128xi32, #tpu.memory_space<vmem>>
        %dma_wait3A_113 = tpu.memref_squeeze %dma_wait3A_112 : memref<1x128xi32, #tpu.memory_space<vmem>> -> memref<128xi32, #tpu.memory_space<vmem>>
        %dma_wait3A_114 = arith.constant 0 : i32
        %dma_wait3A_115 = arith.constant 0 : i32
        %dma_wait3A_116 = tpu.memref_slice %arg10[%dma_wait3A_114, %dma_wait3A_115] : memref<10240x128xf32, #tpu.memory_space<vmem_shared>> -> memref<10240x128xf32, #tpu.memory_space<vmem_shared>>
        tpu.wait_indirect_dma semaphore(%run_scoped3A : memref<!tpu.dma_semaphore, #tpu.memory_space<semaphore_mem>>) src(%dma_wait3A_110 : memref<128x128xf32, #tpu.memory_space<vmem>>) dst(%dma_wait3A_116 : memref<10240x128xf32, #tpu.memory_space<vmem_shared>>)
        tpu.yield
      }) : () -> ()
      %add3A_92 = arith.constant 2 : i32
      %add3A_93 = arith.addi %add3A_82, %add3A_92 : i32
      %lt3A_94 = arith.constant 40 : i32
      %lt3A_95 = arith.cmpi slt, %add3A_93, %lt3A_94 : i32
      %convert_element_type3A_96 = arith.extui %lt3A_95 : i1 to i32
      %cond3A_97 = arith.constant 0 : i32
      %cond3A_98 = arith.cmpi ne, %convert_element_type3A_96, %cond3A_97 : i32
      scf.if %cond3A_98 {
        %add3A_99 = arith.constant 2 : i32
        %add3A_100 = arith.addi %add3A_82, %add3A_99 : i32
        %dma_start3A_101 = arith.constant 128 : i32
        %dma_start3A_102 = arith.constant 0 : i32
        %dma_start3A_103 = tpu.memref_slice %arg9[%dma_start3A_101, %dma_start3A_102] : memref<256x128xf32, #tpu.memory_space<vmem>> -> memref<128x128xf32, #tpu.memory_space<vmem>>
        %dma_start3A_104 = arith.constant 0 : i32
        %dma_start3A_105 = tpu.memref_slice %arg7[%add3A_100, %dma_start3A_104] : memref<40x128xi32, #tpu.memory_space<vmem>> -> memref<1x128xi32, #tpu.memory_space<vmem>>
        %dma_start3A_106 = tpu.memref_squeeze %dma_start3A_105 : memref<1x128xi32, #tpu.memory_space<vmem>> -> memref<128xi32, #tpu.memory_space<vmem>>
        %dma_start3A_107 = arith.constant 0 : i32
        %dma_start3A_108 = arith.constant 0 : i32
        %dma_start3A_109 = tpu.memref_slice %arg4[%dma_start3A_107, %dma_start3A_108] : memref<10240x128xf32, #tpu.memory_space<hbm>> -> memref<10240x128xf32, #tpu.memory_space<hbm>>
        tpu.enqueue_indirect_dma source(%dma_start3A_109 : memref<10240x128xf32, #tpu.memory_space<hbm>>) target(%dma_start3A_103 : memref<128x128xf32, #tpu.memory_space<vmem>>) offsets(%dma_start3A_106 : memref<128xi32, #tpu.memory_space<vmem>>) semaphore(%arg12 : memref<!tpu.dma_semaphore, #tpu.memory_space<semaphore_mem>>)
      } else {
      }
    }
    %scan3A_60 = arith.constant 20 : i32
    %barrier3A_61 = arith.constant 0 : index
    tpu.barrier barrier_id(%barrier3A_61)
    "tpu.region"() ({
      %run_scoped3A = tpu.sem_alloc : memref<!tpu.dma_semaphore, #tpu.memory_space<semaphore_mem>>
      %dma_start3A_62 = arith.constant 0 : i32
      %dma_start3A_63 = tpu.memref_slice %arg6[%arg0, %mul3A_2, %dma_start3A_62] : memref<2x10240x128xf32, #tpu.memory_space<hbm>> -> memref<1x640x128xf32, #tpu.memory_space<hbm>>
      %dma_start3A_64 = tpu.memref_squeeze %dma_start3A_63 : memref<1x640x128xf32, #tpu.memory_space<hbm>> -> memref<640x128xf32, #tpu.memory_space<hbm>>
      %dma_start3A_65 = arith.constant 0 : i32
      %dma_start3A_66 = tpu.memref_slice %arg10[%mul3A_2, %dma_start3A_65] : memref<10240x128xf32, #tpu.memory_space<vmem_shared>> -> memref<640x128xf32, #tpu.memory_space<vmem_shared>>
      tpu.enqueue_dma source(%dma_start3A_66 : memref<640x128xf32, #tpu.memory_space<vmem_shared>>) target(%dma_start3A_64 : memref<640x128xf32, #tpu.memory_space<hbm>>) target_semaphore(%run_scoped3A : memref<!tpu.dma_semaphore, #tpu.memory_space<semaphore_mem>>)
      %dma_wait3A = arith.constant 0 : i32
      %dma_wait3A_67 = tpu.memref_slice %arg6[%arg0, %mul3A_2, %dma_wait3A] : memref<2x10240x128xf32, #tpu.memory_space<hbm>> -> memref<1x640x128xf32, #tpu.memory_space<hbm>>
      %dma_wait3A_68 = tpu.memref_squeeze %dma_wait3A_67 : memref<1x640x128xf32, #tpu.memory_space<hbm>> -> memref<640x128xf32, #tpu.memory_space<hbm>>
      %dma_wait3A_69 = arith.constant 0 : i32
      %dma_wait3A_70 = tpu.memref_slice %arg10[%mul3A_2, %dma_wait3A_69] : memref<10240x128xf32, #tpu.memory_space<vmem_shared>> -> memref<640x128xf32, #tpu.memory_space<vmem_shared>>
      tpu.wait_dma2 semaphore(%run_scoped3A : memref<!tpu.dma_semaphore, #tpu.memory_space<semaphore_mem>>) src(%dma_wait3A_70 : memref<640x128xf32, #tpu.memory_space<vmem_shared>>) dst(%dma_wait3A_68 : memref<640x128xf32, #tpu.memory_space<hbm>>)
      tpu.yield
    }) : () -> ()
    return
  }
}

#map = affine_map<(d0, d1) -> (0, 0)>
#map1 = affine_map<(d0, d1) -> (0)>
#map2 = affine_map<(d0, d1) -> (0, 0, 0)>
module attributes {stable_mosaic.version = 14 : i64} {
  func.func @thin_prop(%arg0: i32, %arg1: i32, %arg2: memref<2568x128xi32, #tpu.memory_space<hbm>>, %arg3: memref<2560x128xi32, #tpu.memory_space<hbm>>, %arg4: memref<10240xf32, #tpu.memory_space<hbm>>, %arg5: memref<10240xf32, #tpu.memory_space<hbm>>, %arg6: memref<2x2x10240xf32, #tpu.memory_space<hbm>>, %arg7: memref<80x128xi32, #tpu.memory_space<vmem>>, %arg8: memref<80x128xi32, #tpu.memory_space<vmem>>, %arg9: memref<128xf32, #tpu.memory_space<vmem>>, %arg10: memref<128xf32, #tpu.memory_space<vmem>>, %arg11: memref<128xf32, #tpu.memory_space<vmem>>, %arg12: memref<128xf32, #tpu.memory_space<vmem>>, %arg13: memref<640xf32, #tpu.memory_space<vmem>>, %arg14: memref<10240xf32, #tpu.memory_space<vmem_shared>>, %arg15: memref<10240xf32, #tpu.memory_space<vmem_shared>>, %arg16: memref<!tpu.dma_semaphore, #tpu.memory_space<semaphore_mem>>, %arg17: memref<!tpu.dma_semaphore, #tpu.memory_space<semaphore_mem>>) attributes {dimension_semantics = [#tpu.dimension_semantics<core_parallel>, #tpu.dimension_semantics<subcore_parallel>], iteration_bounds = array<i64: 2, 16>, scalar_prefetch = 0 : i64, scratch_operands = 11 : i64, tpu.core_type = #tpu.core_type<sc_vector_subcore>, window_params = [{transform_indices = #map}, {transform_indices = #map}, {transform_indices = #map1}, {transform_indices = #map1}, {transform_indices = #map2}]} {
    %mul3A = arith.constant 16 : i32
    %mul3A_0 = arith.muli %arg0, %mul3A : i32
    %add3A = arith.addi %mul3A_0, %arg1 : i32
    %mul3A_1 = arith.constant 640 : i32
    %mul3A_2 = arith.muli %arg1, %mul3A_1 : i32
    %mul3A_3 = arith.constant 80 : i32
    %mul3A_4 = arith.muli %add3A, %mul3A_3 : i32
    "tpu.region"() ({
      %run_scoped3A_275 = tpu.sem_alloc : memref<!tpu.dma_semaphore, #tpu.memory_space<semaphore_mem>>
      %dma_start3A_276 = arith.constant 0 : i32
      %dma_start3A_277 = tpu.memref_slice %arg2[%mul3A_4, %dma_start3A_276] : memref<2568x128xi32, #tpu.memory_space<hbm>> -> memref<80x128xi32, #tpu.memory_space<hbm>>
      %dma_start3A_278 = arith.constant 0 : i32
      %dma_start3A_279 = tpu.memref_slice %arg2[%mul3A_4, %dma_start3A_278] : memref<2568x128xi32, #tpu.memory_space<hbm>> -> memref<80x128xi32, #tpu.memory_space<hbm>>
      tpu.enqueue_dma source(%dma_start3A_279 : memref<80x128xi32, #tpu.memory_space<hbm>>) target(%arg7 : memref<80x128xi32, #tpu.memory_space<vmem>>) target_semaphore(%run_scoped3A_275 : memref<!tpu.dma_semaphore, #tpu.memory_space<semaphore_mem>>)
      %dma_wait3A = arith.constant 0 : i32
      %dma_wait3A_280 = tpu.memref_slice %arg2[%mul3A_4, %dma_wait3A] : memref<2568x128xi32, #tpu.memory_space<hbm>> -> memref<80x128xi32, #tpu.memory_space<hbm>>
      %dma_wait3A_281 = arith.constant 0 : i32
      %dma_wait3A_282 = tpu.memref_slice %arg2[%mul3A_4, %dma_wait3A_281] : memref<2568x128xi32, #tpu.memory_space<hbm>> -> memref<80x128xi32, #tpu.memory_space<hbm>>
      tpu.wait_dma2 semaphore(%run_scoped3A_275 : memref<!tpu.dma_semaphore, #tpu.memory_space<semaphore_mem>>) src(%dma_wait3A_282 : memref<80x128xi32, #tpu.memory_space<hbm>>) dst(%arg7 : memref<80x128xi32, #tpu.memory_space<vmem>>)
      tpu.yield
    }) : () -> ()
    %mul3A_5 = arith.constant 80 : i32
    %mul3A_6 = arith.muli %add3A, %mul3A_5 : i32
    "tpu.region"() ({
      %run_scoped3A_275 = tpu.sem_alloc : memref<!tpu.dma_semaphore, #tpu.memory_space<semaphore_mem>>
      %dma_start3A_276 = arith.constant 0 : i32
      %dma_start3A_277 = tpu.memref_slice %arg3[%mul3A_6, %dma_start3A_276] : memref<2560x128xi32, #tpu.memory_space<hbm>> -> memref<80x128xi32, #tpu.memory_space<hbm>>
      %dma_start3A_278 = arith.constant 0 : i32
      %dma_start3A_279 = tpu.memref_slice %arg3[%mul3A_6, %dma_start3A_278] : memref<2560x128xi32, #tpu.memory_space<hbm>> -> memref<80x128xi32, #tpu.memory_space<hbm>>
      tpu.enqueue_dma source(%dma_start3A_279 : memref<80x128xi32, #tpu.memory_space<hbm>>) target(%arg8 : memref<80x128xi32, #tpu.memory_space<vmem>>) target_semaphore(%run_scoped3A_275 : memref<!tpu.dma_semaphore, #tpu.memory_space<semaphore_mem>>)
      %dma_wait3A = arith.constant 0 : i32
      %dma_wait3A_280 = tpu.memref_slice %arg3[%mul3A_6, %dma_wait3A] : memref<2560x128xi32, #tpu.memory_space<hbm>> -> memref<80x128xi32, #tpu.memory_space<hbm>>
      %dma_wait3A_281 = arith.constant 0 : i32
      %dma_wait3A_282 = tpu.memref_slice %arg3[%mul3A_6, %dma_wait3A_281] : memref<2560x128xi32, #tpu.memory_space<hbm>> -> memref<80x128xi32, #tpu.memory_space<hbm>>
      tpu.wait_dma2 semaphore(%run_scoped3A_275 : memref<!tpu.dma_semaphore, #tpu.memory_space<semaphore_mem>>) src(%dma_wait3A_282 : memref<80x128xi32, #tpu.memory_space<hbm>>) dst(%arg8 : memref<80x128xi32, #tpu.memory_space<vmem>>)
      tpu.yield
    }) : () -> ()
    %broadcast_in_dim3A = arith.constant 0.000000e+00 : f32
    %broadcast_in_dim3A_7 = vector.broadcast %broadcast_in_dim3A : f32 to vector<16xf32>
    %swap3A = arith.constant 0 : index
    %swap3A_8 = tpu.vector_load %arg13[%swap3A] {strides = array<i32>} : memref<640xf32, #tpu.memory_space<vmem>>, vector<16xf32>,
    %swap3A_9 = vector.shape_cast %swap3A_8 : vector<16xf32> to vector<16xf32>
    %swap3A_10 = vector.shape_cast %broadcast_in_dim3A_7 : vector<16xf32> to vector<16xf32>
    tpu.vector_store %arg13[%swap3A], %swap3A_10 {strides = array<i32>} : memref<640xf32, #tpu.memory_space<vmem>>, vector<16xf32>,
    %broadcast_in_dim3A_11 = arith.constant 0.000000e+00 : f32
    %broadcast_in_dim3A_12 = vector.broadcast %broadcast_in_dim3A_11 : f32 to vector<16xf32>
    %swap3A_13 = arith.constant 16 : index
    %swap3A_14 = tpu.vector_load %arg13[%swap3A_13] {strides = array<i32>} : memref<640xf32, #tpu.memory_space<vmem>>, vector<16xf32>,
    %swap3A_15 = vector.shape_cast %swap3A_14 : vector<16xf32> to vector<16xf32>
    %swap3A_16 = vector.shape_cast %broadcast_in_dim3A_12 : vector<16xf32> to vector<16xf32>
    tpu.vector_store %arg13[%swap3A_13], %swap3A_16 {strides = array<i32>} : memref<640xf32, #tpu.memory_space<vmem>>, vector<16xf32>,
    %broadcast_in_dim3A_17 = arith.constant 0.000000e+00 : f32
    %broadcast_in_dim3A_18 = vector.broadcast %broadcast_in_dim3A_17 : f32 to vector<16xf32>
    %swap3A_19 = arith.constant 32 : index
    %swap3A_20 = tpu.vector_load %arg13[%swap3A_19] {strides = array<i32>} : memref<640xf32, #tpu.memory_space<vmem>>, vector<16xf32>,
    %swap3A_21 = vector.shape_cast %swap3A_20 : vector<16xf32> to vector<16xf32>
    %swap3A_22 = vector.shape_cast %broadcast_in_dim3A_18 : vector<16xf32> to vector<16xf32>
    tpu.vector_store %arg13[%swap3A_19], %swap3A_22 {strides = array<i32>} : memref<640xf32, #tpu.memory_space<vmem>>, vector<16xf32>,
    %broadcast_in_dim3A_23 = arith.constant 0.000000e+00 : f32
    %broadcast_in_dim3A_24 = vector.broadcast %broadcast_in_dim3A_23 : f32 to vector<16xf32>
    %swap3A_25 = arith.constant 48 : index
    %swap3A_26 = tpu.vector_load %arg13[%swap3A_25] {strides = array<i32>} : memref<640xf32, #tpu.memory_space<vmem>>, vector<16xf32>,
    %swap3A_27 = vector.shape_cast %swap3A_26 : vector<16xf32> to vector<16xf32>
    %swap3A_28 = vector.shape_cast %broadcast_in_dim3A_24 : vector<16xf32> to vector<16xf32>
    tpu.vector_store %arg13[%swap3A_25], %swap3A_28 {strides = array<i32>} : memref<640xf32, #tpu.memory_space<vmem>>, vector<16xf32>,
    %broadcast_in_dim3A_29 = arith.constant 0.000000e+00 : f32
    %broadcast_in_dim3A_30 = vector.broadcast %broadcast_in_dim3A_29 : f32 to vector<16xf32>
    %swap3A_31 = arith.constant 64 : index
    %swap3A_32 = tpu.vector_load %arg13[%swap3A_31] {strides = array<i32>} : memref<640xf32, #tpu.memory_space<vmem>>, vector<16xf32>,
    %swap3A_33 = vector.shape_cast %swap3A_32 : vector<16xf32> to vector<16xf32>
    %swap3A_34 = vector.shape_cast %broadcast_in_dim3A_30 : vector<16xf32> to vector<16xf32>
    tpu.vector_store %arg13[%swap3A_31], %swap3A_34 {strides = array<i32>} : memref<640xf32, #tpu.memory_space<vmem>>, vector<16xf32>,
    %broadcast_in_dim3A_35 = arith.constant 0.000000e+00 : f32
    %broadcast_in_dim3A_36 = vector.broadcast %broadcast_in_dim3A_35 : f32 to vector<16xf32>
    %swap3A_37 = arith.constant 80 : index
    %swap3A_38 = tpu.vector_load %arg13[%swap3A_37] {strides = array<i32>} : memref<640xf32, #tpu.memory_space<vmem>>, vector<16xf32>,
    %swap3A_39 = vector.shape_cast %swap3A_38 : vector<16xf32> to vector<16xf32>
    %swap3A_40 = vector.shape_cast %broadcast_in_dim3A_36 : vector<16xf32> to vector<16xf32>
    tpu.vector_store %arg13[%swap3A_37], %swap3A_40 {strides = array<i32>} : memref<640xf32, #tpu.memory_space<vmem>>, vector<16xf32>,
    %broadcast_in_dim3A_41 = arith.constant 0.000000e+00 : f32
    %broadcast_in_dim3A_42 = vector.broadcast %broadcast_in_dim3A_41 : f32 to vector<16xf32>
    %swap3A_43 = arith.constant 96 : index
    %swap3A_44 = tpu.vector_load %arg13[%swap3A_43] {strides = array<i32>} : memref<640xf32, #tpu.memory_space<vmem>>, vector<16xf32>,
    %swap3A_45 = vector.shape_cast %swap3A_44 : vector<16xf32> to vector<16xf32>
    %swap3A_46 = vector.shape_cast %broadcast_in_dim3A_42 : vector<16xf32> to vector<16xf32>
    tpu.vector_store %arg13[%swap3A_43], %swap3A_46 {strides = array<i32>} : memref<640xf32, #tpu.memory_space<vmem>>, vector<16xf32>,
    %broadcast_in_dim3A_47 = arith.constant 0.000000e+00 : f32
    %broadcast_in_dim3A_48 = vector.broadcast %broadcast_in_dim3A_47 : f32 to vector<16xf32>
    %swap3A_49 = arith.constant 112 : index
    %swap3A_50 = tpu.vector_load %arg13[%swap3A_49] {strides = array<i32>} : memref<640xf32, #tpu.memory_space<vmem>>, vector<16xf32>,
    %swap3A_51 = vector.shape_cast %swap3A_50 : vector<16xf32> to vector<16xf32>
    %swap3A_52 = vector.shape_cast %broadcast_in_dim3A_48 : vector<16xf32> to vector<16xf32>
    tpu.vector_store %arg13[%swap3A_49], %swap3A_52 {strides = array<i32>} : memref<640xf32, #tpu.memory_space<vmem>>, vector<16xf32>,
    %broadcast_in_dim3A_53 = arith.constant 0.000000e+00 : f32
    %broadcast_in_dim3A_54 = vector.broadcast %broadcast_in_dim3A_53 : f32 to vector<16xf32>
    %swap3A_55 = arith.constant 128 : index
    %swap3A_56 = tpu.vector_load %arg13[%swap3A_55] {strides = array<i32>} : memref<640xf32, #tpu.memory_space<vmem>>, vector<16xf32>,
    %swap3A_57 = vector.shape_cast %swap3A_56 : vector<16xf32> to vector<16xf32>
    %swap3A_58 = vector.shape_cast %broadcast_in_dim3A_54 : vector<16xf32> to vector<16xf32>
    tpu.vector_store %arg13[%swap3A_55], %swap3A_58 {strides = array<i32>} : memref<640xf32, #tpu.memory_space<vmem>>, vector<16xf32>,
    %broadcast_in_dim3A_59 = arith.constant 0.000000e+00 : f32
    %broadcast_in_dim3A_60 = vector.broadcast %broadcast_in_dim3A_59 : f32 to vector<16xf32>
    %swap3A_61 = arith.constant 144 : index
    %swap3A_62 = tpu.vector_load %arg13[%swap3A_61] {strides = array<i32>} : memref<640xf32, #tpu.memory_space<vmem>>, vector<16xf32>,
    %swap3A_63 = vector.shape_cast %swap3A_62 : vector<16xf32> to vector<16xf32>
    %swap3A_64 = vector.shape_cast %broadcast_in_dim3A_60 : vector<16xf32> to vector<16xf32>
    tpu.vector_store %arg13[%swap3A_61], %swap3A_64 {strides = array<i32>} : memref<640xf32, #tpu.memory_space<vmem>>, vector<16xf32>,
    %broadcast_in_dim3A_65 = arith.constant 0.000000e+00 : f32
    %broadcast_in_dim3A_66 = vector.broadcast %broadcast_in_dim3A_65 : f32 to vector<16xf32>
    %swap3A_67 = arith.constant 160 : index
    %swap3A_68 = tpu.vector_load %arg13[%swap3A_67] {strides = array<i32>} : memref<640xf32, #tpu.memory_space<vmem>>, vector<16xf32>,
    %swap3A_69 = vector.shape_cast %swap3A_68 : vector<16xf32> to vector<16xf32>
    %swap3A_70 = vector.shape_cast %broadcast_in_dim3A_66 : vector<16xf32> to vector<16xf32>
    tpu.vector_store %arg13[%swap3A_67], %swap3A_70 {strides = array<i32>} : memref<640xf32, #tpu.memory_space<vmem>>, vector<16xf32>,
    %broadcast_in_dim3A_71 = arith.constant 0.000000e+00 : f32
    %broadcast_in_dim3A_72 = vector.broadcast %broadcast_in_dim3A_71 : f32 to vector<16xf32>
    %swap3A_73 = arith.constant 176 : index
    %swap3A_74 = tpu.vector_load %arg13[%swap3A_73] {strides = array<i32>} : memref<640xf32, #tpu.memory_space<vmem>>, vector<16xf32>,
    %swap3A_75 = vector.shape_cast %swap3A_74 : vector<16xf32> to vector<16xf32>
    %swap3A_76 = vector.shape_cast %broadcast_in_dim3A_72 : vector<16xf32> to vector<16xf32>
    tpu.vector_store %arg13[%swap3A_73], %swap3A_76 {strides = array<i32>} : memref<640xf32, #tpu.memory_space<vmem>>, vector<16xf32>,
    %broadcast_in_dim3A_77 = arith.constant 0.000000e+00 : f32
    %broadcast_in_dim3A_78 = vector.broadcast %broadcast_in_dim3A_77 : f32 to vector<16xf32>
    %swap3A_79 = arith.constant 192 : index
    %swap3A_80 = tpu.vector_load %arg13[%swap3A_79] {strides = array<i32>} : memref<640xf32, #tpu.memory_space<vmem>>, vector<16xf32>,
    %swap3A_81 = vector.shape_cast %swap3A_80 : vector<16xf32> to vector<16xf32>
    %swap3A_82 = vector.shape_cast %broadcast_in_dim3A_78 : vector<16xf32> to vector<16xf32>
    tpu.vector_store %arg13[%swap3A_79], %swap3A_82 {strides = array<i32>} : memref<640xf32, #tpu.memory_space<vmem>>, vector<16xf32>,
    %broadcast_in_dim3A_83 = arith.constant 0.000000e+00 : f32
    %broadcast_in_dim3A_84 = vector.broadcast %broadcast_in_dim3A_83 : f32 to vector<16xf32>
    %swap3A_85 = arith.constant 208 : index
    %swap3A_86 = tpu.vector_load %arg13[%swap3A_85] {strides = array<i32>} : memref<640xf32, #tpu.memory_space<vmem>>, vector<16xf32>,
    %swap3A_87 = vector.shape_cast %swap3A_86 : vector<16xf32> to vector<16xf32>
    %swap3A_88 = vector.shape_cast %broadcast_in_dim3A_84 : vector<16xf32> to vector<16xf32>
    tpu.vector_store %arg13[%swap3A_85], %swap3A_88 {strides = array<i32>} : memref<640xf32, #tpu.memory_space<vmem>>, vector<16xf32>,
    %broadcast_in_dim3A_89 = arith.constant 0.000000e+00 : f32
    %broadcast_in_dim3A_90 = vector.broadcast %broadcast_in_dim3A_89 : f32 to vector<16xf32>
    %swap3A_91 = arith.constant 224 : index
    %swap3A_92 = tpu.vector_load %arg13[%swap3A_91] {strides = array<i32>} : memref<640xf32, #tpu.memory_space<vmem>>, vector<16xf32>,
    %swap3A_93 = vector.shape_cast %swap3A_92 : vector<16xf32> to vector<16xf32>
    %swap3A_94 = vector.shape_cast %broadcast_in_dim3A_90 : vector<16xf32> to vector<16xf32>
    tpu.vector_store %arg13[%swap3A_91], %swap3A_94 {strides = array<i32>} : memref<640xf32, #tpu.memory_space<vmem>>, vector<16xf32>,
    %broadcast_in_dim3A_95 = arith.constant 0.000000e+00 : f32
    %broadcast_in_dim3A_96 = vector.broadcast %broadcast_in_dim3A_95 : f32 to vector<16xf32>
    %swap3A_97 = arith.constant 240 : index
    %swap3A_98 = tpu.vector_load %arg13[%swap3A_97] {strides = array<i32>} : memref<640xf32, #tpu.memory_space<vmem>>, vector<16xf32>,
    %swap3A_99 = vector.shape_cast %swap3A_98 : vector<16xf32> to vector<16xf32>
    %swap3A_100 = vector.shape_cast %broadcast_in_dim3A_96 : vector<16xf32> to vector<16xf32>
    tpu.vector_store %arg13[%swap3A_97], %swap3A_100 {strides = array<i32>} : memref<640xf32, #tpu.memory_space<vmem>>, vector<16xf32>,
    %broadcast_in_dim3A_101 = arith.constant 0.000000e+00 : f32
    %broadcast_in_dim3A_102 = vector.broadcast %broadcast_in_dim3A_101 : f32 to vector<16xf32>
    %swap3A_103 = arith.constant 256 : index
    %swap3A_104 = tpu.vector_load %arg13[%swap3A_103] {strides = array<i32>} : memref<640xf32, #tpu.memory_space<vmem>>, vector<16xf32>,
    %swap3A_105 = vector.shape_cast %swap3A_104 : vector<16xf32> to vector<16xf32>
    %swap3A_106 = vector.shape_cast %broadcast_in_dim3A_102 : vector<16xf32> to vector<16xf32>
    tpu.vector_store %arg13[%swap3A_103], %swap3A_106 {strides = array<i32>} : memref<640xf32, #tpu.memory_space<vmem>>, vector<16xf32>,
    %broadcast_in_dim3A_107 = arith.constant 0.000000e+00 : f32
    %broadcast_in_dim3A_108 = vector.broadcast %broadcast_in_dim3A_107 : f32 to vector<16xf32>
    %swap3A_109 = arith.constant 272 : index
    %swap3A_110 = tpu.vector_load %arg13[%swap3A_109] {strides = array<i32>} : memref<640xf32, #tpu.memory_space<vmem>>, vector<16xf32>,
    %swap3A_111 = vector.shape_cast %swap3A_110 : vector<16xf32> to vector<16xf32>
    %swap3A_112 = vector.shape_cast %broadcast_in_dim3A_108 : vector<16xf32> to vector<16xf32>
    tpu.vector_store %arg13[%swap3A_109], %swap3A_112 {strides = array<i32>} : memref<640xf32, #tpu.memory_space<vmem>>, vector<16xf32>,
    %broadcast_in_dim3A_113 = arith.constant 0.000000e+00 : f32
    %broadcast_in_dim3A_114 = vector.broadcast %broadcast_in_dim3A_113 : f32 to vector<16xf32>
    %swap3A_115 = arith.constant 288 : index
    %swap3A_116 = tpu.vector_load %arg13[%swap3A_115] {strides = array<i32>} : memref<640xf32, #tpu.memory_space<vmem>>, vector<16xf32>,
    %swap3A_117 = vector.shape_cast %swap3A_116 : vector<16xf32> to vector<16xf32>
    %swap3A_118 = vector.shape_cast %broadcast_in_dim3A_114 : vector<16xf32> to vector<16xf32>
    tpu.vector_store %arg13[%swap3A_115], %swap3A_118 {strides = array<i32>} : memref<640xf32, #tpu.memory_space<vmem>>, vector<16xf32>,
    %broadcast_in_dim3A_119 = arith.constant 0.000000e+00 : f32
    %broadcast_in_dim3A_120 = vector.broadcast %broadcast_in_dim3A_119 : f32 to vector<16xf32>
    %swap3A_121 = arith.constant 304 : index
    %swap3A_122 = tpu.vector_load %arg13[%swap3A_121] {strides = array<i32>} : memref<640xf32, #tpu.memory_space<vmem>>, vector<16xf32>,
    %swap3A_123 = vector.shape_cast %swap3A_122 : vector<16xf32> to vector<16xf32>
    %swap3A_124 = vector.shape_cast %broadcast_in_dim3A_120 : vector<16xf32> to vector<16xf32>
    tpu.vector_store %arg13[%swap3A_121], %swap3A_124 {strides = array<i32>} : memref<640xf32, #tpu.memory_space<vmem>>, vector<16xf32>,
    %broadcast_in_dim3A_125 = arith.constant 0.000000e+00 : f32
    %broadcast_in_dim3A_126 = vector.broadcast %broadcast_in_dim3A_125 : f32 to vector<16xf32>
    %swap3A_127 = arith.constant 320 : index
    %swap3A_128 = tpu.vector_load %arg13[%swap3A_127] {strides = array<i32>} : memref<640xf32, #tpu.memory_space<vmem>>, vector<16xf32>,
    %swap3A_129 = vector.shape_cast %swap3A_128 : vector<16xf32> to vector<16xf32>
    %swap3A_130 = vector.shape_cast %broadcast_in_dim3A_126 : vector<16xf32> to vector<16xf32>
    tpu.vector_store %arg13[%swap3A_127], %swap3A_130 {strides = array<i32>} : memref<640xf32, #tpu.memory_space<vmem>>, vector<16xf32>,
    %broadcast_in_dim3A_131 = arith.constant 0.000000e+00 : f32
    %broadcast_in_dim3A_132 = vector.broadcast %broadcast_in_dim3A_131 : f32 to vector<16xf32>
    %swap3A_133 = arith.constant 336 : index
    %swap3A_134 = tpu.vector_load %arg13[%swap3A_133] {strides = array<i32>} : memref<640xf32, #tpu.memory_space<vmem>>, vector<16xf32>,
    %swap3A_135 = vector.shape_cast %swap3A_134 : vector<16xf32> to vector<16xf32>
    %swap3A_136 = vector.shape_cast %broadcast_in_dim3A_132 : vector<16xf32> to vector<16xf32>
    tpu.vector_store %arg13[%swap3A_133], %swap3A_136 {strides = array<i32>} : memref<640xf32, #tpu.memory_space<vmem>>, vector<16xf32>,
    %broadcast_in_dim3A_137 = arith.constant 0.000000e+00 : f32
    %broadcast_in_dim3A_138 = vector.broadcast %broadcast_in_dim3A_137 : f32 to vector<16xf32>
    %swap3A_139 = arith.constant 352 : index
    %swap3A_140 = tpu.vector_load %arg13[%swap3A_139] {strides = array<i32>} : memref<640xf32, #tpu.memory_space<vmem>>, vector<16xf32>,
    %swap3A_141 = vector.shape_cast %swap3A_140 : vector<16xf32> to vector<16xf32>
    %swap3A_142 = vector.shape_cast %broadcast_in_dim3A_138 : vector<16xf32> to vector<16xf32>
    tpu.vector_store %arg13[%swap3A_139], %swap3A_142 {strides = array<i32>} : memref<640xf32, #tpu.memory_space<vmem>>, vector<16xf32>,
    %broadcast_in_dim3A_143 = arith.constant 0.000000e+00 : f32
    %broadcast_in_dim3A_144 = vector.broadcast %broadcast_in_dim3A_143 : f32 to vector<16xf32>
    %swap3A_145 = arith.constant 368 : index
    %swap3A_146 = tpu.vector_load %arg13[%swap3A_145] {strides = array<i32>} : memref<640xf32, #tpu.memory_space<vmem>>, vector<16xf32>,
    %swap3A_147 = vector.shape_cast %swap3A_146 : vector<16xf32> to vector<16xf32>
    %swap3A_148 = vector.shape_cast %broadcast_in_dim3A_144 : vector<16xf32> to vector<16xf32>
    tpu.vector_store %arg13[%swap3A_145], %swap3A_148 {strides = array<i32>} : memref<640xf32, #tpu.memory_space<vmem>>, vector<16xf32>,
    %broadcast_in_dim3A_149 = arith.constant 0.000000e+00 : f32
    %broadcast_in_dim3A_150 = vector.broadcast %broadcast_in_dim3A_149 : f32 to vector<16xf32>
    %swap3A_151 = arith.constant 384 : index
    %swap3A_152 = tpu.vector_load %arg13[%swap3A_151] {strides = array<i32>} : memref<640xf32, #tpu.memory_space<vmem>>, vector<16xf32>,
    %swap3A_153 = vector.shape_cast %swap3A_152 : vector<16xf32> to vector<16xf32>
    %swap3A_154 = vector.shape_cast %broadcast_in_dim3A_150 : vector<16xf32> to vector<16xf32>
    tpu.vector_store %arg13[%swap3A_151], %swap3A_154 {strides = array<i32>} : memref<640xf32, #tpu.memory_space<vmem>>, vector<16xf32>,
    %broadcast_in_dim3A_155 = arith.constant 0.000000e+00 : f32
    %broadcast_in_dim3A_156 = vector.broadcast %broadcast_in_dim3A_155 : f32 to vector<16xf32>
    %swap3A_157 = arith.constant 400 : index
    %swap3A_158 = tpu.vector_load %arg13[%swap3A_157] {strides = array<i32>} : memref<640xf32, #tpu.memory_space<vmem>>, vector<16xf32>,
    %swap3A_159 = vector.shape_cast %swap3A_158 : vector<16xf32> to vector<16xf32>
    %swap3A_160 = vector.shape_cast %broadcast_in_dim3A_156 : vector<16xf32> to vector<16xf32>
    tpu.vector_store %arg13[%swap3A_157], %swap3A_160 {strides = array<i32>} : memref<640xf32, #tpu.memory_space<vmem>>, vector<16xf32>,
    %broadcast_in_dim3A_161 = arith.constant 0.000000e+00 : f32
    %broadcast_in_dim3A_162 = vector.broadcast %broadcast_in_dim3A_161 : f32 to vector<16xf32>
    %swap3A_163 = arith.constant 416 : index
    %swap3A_164 = tpu.vector_load %arg13[%swap3A_163] {strides = array<i32>} : memref<640xf32, #tpu.memory_space<vmem>>, vector<16xf32>,
    %swap3A_165 = vector.shape_cast %swap3A_164 : vector<16xf32> to vector<16xf32>
    %swap3A_166 = vector.shape_cast %broadcast_in_dim3A_162 : vector<16xf32> to vector<16xf32>
    tpu.vector_store %arg13[%swap3A_163], %swap3A_166 {strides = array<i32>} : memref<640xf32, #tpu.memory_space<vmem>>, vector<16xf32>,
    %broadcast_in_dim3A_167 = arith.constant 0.000000e+00 : f32
    %broadcast_in_dim3A_168 = vector.broadcast %broadcast_in_dim3A_167 : f32 to vector<16xf32>
    %swap3A_169 = arith.constant 432 : index
    %swap3A_170 = tpu.vector_load %arg13[%swap3A_169] {strides = array<i32>} : memref<640xf32, #tpu.memory_space<vmem>>, vector<16xf32>,
    %swap3A_171 = vector.shape_cast %swap3A_170 : vector<16xf32> to vector<16xf32>
    %swap3A_172 = vector.shape_cast %broadcast_in_dim3A_168 : vector<16xf32> to vector<16xf32>
    tpu.vector_store %arg13[%swap3A_169], %swap3A_172 {strides = array<i32>} : memref<640xf32, #tpu.memory_space<vmem>>, vector<16xf32>,
    %broadcast_in_dim3A_173 = arith.constant 0.000000e+00 : f32
    %broadcast_in_dim3A_174 = vector.broadcast %broadcast_in_dim3A_173 : f32 to vector<16xf32>
    %swap3A_175 = arith.constant 448 : index
    %swap3A_176 = tpu.vector_load %arg13[%swap3A_175] {strides = array<i32>} : memref<640xf32, #tpu.memory_space<vmem>>, vector<16xf32>,
    %swap3A_177 = vector.shape_cast %swap3A_176 : vector<16xf32> to vector<16xf32>
    %swap3A_178 = vector.shape_cast %broadcast_in_dim3A_174 : vector<16xf32> to vector<16xf32>
    tpu.vector_store %arg13[%swap3A_175], %swap3A_178 {strides = array<i32>} : memref<640xf32, #tpu.memory_space<vmem>>, vector<16xf32>,
    %broadcast_in_dim3A_179 = arith.constant 0.000000e+00 : f32
    %broadcast_in_dim3A_180 = vector.broadcast %broadcast_in_dim3A_179 : f32 to vector<16xf32>
    %swap3A_181 = arith.constant 464 : index
    %swap3A_182 = tpu.vector_load %arg13[%swap3A_181] {strides = array<i32>} : memref<640xf32, #tpu.memory_space<vmem>>, vector<16xf32>,
    %swap3A_183 = vector.shape_cast %swap3A_182 : vector<16xf32> to vector<16xf32>
    %swap3A_184 = vector.shape_cast %broadcast_in_dim3A_180 : vector<16xf32> to vector<16xf32>
    tpu.vector_store %arg13[%swap3A_181], %swap3A_184 {strides = array<i32>} : memref<640xf32, #tpu.memory_space<vmem>>, vector<16xf32>,
    %broadcast_in_dim3A_185 = arith.constant 0.000000e+00 : f32
    %broadcast_in_dim3A_186 = vector.broadcast %broadcast_in_dim3A_185 : f32 to vector<16xf32>
    %swap3A_187 = arith.constant 480 : index
    %swap3A_188 = tpu.vector_load %arg13[%swap3A_187] {strides = array<i32>} : memref<640xf32, #tpu.memory_space<vmem>>, vector<16xf32>,
    %swap3A_189 = vector.shape_cast %swap3A_188 : vector<16xf32> to vector<16xf32>
    %swap3A_190 = vector.shape_cast %broadcast_in_dim3A_186 : vector<16xf32> to vector<16xf32>
    tpu.vector_store %arg13[%swap3A_187], %swap3A_190 {strides = array<i32>} : memref<640xf32, #tpu.memory_space<vmem>>, vector<16xf32>,
    %broadcast_in_dim3A_191 = arith.constant 0.000000e+00 : f32
    %broadcast_in_dim3A_192 = vector.broadcast %broadcast_in_dim3A_191 : f32 to vector<16xf32>
    %swap3A_193 = arith.constant 496 : index
    %swap3A_194 = tpu.vector_load %arg13[%swap3A_193] {strides = array<i32>} : memref<640xf32, #tpu.memory_space<vmem>>, vector<16xf32>,
    %swap3A_195 = vector.shape_cast %swap3A_194 : vector<16xf32> to vector<16xf32>
    %swap3A_196 = vector.shape_cast %broadcast_in_dim3A_192 : vector<16xf32> to vector<16xf32>
    tpu.vector_store %arg13[%swap3A_193], %swap3A_196 {strides = array<i32>} : memref<640xf32, #tpu.memory_space<vmem>>, vector<16xf32>,
    %broadcast_in_dim3A_197 = arith.constant 0.000000e+00 : f32
    %broadcast_in_dim3A_198 = vector.broadcast %broadcast_in_dim3A_197 : f32 to vector<16xf32>
    %swap3A_199 = arith.constant 512 : index
    %swap3A_200 = tpu.vector_load %arg13[%swap3A_199] {strides = array<i32>} : memref<640xf32, #tpu.memory_space<vmem>>, vector<16xf32>,
    %swap3A_201 = vector.shape_cast %swap3A_200 : vector<16xf32> to vector<16xf32>
    %swap3A_202 = vector.shape_cast %broadcast_in_dim3A_198 : vector<16xf32> to vector<16xf32>
    tpu.vector_store %arg13[%swap3A_199], %swap3A_202 {strides = array<i32>} : memref<640xf32, #tpu.memory_space<vmem>>, vector<16xf32>,
    %broadcast_in_dim3A_203 = arith.constant 0.000000e+00 : f32
    %broadcast_in_dim3A_204 = vector.broadcast %broadcast_in_dim3A_203 : f32 to vector<16xf32>
    %swap3A_205 = arith.constant 528 : index
    %swap3A_206 = tpu.vector_load %arg13[%swap3A_205] {strides = array<i32>} : memref<640xf32, #tpu.memory_space<vmem>>, vector<16xf32>,
    %swap3A_207 = vector.shape_cast %swap3A_206 : vector<16xf32> to vector<16xf32>
    %swap3A_208 = vector.shape_cast %broadcast_in_dim3A_204 : vector<16xf32> to vector<16xf32>
    tpu.vector_store %arg13[%swap3A_205], %swap3A_208 {strides = array<i32>} : memref<640xf32, #tpu.memory_space<vmem>>, vector<16xf32>,
    %broadcast_in_dim3A_209 = arith.constant 0.000000e+00 : f32
    %broadcast_in_dim3A_210 = vector.broadcast %broadcast_in_dim3A_209 : f32 to vector<16xf32>
    %swap3A_211 = arith.constant 544 : index
    %swap3A_212 = tpu.vector_load %arg13[%swap3A_211] {strides = array<i32>} : memref<640xf32, #tpu.memory_space<vmem>>, vector<16xf32>,
    %swap3A_213 = vector.shape_cast %swap3A_212 : vector<16xf32> to vector<16xf32>
    %swap3A_214 = vector.shape_cast %broadcast_in_dim3A_210 : vector<16xf32> to vector<16xf32>
    tpu.vector_store %arg13[%swap3A_211], %swap3A_214 {strides = array<i32>} : memref<640xf32, #tpu.memory_space<vmem>>, vector<16xf32>,
    %broadcast_in_dim3A_215 = arith.constant 0.000000e+00 : f32
    %broadcast_in_dim3A_216 = vector.broadcast %broadcast_in_dim3A_215 : f32 to vector<16xf32>
    %swap3A_217 = arith.constant 560 : index
    %swap3A_218 = tpu.vector_load %arg13[%swap3A_217] {strides = array<i32>} : memref<640xf32, #tpu.memory_space<vmem>>, vector<16xf32>,
    %swap3A_219 = vector.shape_cast %swap3A_218 : vector<16xf32> to vector<16xf32>
    %swap3A_220 = vector.shape_cast %broadcast_in_dim3A_216 : vector<16xf32> to vector<16xf32>
    tpu.vector_store %arg13[%swap3A_217], %swap3A_220 {strides = array<i32>} : memref<640xf32, #tpu.memory_space<vmem>>, vector<16xf32>,
    %broadcast_in_dim3A_221 = arith.constant 0.000000e+00 : f32
    %broadcast_in_dim3A_222 = vector.broadcast %broadcast_in_dim3A_221 : f32 to vector<16xf32>
    %swap3A_223 = arith.constant 576 : index
    %swap3A_224 = tpu.vector_load %arg13[%swap3A_223] {strides = array<i32>} : memref<640xf32, #tpu.memory_space<vmem>>, vector<16xf32>,
    %swap3A_225 = vector.shape_cast %swap3A_224 : vector<16xf32> to vector<16xf32>
    %swap3A_226 = vector.shape_cast %broadcast_in_dim3A_222 : vector<16xf32> to vector<16xf32>
    tpu.vector_store %arg13[%swap3A_223], %swap3A_226 {strides = array<i32>} : memref<640xf32, #tpu.memory_space<vmem>>, vector<16xf32>,
    %broadcast_in_dim3A_227 = arith.constant 0.000000e+00 : f32
    %broadcast_in_dim3A_228 = vector.broadcast %broadcast_in_dim3A_227 : f32 to vector<16xf32>
    %swap3A_229 = arith.constant 592 : index
    %swap3A_230 = tpu.vector_load %arg13[%swap3A_229] {strides = array<i32>} : memref<640xf32, #tpu.memory_space<vmem>>, vector<16xf32>,
    %swap3A_231 = vector.shape_cast %swap3A_230 : vector<16xf32> to vector<16xf32>
    %swap3A_232 = vector.shape_cast %broadcast_in_dim3A_228 : vector<16xf32> to vector<16xf32>
    tpu.vector_store %arg13[%swap3A_229], %swap3A_232 {strides = array<i32>} : memref<640xf32, #tpu.memory_space<vmem>>, vector<16xf32>,
    %broadcast_in_dim3A_233 = arith.constant 0.000000e+00 : f32
    %broadcast_in_dim3A_234 = vector.broadcast %broadcast_in_dim3A_233 : f32 to vector<16xf32>
    %swap3A_235 = arith.constant 608 : index
    %swap3A_236 = tpu.vector_load %arg13[%swap3A_235] {strides = array<i32>} : memref<640xf32, #tpu.memory_space<vmem>>, vector<16xf32>,
    %swap3A_237 = vector.shape_cast %swap3A_236 : vector<16xf32> to vector<16xf32>
    %swap3A_238 = vector.shape_cast %broadcast_in_dim3A_234 : vector<16xf32> to vector<16xf32>
    tpu.vector_store %arg13[%swap3A_235], %swap3A_238 {strides = array<i32>} : memref<640xf32, #tpu.memory_space<vmem>>, vector<16xf32>,
    %broadcast_in_dim3A_239 = arith.constant 0.000000e+00 : f32
    %broadcast_in_dim3A_240 = vector.broadcast %broadcast_in_dim3A_239 : f32 to vector<16xf32>
    %swap3A_241 = arith.constant 624 : index
    %swap3A_242 = tpu.vector_load %arg13[%swap3A_241] {strides = array<i32>} : memref<640xf32, #tpu.memory_space<vmem>>, vector<16xf32>,
    %swap3A_243 = vector.shape_cast %swap3A_242 : vector<16xf32> to vector<16xf32>
    %swap3A_244 = vector.shape_cast %broadcast_in_dim3A_240 : vector<16xf32> to vector<16xf32>
    tpu.vector_store %arg13[%swap3A_241], %swap3A_244 {strides = array<i32>} : memref<640xf32, #tpu.memory_space<vmem>>, vector<16xf32>,
    "tpu.region"() ({
      %run_scoped3A_275 = tpu.sem_alloc : memref<!tpu.dma_semaphore, #tpu.memory_space<semaphore_mem>>
      %dma_start3A_276 = tpu.memref_slice %arg14[%mul3A_2] : memref<10240xf32, #tpu.memory_space<vmem_shared>> -> memref<640xf32, #tpu.memory_space<vmem_shared>>
      %dma_start3A_277 = tpu.memref_slice %arg14[%mul3A_2] : memref<10240xf32, #tpu.memory_space<vmem_shared>> -> memref<640xf32, #tpu.memory_space<vmem_shared>>
      tpu.enqueue_dma source(%arg13 : memref<640xf32, #tpu.memory_space<vmem>>) target(%dma_start3A_277 : memref<640xf32, #tpu.memory_space<vmem_shared>>) target_semaphore(%run_scoped3A_275 : memref<!tpu.dma_semaphore, #tpu.memory_space<semaphore_mem>>)
      %dma_wait3A = tpu.memref_slice %arg14[%mul3A_2] : memref<10240xf32, #tpu.memory_space<vmem_shared>> -> memref<640xf32, #tpu.memory_space<vmem_shared>>
      %dma_wait3A_278 = tpu.memref_slice %arg14[%mul3A_2] : memref<10240xf32, #tpu.memory_space<vmem_shared>> -> memref<640xf32, #tpu.memory_space<vmem_shared>>
      tpu.wait_dma2 semaphore(%run_scoped3A_275 : memref<!tpu.dma_semaphore, #tpu.memory_space<semaphore_mem>>) src(%arg13 : memref<640xf32, #tpu.memory_space<vmem>>) dst(%dma_wait3A_278 : memref<640xf32, #tpu.memory_space<vmem_shared>>)
      tpu.yield
    }) : () -> ()
    "tpu.region"() ({
      %run_scoped3A_275 = tpu.sem_alloc : memref<!tpu.dma_semaphore, #tpu.memory_space<semaphore_mem>>
      %dma_start3A_276 = tpu.memref_slice %arg15[%mul3A_2] : memref<10240xf32, #tpu.memory_space<vmem_shared>> -> memref<640xf32, #tpu.memory_space<vmem_shared>>
      %dma_start3A_277 = tpu.memref_slice %arg15[%mul3A_2] : memref<10240xf32, #tpu.memory_space<vmem_shared>> -> memref<640xf32, #tpu.memory_space<vmem_shared>>
      tpu.enqueue_dma source(%arg13 : memref<640xf32, #tpu.memory_space<vmem>>) target(%dma_start3A_277 : memref<640xf32, #tpu.memory_space<vmem_shared>>) target_semaphore(%run_scoped3A_275 : memref<!tpu.dma_semaphore, #tpu.memory_space<semaphore_mem>>)
      %dma_wait3A = tpu.memref_slice %arg15[%mul3A_2] : memref<10240xf32, #tpu.memory_space<vmem_shared>> -> memref<640xf32, #tpu.memory_space<vmem_shared>>
      %dma_wait3A_278 = tpu.memref_slice %arg15[%mul3A_2] : memref<10240xf32, #tpu.memory_space<vmem_shared>> -> memref<640xf32, #tpu.memory_space<vmem_shared>>
      tpu.wait_dma2 semaphore(%run_scoped3A_275 : memref<!tpu.dma_semaphore, #tpu.memory_space<semaphore_mem>>) src(%arg13 : memref<640xf32, #tpu.memory_space<vmem>>) dst(%dma_wait3A_278 : memref<640xf32, #tpu.memory_space<vmem_shared>>)
      tpu.yield
    }) : () -> ()
    %barrier3A = arith.constant 0 : index
    tpu.barrier barrier_id(%barrier3A)
    %dma_start3A = arith.constant 0 : i32
    %dma_start3A_245 = arith.constant 0 : i32
    %dma_start3A_246 = tpu.memref_slice %arg7[%dma_start3A, %dma_start3A_245] : memref<80x128xi32, #tpu.memory_space<vmem>> -> memref<1x128xi32, #tpu.memory_space<vmem>>
    %dma_start3A_247 = tpu.memref_squeeze %dma_start3A_246 : memref<1x128xi32, #tpu.memory_space<vmem>> -> memref<128xi32, #tpu.memory_space<vmem>>
    %dma_start3A_248 = arith.constant 0 : i32
    %dma_start3A_249 = tpu.memref_slice %arg4[%dma_start3A_248] : memref<10240xf32, #tpu.memory_space<hbm>> -> memref<10240xf32, #tpu.memory_space<hbm>>
    tpu.enqueue_indirect_dma source(%dma_start3A_249 : memref<10240xf32, #tpu.memory_space<hbm>>) target(%arg9 : memref<128xf32, #tpu.memory_space<vmem>>) offsets(%dma_start3A_247 : memref<128xi32, #tpu.memory_space<vmem>>) semaphore(%arg16 : memref<!tpu.dma_semaphore, #tpu.memory_space<semaphore_mem>>)
    %dma_start3A_250 = arith.constant 0 : i32
    %dma_start3A_251 = arith.constant 0 : i32
    %dma_start3A_252 = tpu.memref_slice %arg7[%dma_start3A_250, %dma_start3A_251] : memref<80x128xi32, #tpu.memory_space<vmem>> -> memref<1x128xi32, #tpu.memory_space<vmem>>
    %dma_start3A_253 = tpu.memref_squeeze %dma_start3A_252 : memref<1x128xi32, #tpu.memory_space<vmem>> -> memref<128xi32, #tpu.memory_space<vmem>>
    %dma_start3A_254 = arith.constant 0 : i32
    %dma_start3A_255 = tpu.memref_slice %arg5[%dma_start3A_254] : memref<10240xf32, #tpu.memory_space<hbm>> -> memref<10240xf32, #tpu.memory_space<hbm>>
    tpu.enqueue_indirect_dma source(%dma_start3A_255 : memref<10240xf32, #tpu.memory_space<hbm>>) target(%arg11 : memref<128xf32, #tpu.memory_space<vmem>>) offsets(%dma_start3A_253 : memref<128xi32, #tpu.memory_space<vmem>>) semaphore(%arg16 : memref<!tpu.dma_semaphore, #tpu.memory_space<semaphore_mem>>)
    %dma_start3A_256 = arith.constant 1 : i32
    %dma_start3A_257 = arith.constant 0 : i32
    %dma_start3A_258 = tpu.memref_slice %arg7[%dma_start3A_256, %dma_start3A_257] : memref<80x128xi32, #tpu.memory_space<vmem>> -> memref<1x128xi32, #tpu.memory_space<vmem>>
    %dma_start3A_259 = tpu.memref_squeeze %dma_start3A_258 : memref<1x128xi32, #tpu.memory_space<vmem>> -> memref<128xi32, #tpu.memory_space<vmem>>
    %dma_start3A_260 = arith.constant 0 : i32
    %dma_start3A_261 = tpu.memref_slice %arg4[%dma_start3A_260] : memref<10240xf32, #tpu.memory_space<hbm>> -> memref<10240xf32, #tpu.memory_space<hbm>>
    tpu.enqueue_indirect_dma source(%dma_start3A_261 : memref<10240xf32, #tpu.memory_space<hbm>>) target(%arg10 : memref<128xf32, #tpu.memory_space<vmem>>) offsets(%dma_start3A_259 : memref<128xi32, #tpu.memory_space<vmem>>) semaphore(%arg17 : memref<!tpu.dma_semaphore, #tpu.memory_space<semaphore_mem>>)
    %dma_start3A_262 = arith.constant 1 : i32
    %dma_start3A_263 = arith.constant 0 : i32
    %dma_start3A_264 = tpu.memref_slice %arg7[%dma_start3A_262, %dma_start3A_263] : memref<80x128xi32, #tpu.memory_space<vmem>> -> memref<1x128xi32, #tpu.memory_space<vmem>>
    %dma_start3A_265 = tpu.memref_squeeze %dma_start3A_264 : memref<1x128xi32, #tpu.memory_space<vmem>> -> memref<128xi32, #tpu.memory_space<vmem>>
    %dma_start3A_266 = arith.constant 0 : i32
    %dma_start3A_267 = tpu.memref_slice %arg5[%dma_start3A_266] : memref<10240xf32, #tpu.memory_space<hbm>> -> memref<10240xf32, #tpu.memory_space<hbm>>
    tpu.enqueue_indirect_dma source(%dma_start3A_267 : memref<10240xf32, #tpu.memory_space<hbm>>) target(%arg12 : memref<128xf32, #tpu.memory_space<vmem>>) offsets(%dma_start3A_265 : memref<128xi32, #tpu.memory_space<vmem>>) semaphore(%arg17 : memref<!tpu.dma_semaphore, #tpu.memory_space<semaphore_mem>>)
    %scan3A = arith.constant 0 : i32
    %scan3A_268 = arith.constant 0 : i32
    %scan3A_269 = arith.constant 40 : i32
    %scan3A_270 = arith.addi %scan3A_268, %scan3A_269 : i32
    %scan3A_271 = arith.constant 1 : i32
    scf.for %scan3A_275 = %scan3A_268 to %scan3A_270 step %scan3A_271  : i32 {
      %mul3A_276 = arith.constant 2 : i32
      %mul3A_277 = arith.muli %scan3A_275, %mul3A_276 : i32
      %add3A_278 = arith.constant 0 : i32
      %add3A_279 = arith.addi %mul3A_277, %add3A_278 : i32
      %dma_wait3A = arith.constant 0 : i32
      %dma_wait3A_280 = tpu.memref_slice %arg7[%add3A_279, %dma_wait3A] : memref<80x128xi32, #tpu.memory_space<vmem>> -> memref<1x128xi32, #tpu.memory_space<vmem>>
      %dma_wait3A_281 = tpu.memref_squeeze %dma_wait3A_280 : memref<1x128xi32, #tpu.memory_space<vmem>> -> memref<128xi32, #tpu.memory_space<vmem>>
      %dma_wait3A_282 = arith.constant 0 : i32
      %dma_wait3A_283 = tpu.memref_slice %arg4[%dma_wait3A_282] : memref<10240xf32, #tpu.memory_space<hbm>> -> memref<10240xf32, #tpu.memory_space<hbm>>
      tpu.wait_indirect_dma semaphore(%arg16 : memref<!tpu.dma_semaphore, #tpu.memory_space<semaphore_mem>>) src(%dma_wait3A_283 : memref<10240xf32, #tpu.memory_space<hbm>>) dst(%arg9 : memref<128xf32, #tpu.memory_space<vmem>>)
      %dma_wait3A_284 = arith.constant 0 : i32
      %dma_wait3A_285 = tpu.memref_slice %arg7[%add3A_279, %dma_wait3A_284] : memref<80x128xi32, #tpu.memory_space<vmem>> -> memref<1x128xi32, #tpu.memory_space<vmem>>
      %dma_wait3A_286 = tpu.memref_squeeze %dma_wait3A_285 : memref<1x128xi32, #tpu.memory_space<vmem>> -> memref<128xi32, #tpu.memory_space<vmem>>
      %dma_wait3A_287 = arith.constant 0 : i32
      %dma_wait3A_288 = tpu.memref_slice %arg5[%dma_wait3A_287] : memref<10240xf32, #tpu.memory_space<hbm>> -> memref<10240xf32, #tpu.memory_space<hbm>>
      tpu.wait_indirect_dma semaphore(%arg16 : memref<!tpu.dma_semaphore, #tpu.memory_space<semaphore_mem>>) src(%dma_wait3A_288 : memref<10240xf32, #tpu.memory_space<hbm>>) dst(%arg11 : memref<128xf32, #tpu.memory_space<vmem>>)
      "tpu.region"() ({
        %run_scoped3A_314 = tpu.sem_alloc : memref<!tpu.dma_semaphore, #tpu.memory_space<semaphore_mem>>
        %dma_start3A_315 = arith.constant 0 : i32
        %dma_start3A_316 = tpu.memref_slice %arg8[%add3A_279, %dma_start3A_315] : memref<80x128xi32, #tpu.memory_space<vmem>> -> memref<1x128xi32, #tpu.memory_space<vmem>>
        %dma_start3A_317 = tpu.memref_squeeze %dma_start3A_316 : memref<1x128xi32, #tpu.memory_space<vmem>> -> memref<128xi32, #tpu.memory_space<vmem>>
        %dma_start3A_318 = arith.constant 0 : i32
        %dma_start3A_319 = tpu.memref_slice %arg14[%dma_start3A_318] : memref<10240xf32, #tpu.memory_space<vmem_shared>> -> memref<10240xf32, #tpu.memory_space<vmem_shared>>
        tpu.enqueue_indirect_dma source(%arg9 : memref<128xf32, #tpu.memory_space<vmem>>) target(%dma_start3A_319 : memref<10240xf32, #tpu.memory_space<vmem_shared>>) offsets(%dma_start3A_317 : memref<128xi32, #tpu.memory_space<vmem>>) semaphore(%run_scoped3A_314 : memref<!tpu.dma_semaphore, #tpu.memory_space<semaphore_mem>>) {add = true}
        %dma_wait3A_320 = arith.constant 0 : i32
        %dma_wait3A_321 = tpu.memref_slice %arg8[%add3A_279, %dma_wait3A_320] : memref<80x128xi32, #tpu.memory_space<vmem>> -> memref<1x128xi32, #tpu.memory_space<vmem>>
        %dma_wait3A_322 = tpu.memref_squeeze %dma_wait3A_321 : memref<1x128xi32, #tpu.memory_space<vmem>> -> memref<128xi32, #tpu.memory_space<vmem>>
        %dma_wait3A_323 = arith.constant 0 : i32
        %dma_wait3A_324 = tpu.memref_slice %arg14[%dma_wait3A_323] : memref<10240xf32, #tpu.memory_space<vmem_shared>> -> memref<10240xf32, #tpu.memory_space<vmem_shared>>
        tpu.wait_indirect_dma semaphore(%run_scoped3A_314 : memref<!tpu.dma_semaphore, #tpu.memory_space<semaphore_mem>>) src(%arg9 : memref<128xf32, #tpu.memory_space<vmem>>) dst(%dma_wait3A_324 : memref<10240xf32, #tpu.memory_space<vmem_shared>>)
        tpu.yield
      }) : () -> ()
      "tpu.region"() ({
        %run_scoped3A_314 = tpu.sem_alloc : memref<!tpu.dma_semaphore, #tpu.memory_space<semaphore_mem>>
        %dma_start3A_315 = arith.constant 0 : i32
        %dma_start3A_316 = tpu.memref_slice %arg8[%add3A_279, %dma_start3A_315] : memref<80x128xi32, #tpu.memory_space<vmem>> -> memref<1x128xi32, #tpu.memory_space<vmem>>
        %dma_start3A_317 = tpu.memref_squeeze %dma_start3A_316 : memref<1x128xi32, #tpu.memory_space<vmem>> -> memref<128xi32, #tpu.memory_space<vmem>>
        %dma_start3A_318 = arith.constant 0 : i32
        %dma_start3A_319 = tpu.memref_slice %arg15[%dma_start3A_318] : memref<10240xf32, #tpu.memory_space<vmem_shared>> -> memref<10240xf32, #tpu.memory_space<vmem_shared>>
        tpu.enqueue_indirect_dma source(%arg11 : memref<128xf32, #tpu.memory_space<vmem>>) target(%dma_start3A_319 : memref<10240xf32, #tpu.memory_space<vmem_shared>>) offsets(%dma_start3A_317 : memref<128xi32, #tpu.memory_space<vmem>>) semaphore(%run_scoped3A_314 : memref<!tpu.dma_semaphore, #tpu.memory_space<semaphore_mem>>) {add = true}
        %dma_wait3A_320 = arith.constant 0 : i32
        %dma_wait3A_321 = tpu.memref_slice %arg8[%add3A_279, %dma_wait3A_320] : memref<80x128xi32, #tpu.memory_space<vmem>> -> memref<1x128xi32, #tpu.memory_space<vmem>>
        %dma_wait3A_322 = tpu.memref_squeeze %dma_wait3A_321 : memref<1x128xi32, #tpu.memory_space<vmem>> -> memref<128xi32, #tpu.memory_space<vmem>>
        %dma_wait3A_323 = arith.constant 0 : i32
        %dma_wait3A_324 = tpu.memref_slice %arg15[%dma_wait3A_323] : memref<10240xf32, #tpu.memory_space<vmem_shared>> -> memref<10240xf32, #tpu.memory_space<vmem_shared>>
        tpu.wait_indirect_dma semaphore(%run_scoped3A_314 : memref<!tpu.dma_semaphore, #tpu.memory_space<semaphore_mem>>) src(%arg11 : memref<128xf32, #tpu.memory_space<vmem>>) dst(%dma_wait3A_324 : memref<10240xf32, #tpu.memory_space<vmem_shared>>)
        tpu.yield
      }) : () -> ()
      %add3A_289 = arith.constant 2 : i32
      %add3A_290 = arith.addi %add3A_279, %add3A_289 : i32
      %lt3A = arith.constant 80 : i32
      %lt3A_291 = arith.cmpi slt, %add3A_290, %lt3A : i32
      %convert_element_type3A = arith.extui %lt3A_291 : i1 to i32
      %cond3A = arith.constant 0 : i32
      %cond3A_292 = arith.cmpi ne, %convert_element_type3A, %cond3A : i32
      scf.if %cond3A_292 {
        %add3A_314 = arith.constant 2 : i32
        %add3A_315 = arith.addi %add3A_279, %add3A_314 : i32
        %dma_start3A_316 = arith.constant 0 : i32
        %dma_start3A_317 = tpu.memref_slice %arg7[%add3A_315, %dma_start3A_316] : memref<80x128xi32, #tpu.memory_space<vmem>> -> memref<1x128xi32, #tpu.memory_space<vmem>>
        %dma_start3A_318 = tpu.memref_squeeze %dma_start3A_317 : memref<1x128xi32, #tpu.memory_space<vmem>> -> memref<128xi32, #tpu.memory_space<vmem>>
        %dma_start3A_319 = arith.constant 0 : i32
        %dma_start3A_320 = tpu.memref_slice %arg4[%dma_start3A_319] : memref<10240xf32, #tpu.memory_space<hbm>> -> memref<10240xf32, #tpu.memory_space<hbm>>
        tpu.enqueue_indirect_dma source(%dma_start3A_320 : memref<10240xf32, #tpu.memory_space<hbm>>) target(%arg9 : memref<128xf32, #tpu.memory_space<vmem>>) offsets(%dma_start3A_318 : memref<128xi32, #tpu.memory_space<vmem>>) semaphore(%arg16 : memref<!tpu.dma_semaphore, #tpu.memory_space<semaphore_mem>>)
        %add3A_321 = arith.constant 2 : i32
        %add3A_322 = arith.addi %add3A_279, %add3A_321 : i32
        %dma_start3A_323 = arith.constant 0 : i32
        %dma_start3A_324 = tpu.memref_slice %arg7[%add3A_322, %dma_start3A_323] : memref<80x128xi32, #tpu.memory_space<vmem>> -> memref<1x128xi32, #tpu.memory_space<vmem>>
        %dma_start3A_325 = tpu.memref_squeeze %dma_start3A_324 : memref<1x128xi32, #tpu.memory_space<vmem>> -> memref<128xi32, #tpu.memory_space<vmem>>
        %dma_start3A_326 = arith.constant 0 : i32
        %dma_start3A_327 = tpu.memref_slice %arg5[%dma_start3A_326] : memref<10240xf32, #tpu.memory_space<hbm>> -> memref<10240xf32, #tpu.memory_space<hbm>>
        tpu.enqueue_indirect_dma source(%dma_start3A_327 : memref<10240xf32, #tpu.memory_space<hbm>>) target(%arg11 : memref<128xf32, #tpu.memory_space<vmem>>) offsets(%dma_start3A_325 : memref<128xi32, #tpu.memory_space<vmem>>) semaphore(%arg16 : memref<!tpu.dma_semaphore, #tpu.memory_space<semaphore_mem>>)
      } else {
      }
      %mul3A_293 = arith.constant 2 : i32
      %mul3A_294 = arith.muli %scan3A_275, %mul3A_293 : i32
      %add3A_295 = arith.constant 1 : i32
      %add3A_296 = arith.addi %mul3A_294, %add3A_295 : i32
      %dma_wait3A_297 = arith.constant 0 : i32
      %dma_wait3A_298 = tpu.memref_slice %arg7[%add3A_296, %dma_wait3A_297] : memref<80x128xi32, #tpu.memory_space<vmem>> -> memref<1x128xi32, #tpu.memory_space<vmem>>
      %dma_wait3A_299 = tpu.memref_squeeze %dma_wait3A_298 : memref<1x128xi32, #tpu.memory_space<vmem>> -> memref<128xi32, #tpu.memory_space<vmem>>
      %dma_wait3A_300 = arith.constant 0 : i32
      %dma_wait3A_301 = tpu.memref_slice %arg4[%dma_wait3A_300] : memref<10240xf32, #tpu.memory_space<hbm>> -> memref<10240xf32, #tpu.memory_space<hbm>>
      tpu.wait_indirect_dma semaphore(%arg17 : memref<!tpu.dma_semaphore, #tpu.memory_space<semaphore_mem>>) src(%dma_wait3A_301 : memref<10240xf32, #tpu.memory_space<hbm>>) dst(%arg10 : memref<128xf32, #tpu.memory_space<vmem>>)
      %dma_wait3A_302 = arith.constant 0 : i32
      %dma_wait3A_303 = tpu.memref_slice %arg7[%add3A_296, %dma_wait3A_302] : memref<80x128xi32, #tpu.memory_space<vmem>> -> memref<1x128xi32, #tpu.memory_space<vmem>>
      %dma_wait3A_304 = tpu.memref_squeeze %dma_wait3A_303 : memref<1x128xi32, #tpu.memory_space<vmem>> -> memref<128xi32, #tpu.memory_space<vmem>>
      %dma_wait3A_305 = arith.constant 0 : i32
      %dma_wait3A_306 = tpu.memref_slice %arg5[%dma_wait3A_305] : memref<10240xf32, #tpu.memory_space<hbm>> -> memref<10240xf32, #tpu.memory_space<hbm>>
      tpu.wait_indirect_dma semaphore(%arg17 : memref<!tpu.dma_semaphore, #tpu.memory_space<semaphore_mem>>) src(%dma_wait3A_306 : memref<10240xf32, #tpu.memory_space<hbm>>) dst(%arg12 : memref<128xf32, #tpu.memory_space<vmem>>)
      "tpu.region"() ({
        %run_scoped3A_314 = tpu.sem_alloc : memref<!tpu.dma_semaphore, #tpu.memory_space<semaphore_mem>>
        %dma_start3A_315 = arith.constant 0 : i32
        %dma_start3A_316 = tpu.memref_slice %arg8[%add3A_296, %dma_start3A_315] : memref<80x128xi32, #tpu.memory_space<vmem>> -> memref<1x128xi32, #tpu.memory_space<vmem>>
        %dma_start3A_317 = tpu.memref_squeeze %dma_start3A_316 : memref<1x128xi32, #tpu.memory_space<vmem>> -> memref<128xi32, #tpu.memory_space<vmem>>
        %dma_start3A_318 = arith.constant 0 : i32
        %dma_start3A_319 = tpu.memref_slice %arg14[%dma_start3A_318] : memref<10240xf32, #tpu.memory_space<vmem_shared>> -> memref<10240xf32, #tpu.memory_space<vmem_shared>>
        tpu.enqueue_indirect_dma source(%arg10 : memref<128xf32, #tpu.memory_space<vmem>>) target(%dma_start3A_319 : memref<10240xf32, #tpu.memory_space<vmem_shared>>) offsets(%dma_start3A_317 : memref<128xi32, #tpu.memory_space<vmem>>) semaphore(%run_scoped3A_314 : memref<!tpu.dma_semaphore, #tpu.memory_space<semaphore_mem>>) {add = true}
        %dma_wait3A_320 = arith.constant 0 : i32
        %dma_wait3A_321 = tpu.memref_slice %arg8[%add3A_296, %dma_wait3A_320] : memref<80x128xi32, #tpu.memory_space<vmem>> -> memref<1x128xi32, #tpu.memory_space<vmem>>
        %dma_wait3A_322 = tpu.memref_squeeze %dma_wait3A_321 : memref<1x128xi32, #tpu.memory_space<vmem>> -> memref<128xi32, #tpu.memory_space<vmem>>
        %dma_wait3A_323 = arith.constant 0 : i32
        %dma_wait3A_324 = tpu.memref_slice %arg14[%dma_wait3A_323] : memref<10240xf32, #tpu.memory_space<vmem_shared>> -> memref<10240xf32, #tpu.memory_space<vmem_shared>>
        tpu.wait_indirect_dma semaphore(%run_scoped3A_314 : memref<!tpu.dma_semaphore, #tpu.memory_space<semaphore_mem>>) src(%arg10 : memref<128xf32, #tpu.memory_space<vmem>>) dst(%dma_wait3A_324 : memref<10240xf32, #tpu.memory_space<vmem_shared>>)
        tpu.yield
      }) : () -> ()
      "tpu.region"() ({
        %run_scoped3A_314 = tpu.sem_alloc : memref<!tpu.dma_semaphore, #tpu.memory_space<semaphore_mem>>
        %dma_start3A_315 = arith.constant 0 : i32
        %dma_start3A_316 = tpu.memref_slice %arg8[%add3A_296, %dma_start3A_315] : memref<80x128xi32, #tpu.memory_space<vmem>> -> memref<1x128xi32, #tpu.memory_space<vmem>>
        %dma_start3A_317 = tpu.memref_squeeze %dma_start3A_316 : memref<1x128xi32, #tpu.memory_space<vmem>> -> memref<128xi32, #tpu.memory_space<vmem>>
        %dma_start3A_318 = arith.constant 0 : i32
        %dma_start3A_319 = tpu.memref_slice %arg15[%dma_start3A_318] : memref<10240xf32, #tpu.memory_space<vmem_shared>> -> memref<10240xf32, #tpu.memory_space<vmem_shared>>
        tpu.enqueue_indirect_dma source(%arg12 : memref<128xf32, #tpu.memory_space<vmem>>) target(%dma_start3A_319 : memref<10240xf32, #tpu.memory_space<vmem_shared>>) offsets(%dma_start3A_317 : memref<128xi32, #tpu.memory_space<vmem>>) semaphore(%run_scoped3A_314 : memref<!tpu.dma_semaphore, #tpu.memory_space<semaphore_mem>>) {add = true}
        %dma_wait3A_320 = arith.constant 0 : i32
        %dma_wait3A_321 = tpu.memref_slice %arg8[%add3A_296, %dma_wait3A_320] : memref<80x128xi32, #tpu.memory_space<vmem>> -> memref<1x128xi32, #tpu.memory_space<vmem>>
        %dma_wait3A_322 = tpu.memref_squeeze %dma_wait3A_321 : memref<1x128xi32, #tpu.memory_space<vmem>> -> memref<128xi32, #tpu.memory_space<vmem>>
        %dma_wait3A_323 = arith.constant 0 : i32
        %dma_wait3A_324 = tpu.memref_slice %arg15[%dma_wait3A_323] : memref<10240xf32, #tpu.memory_space<vmem_shared>> -> memref<10240xf32, #tpu.memory_space<vmem_shared>>
        tpu.wait_indirect_dma semaphore(%run_scoped3A_314 : memref<!tpu.dma_semaphore, #tpu.memory_space<semaphore_mem>>) src(%arg12 : memref<128xf32, #tpu.memory_space<vmem>>) dst(%dma_wait3A_324 : memref<10240xf32, #tpu.memory_space<vmem_shared>>)
        tpu.yield
      }) : () -> ()
      %add3A_307 = arith.constant 2 : i32
      %add3A_308 = arith.addi %add3A_296, %add3A_307 : i32
      %lt3A_309 = arith.constant 80 : i32
      %lt3A_310 = arith.cmpi slt, %add3A_308, %lt3A_309 : i32
      %convert_element_type3A_311 = arith.extui %lt3A_310 : i1 to i32
      %cond3A_312 = arith.constant 0 : i32
      %cond3A_313 = arith.cmpi ne, %convert_element_type3A_311, %cond3A_312 : i32
      scf.if %cond3A_313 {
        %add3A_314 = arith.constant 2 : i32
        %add3A_315 = arith.addi %add3A_296, %add3A_314 : i32
        %dma_start3A_316 = arith.constant 0 : i32
        %dma_start3A_317 = tpu.memref_slice %arg7[%add3A_315, %dma_start3A_316] : memref<80x128xi32, #tpu.memory_space<vmem>> -> memref<1x128xi32, #tpu.memory_space<vmem>>
        %dma_start3A_318 = tpu.memref_squeeze %dma_start3A_317 : memref<1x128xi32, #tpu.memory_space<vmem>> -> memref<128xi32, #tpu.memory_space<vmem>>
        %dma_start3A_319 = arith.constant 0 : i32
        %dma_start3A_320 = tpu.memref_slice %arg4[%dma_start3A_319] : memref<10240xf32, #tpu.memory_space<hbm>> -> memref<10240xf32, #tpu.memory_space<hbm>>
        tpu.enqueue_indirect_dma source(%dma_start3A_320 : memref<10240xf32, #tpu.memory_space<hbm>>) target(%arg10 : memref<128xf32, #tpu.memory_space<vmem>>) offsets(%dma_start3A_318 : memref<128xi32, #tpu.memory_space<vmem>>) semaphore(%arg17 : memref<!tpu.dma_semaphore, #tpu.memory_space<semaphore_mem>>)
        %add3A_321 = arith.constant 2 : i32
        %add3A_322 = arith.addi %add3A_296, %add3A_321 : i32
        %dma_start3A_323 = arith.constant 0 : i32
        %dma_start3A_324 = tpu.memref_slice %arg7[%add3A_322, %dma_start3A_323] : memref<80x128xi32, #tpu.memory_space<vmem>> -> memref<1x128xi32, #tpu.memory_space<vmem>>
        %dma_start3A_325 = tpu.memref_squeeze %dma_start3A_324 : memref<1x128xi32, #tpu.memory_space<vmem>> -> memref<128xi32, #tpu.memory_space<vmem>>
        %dma_start3A_326 = arith.constant 0 : i32
        %dma_start3A_327 = tpu.memref_slice %arg5[%dma_start3A_326] : memref<10240xf32, #tpu.memory_space<hbm>> -> memref<10240xf32, #tpu.memory_space<hbm>>
        tpu.enqueue_indirect_dma source(%dma_start3A_327 : memref<10240xf32, #tpu.memory_space<hbm>>) target(%arg12 : memref<128xf32, #tpu.memory_space<vmem>>) offsets(%dma_start3A_325 : memref<128xi32, #tpu.memory_space<vmem>>) semaphore(%arg17 : memref<!tpu.dma_semaphore, #tpu.memory_space<semaphore_mem>>)
      } else {
      }
    }
    %scan3A_272 = arith.constant 40 : i32
    %barrier3A_273 = arith.constant 0 : index
    tpu.barrier barrier_id(%barrier3A_273)
    %run_scoped3A = arith.constant 0 : i32
    "tpu.region"() ({
      %run_scoped3A_275 = tpu.sem_alloc : memref<!tpu.dma_semaphore, #tpu.memory_space<semaphore_mem>>
      %dma_start3A_276 = tpu.memref_slice %arg6[%arg0, %run_scoped3A, %mul3A_2] : memref<2x2x10240xf32, #tpu.memory_space<hbm>> -> memref<1x1x640xf32, #tpu.memory_space<hbm>>
      %dma_start3A_277 = tpu.memref_squeeze %dma_start3A_276 : memref<1x1x640xf32, #tpu.memory_space<hbm>> -> memref<640xf32, #tpu.memory_space<hbm>>
      %dma_start3A_278 = tpu.memref_slice %arg14[%mul3A_2] : memref<10240xf32, #tpu.memory_space<vmem_shared>> -> memref<640xf32, #tpu.memory_space<vmem_shared>>
      tpu.enqueue_dma source(%dma_start3A_278 : memref<640xf32, #tpu.memory_space<vmem_shared>>) target(%dma_start3A_277 : memref<640xf32, #tpu.memory_space<hbm>>) target_semaphore(%run_scoped3A_275 : memref<!tpu.dma_semaphore, #tpu.memory_space<semaphore_mem>>)
      %dma_wait3A = tpu.memref_slice %arg6[%arg0, %run_scoped3A, %mul3A_2] : memref<2x2x10240xf32, #tpu.memory_space<hbm>> -> memref<1x1x640xf32, #tpu.memory_space<hbm>>
      %dma_wait3A_279 = tpu.memref_squeeze %dma_wait3A : memref<1x1x640xf32, #tpu.memory_space<hbm>> -> memref<640xf32, #tpu.memory_space<hbm>>
      %dma_wait3A_280 = tpu.memref_slice %arg14[%mul3A_2] : memref<10240xf32, #tpu.memory_space<vmem_shared>> -> memref<640xf32, #tpu.memory_space<vmem_shared>>
      tpu.wait_dma2 semaphore(%run_scoped3A_275 : memref<!tpu.dma_semaphore, #tpu.memory_space<semaphore_mem>>) src(%dma_wait3A_280 : memref<640xf32, #tpu.memory_space<vmem_shared>>) dst(%dma_wait3A_279 : memref<640xf32, #tpu.memory_space<hbm>>)
      tpu.yield
    }) : () -> ()
    %run_scoped3A_274 = arith.constant 1 : i32
    "tpu.region"() ({
      %run_scoped3A_275 = tpu.sem_alloc : memref<!tpu.dma_semaphore, #tpu.memory_space<semaphore_mem>>
      %dma_start3A_276 = tpu.memref_slice %arg6[%arg0, %run_scoped3A_274, %mul3A_2] : memref<2x2x10240xf32, #tpu.memory_space<hbm>> -> memref<1x1x640xf32, #tpu.memory_space<hbm>>
      %dma_start3A_277 = tpu.memref_squeeze %dma_start3A_276 : memref<1x1x640xf32, #tpu.memory_space<hbm>> -> memref<640xf32, #tpu.memory_space<hbm>>
      %dma_start3A_278 = tpu.memref_slice %arg15[%mul3A_2] : memref<10240xf32, #tpu.memory_space<vmem_shared>> -> memref<640xf32, #tpu.memory_space<vmem_shared>>
      tpu.enqueue_dma source(%dma_start3A_278 : memref<640xf32, #tpu.memory_space<vmem_shared>>) target(%dma_start3A_277 : memref<640xf32, #tpu.memory_space<hbm>>) target_semaphore(%run_scoped3A_275 : memref<!tpu.dma_semaphore, #tpu.memory_space<semaphore_mem>>)
      %dma_wait3A = tpu.memref_slice %arg6[%arg0, %run_scoped3A_274, %mul3A_2] : memref<2x2x10240xf32, #tpu.memory_space<hbm>> -> memref<1x1x640xf32, #tpu.memory_space<hbm>>
      %dma_wait3A_279 = tpu.memref_squeeze %dma_wait3A : memref<1x1x640xf32, #tpu.memory_space<hbm>> -> memref<640xf32, #tpu.memory_space<hbm>>
      %dma_wait3A_280 = tpu.memref_slice %arg15[%mul3A_2] : memref<10240xf32, #tpu.memory_space<vmem_shared>> -> memref<640xf32, #tpu.memory_space<vmem_shared>>
      tpu.wait_dma2 semaphore(%run_scoped3A_275 : memref<!tpu.dma_semaphore, #tpu.memory_space<semaphore_mem>>) src(%dma_wait3A_280 : memref<640xf32, #tpu.memory_space<vmem_shared>>) dst(%dma_wait3A_279 : memref<640xf32, #tpu.memory_space<hbm>>)
      tpu.yield
    }) : () -> ()
    return
  }
}

module attributes {stable_mosaic.version = 14 : i64} {
  func.func @_dinv_and_scale(%arg0: i32, %arg1: memref<1024x2xf32, #tpu.memory_space<vmem>>, %arg2: memref<1024x128xf32, #tpu.memory_space<vmem>>, %arg3: memref<1024x2xf32, #tpu.memory_space<vmem>>, %arg4: memref<1024x128xf32, #tpu.memory_space<vmem>>) attributes {dimension_semantics = [#tpu.dimension_semantics<arbitrary>], iteration_bounds = array<i64: 10>, scalar_prefetch = 0 : i64, scratch_operands = 0 : i64, tpu.core_type = #tpu.core_type<tc>, window_params = [{transform_indices = @transform_0, window_bounds = array<i64: 1024, 2>}, {transform_indices = @transform_1, window_bounds = array<i64: 1024, 128>}, {transform_indices = @transform_2, window_bounds = array<i64: 1024, 2>}, {transform_indices = @transform_3, window_bounds = array<i64: 1024, 128>}]} {
    %get3A = arith.constant 0 : index
    %get3A_0 = arith.constant 0 : index
    %get3A_1 = vector.load %arg1[%get3A, %get3A_0] : memref<1024x2xf32, #tpu.memory_space<vmem>>, vector<1024x2xf32>
    %slice3A = vector.extract_strided_slice %get3A_1 {offsets = [0, 0], sizes = [1024, 1], strides = [1, 1]} : vector<1024x2xf32> to vector<1024x1xf32>
    %slice3A_2 = vector.extract_strided_slice %get3A_1 {offsets = [0, 1], sizes = [1024, 1], strides = [1, 1]} : vector<1024x2xf32> to vector<1024x1xf32>
    %add3A = arith.addf %slice3A, %slice3A_2 : vector<1024x1xf32>
    %add3A_3 = arith.constant 1.000000e+00 : f32
    %add3A_4 = vector.broadcast %add3A_3 : f32 to vector<1024x1xf32>
    %add3A_5 = arith.addf %add3A, %add3A_4 : vector<1024x1xf32>
    %rsqrt3A = math.rsqrt %add3A_5 : vector<1024x1xf32>
    %swap3A = arith.constant 0 : index
    %swap3A_6 = arith.constant 0 : index
    %swap3A_7 = vector.load %arg3[%swap3A, %swap3A_6] : memref<1024x2xf32, #tpu.memory_space<vmem>>, vector<1024x1xf32>
    tpu.vector_store %arg3[%swap3A, %swap3A_6], %rsqrt3A {strides = array<i32>} : memref<1024x2xf32, #tpu.memory_space<vmem>>, vector<1024x1xf32>,
    %mul3A = arith.mulf %rsqrt3A, %rsqrt3A : vector<1024x1xf32>
    %swap3A_8 = arith.constant 0 : index
    %swap3A_9 = arith.constant 1 : index
    %swap3A_10 = vector.load %arg3[%swap3A_8, %swap3A_9] : memref<1024x2xf32, #tpu.memory_space<vmem>>, vector<1024x1xf32>
    tpu.vector_store %arg3[%swap3A_8, %swap3A_9], %mul3A {strides = array<i32>} : memref<1024x2xf32, #tpu.memory_space<vmem>>, vector<1024x1xf32>,
    %get3A_11 = arith.constant 0 : index
    %get3A_12 = arith.constant 0 : index
    %get3A_13 = vector.load %arg2[%get3A_11, %get3A_12] : memref<1024x128xf32, #tpu.memory_space<vmem>>, vector<1024x128xf32>
    %mul3A_14 = vector.broadcast %rsqrt3A : vector<1024x1xf32> to vector<1024x128xf32>
    %mul3A_15 = arith.mulf %get3A_13, %mul3A_14 : vector<1024x128xf32>
    %swap3A_16 = arith.constant 0 : index
    %swap3A_17 = arith.constant 0 : index
    %swap3A_18 = vector.load %arg4[%swap3A_16, %swap3A_17] : memref<1024x128xf32, #tpu.memory_space<vmem>>, vector<1024x128xf32>
    tpu.vector_store %arg4[%swap3A_16, %swap3A_17], %mul3A_15 {strides = array<i32>} : memref<1024x128xf32, #tpu.memory_space<vmem>>, vector<1024x128xf32>,
    return
  }
  func.func @transform_0(%arg0: i32) -> (i32, i32) {
    %c0_i32 = arith.constant 0 : i32
    %c0_i32_0 = arith.constant 0 : i32
    return %arg0, %c0_i32 : i32, i32
  }
  func.func @transform_1(%arg0: i32) -> (i32, i32) {
    %c0_i32 = arith.constant 0 : i32
    %c0_i32_0 = arith.constant 0 : i32
    return %arg0, %c0_i32 : i32, i32
  }
  func.func @transform_2(%arg0: i32) -> (i32, i32) {
    %c0_i32 = arith.constant 0 : i32
    %c0_i32_0 = arith.constant 0 : i32
    return %arg0, %c0_i32 : i32, i32
  }
  func.func @transform_3(%arg0: i32) -> (i32, i32) {
    %c0_i32 = arith.constant 0 : i32
    %c0_i32_0 = arith.constant 0 : i32
    return %arg0, %c0_i32 : i32, i32
  }
}

module attributes {stable_mosaic.version = 14 : i64} {
  func.func @_dense_block(%arg0: i32, %arg1: memref<1024x128xf32, #tpu.memory_space<vmem>>, %arg2: memref<1024x128xf32, #tpu.memory_space<vmem>>, %arg3: memref<1024x128xf32, #tpu.memory_space<vmem>>, %arg4: memref<1024x1xf32, #tpu.memory_space<vmem>>, %arg5: memref<1024x1xf32, #tpu.memory_space<vmem>>, %arg6: memref<128x256xf32, #tpu.memory_space<vmem>>, %arg7: memref<1x256xf32, #tpu.memory_space<vmem>>, %arg8: memref<256x2xf32, #tpu.memory_space<vmem>>, %arg9: memref<1024x2xf32, #tpu.memory_space<vmem>>, %arg10: memref<1024x2xf32, #tpu.memory_space<vmem>>) attributes {dimension_semantics = [#tpu.dimension_semantics<arbitrary>], iteration_bounds = array<i64: 10>, scalar_prefetch = 0 : i64, scratch_operands = 0 : i64, tpu.core_type = #tpu.core_type<tc>, window_params = [{transform_indices = @transform_0, window_bounds = array<i64: 1024, 128>}, {transform_indices = @transform_1, window_bounds = array<i64: 1024, 128>}, {transform_indices = @transform_2, window_bounds = array<i64: 1024, 128>}, {transform_indices = @transform_3, window_bounds = array<i64: 1024, 1>}, {transform_indices = @transform_4, window_bounds = array<i64: 1024, 1>}, {pipeline_mode = #tpu.pipeline_mode<synchronous>, transform_indices = @transform_5, window_bounds = array<i64: 128, 256>}, {pipeline_mode = #tpu.pipeline_mode<synchronous>, transform_indices = @transform_6, window_bounds = array<i64: 1, 256>}, {pipeline_mode = #tpu.pipeline_mode<synchronous>, transform_indices = @transform_7, window_bounds = array<i64: 256, 2>}, {transform_indices = @transform_8, window_bounds = array<i64: 1024, 2>}, {transform_indices = @transform_9, window_bounds = array<i64: 1024, 2>}]} {
    %get3A = arith.constant 0 : index
    %get3A_0 = arith.constant 0 : index
    %get3A_1 = vector.load %arg4[%get3A, %get3A_0] : memref<1024x1xf32, #tpu.memory_space<vmem>>, vector<1024x1xf32>
    %get3A_2 = arith.constant 0 : index
    %get3A_3 = arith.constant 0 : index
    %get3A_4 = vector.load %arg1[%get3A_2, %get3A_3] : memref<1024x128xf32, #tpu.memory_space<vmem>>, vector<1024x128xf32>
    %get3A_5 = arith.constant 0 : index
    %get3A_6 = arith.constant 0 : index
    %get3A_7 = vector.load %arg2[%get3A_5, %get3A_6] : memref<1024x128xf32, #tpu.memory_space<vmem>>, vector<1024x128xf32>
    %add3A = arith.addf %get3A_4, %get3A_7 : vector<1024x128xf32>
    %mul3A = vector.broadcast %get3A_1 : vector<1024x1xf32> to vector<1024x128xf32>
    %mul3A_8 = arith.mulf %mul3A, %add3A : vector<1024x128xf32>
    %get3A_9 = arith.constant 0 : index
    %get3A_10 = arith.constant 0 : index
    %get3A_11 = vector.load %arg5[%get3A_9, %get3A_10] : memref<1024x1xf32, #tpu.memory_space<vmem>>, vector<1024x1xf32>
    %get3A_12 = arith.constant 0 : index
    %get3A_13 = arith.constant 0 : index
    %get3A_14 = vector.load %arg3[%get3A_12, %get3A_13] : memref<1024x128xf32, #tpu.memory_space<vmem>>, vector<1024x128xf32>
    %mul3A_15 = vector.broadcast %get3A_11 : vector<1024x1xf32> to vector<1024x128xf32>
    %mul3A_16 = arith.mulf %mul3A_15, %get3A_14 : vector<1024x128xf32>
    %add3A_17 = arith.addf %mul3A_8, %mul3A_16 : vector<1024x128xf32>
    %get3A_18 = arith.constant 0 : index
    %get3A_19 = arith.constant 0 : index
    %get3A_20 = vector.load %arg6[%get3A_18, %get3A_19] : memref<128x256xf32, #tpu.memory_space<vmem>>, vector<128x256xf32>
    %dot_general3A = arith.constant dense<0.000000e+00> : vector<1024x256xf32>
    %dot_general3A_21 = tpu.matmul %add3A_17, %get3A_20, %dot_general3A {dimension_numbers = #tpu.dot_dimension_numbers<[1], [0], [0], [1], [0, 0, 1, 1], [], []>, transpose_lhs_hint = false} : vector<1024x128xf32>, vector<128x256xf32>, vector<1024x256xf32> -> vector<1024x256xf32>
    %get3A_22 = arith.constant 0 : index
    %get3A_23 = arith.constant 0 : index
    %get3A_24 = vector.load %arg7[%get3A_22, %get3A_23] : memref<1x256xf32, #tpu.memory_space<vmem>>, vector<1x256xf32>
    %add3A_25 = vector.broadcast %get3A_24 : vector<1x256xf32> to vector<1024x256xf32>
    %add3A_26 = arith.addf %dot_general3A_21, %add3A_25 : vector<1024x256xf32>
    %max3A = arith.constant 0.000000e+00 : f32
    %max3A_27 = vector.broadcast %max3A : f32 to vector<1024x256xf32>
    %max3A_28 = arith.maximumf %add3A_26, %max3A_27 : vector<1024x256xf32>
    %get3A_29 = arith.constant 0 : index
    %get3A_30 = arith.constant 0 : index
    %get3A_31 = vector.load %arg8[%get3A_29, %get3A_30] : memref<256x2xf32, #tpu.memory_space<vmem>>, vector<256x2xf32>
    %dot_general3A_32 = arith.constant dense<0.000000e+00> : vector<1024x2xf32>
    %dot_general3A_33 = tpu.matmul %max3A_28, %get3A_31, %dot_general3A_32 {dimension_numbers = #tpu.dot_dimension_numbers<[1], [0], [0], [1], [0, 0, 1, 1], [], []>, transpose_lhs_hint = false} : vector<1024x256xf32>, vector<256x2xf32>, vector<1024x2xf32> -> vector<1024x2xf32>
    %swap3A = arith.constant 0 : index
    %swap3A_34 = arith.constant 0 : index
    %swap3A_35 = vector.load %arg9[%swap3A, %swap3A_34] : memref<1024x2xf32, #tpu.memory_space<vmem>>, vector<1024x2xf32>
    tpu.vector_store %arg9[%swap3A, %swap3A_34], %dot_general3A_33 {strides = array<i32>} : memref<1024x2xf32, #tpu.memory_space<vmem>>, vector<1024x2xf32>,
    %get3A_36 = arith.constant 0 : index
    %get3A_37 = arith.constant 0 : index
    %get3A_38 = vector.load %arg4[%get3A_36, %get3A_37] : memref<1024x1xf32, #tpu.memory_space<vmem>>, vector<1024x1xf32>
    %mul3A_39 = vector.broadcast %get3A_38 : vector<1024x1xf32> to vector<1024x2xf32>
    %mul3A_40 = arith.mulf %mul3A_39, %dot_general3A_33 : vector<1024x2xf32>
    %swap3A_41 = arith.constant 0 : index
    %swap3A_42 = arith.constant 0 : index
    %swap3A_43 = vector.load %arg10[%swap3A_41, %swap3A_42] : memref<1024x2xf32, #tpu.memory_space<vmem>>, vector<1024x2xf32>
    tpu.vector_store %arg10[%swap3A_41, %swap3A_42], %mul3A_40 {strides = array<i32>} : memref<1024x2xf32, #tpu.memory_space<vmem>>, vector<1024x2xf32>,
    return
  }
  func.func @transform_0(%arg0: i32) -> (i32, i32) {
    %c0_i32 = arith.constant 0 : i32
    %c0_i32_0 = arith.constant 0 : i32
    return %arg0, %c0_i32 : i32, i32
  }
  func.func @transform_1(%arg0: i32) -> (i32, i32) {
    %c0_i32 = arith.constant 0 : i32
    %c0_i32_0 = arith.constant 0 : i32
    return %arg0, %c0_i32 : i32, i32
  }
  func.func @transform_2(%arg0: i32) -> (i32, i32) {
    %c0_i32 = arith.constant 0 : i32
    %c0_i32_0 = arith.constant 0 : i32
    return %arg0, %c0_i32 : i32, i32
  }
  func.func @transform_3(%arg0: i32) -> (i32, i32) {
    %c0_i32 = arith.constant 0 : i32
    %c0_i32_0 = arith.constant 0 : i32
    return %arg0, %c0_i32 : i32, i32
  }
  func.func @transform_4(%arg0: i32) -> (i32, i32) {
    %c0_i32 = arith.constant 0 : i32
    %c0_i32_0 = arith.constant 0 : i32
    return %arg0, %c0_i32 : i32, i32
  }
  func.func @transform_5(%arg0: i32) -> (i32, i32) {
    %c0_i32 = arith.constant 0 : i32
    %c0_i32_0 = arith.constant 0 : i32
    %c0_i32_1 = arith.constant 0 : i32
    return %c0_i32, %c0_i32_0 : i32, i32
  }
  func.func @transform_6(%arg0: i32) -> (i32, i32) {
    %c0_i32 = arith.constant 0 : i32
    %c0_i32_0 = arith.constant 0 : i32
    %c0_i32_1 = arith.constant 0 : i32
    return %c0_i32, %c0_i32_0 : i32, i32
  }
  func.func @transform_7(%arg0: i32) -> (i32, i32) {
    %c0_i32 = arith.constant 0 : i32
    %c0_i32_0 = arith.constant 0 : i32
    %c0_i32_1 = arith.constant 0 : i32
    return %c0_i32, %c0_i32_0 : i32, i32
  }
  func.func @transform_8(%arg0: i32) -> (i32, i32) {
    %c0_i32 = arith.constant 0 : i32
    %c0_i32_0 = arith.constant 0 : i32
    return %arg0, %c0_i32 : i32, i32
  }
  func.func @transform_9(%arg0: i32) -> (i32, i32) {
    %c0_i32 = arith.constant 0 : i32
    %c0_i32_0 = arith.constant 0 : i32
    return %arg0, %c0_i32 : i32, i32
  }
}

module attributes {stable_mosaic.version = 14 : i64} {
  func.func @final_body(%arg0: memref<2x10240xf32, #tpu.memory_space<vmem>>, %arg1: memref<2x10240xf32, #tpu.memory_space<vmem>>, %arg2: memref<2x10240xf32, #tpu.memory_space<vmem>>, %arg3: memref<1x10240xf32, #tpu.memory_space<vmem>>, %arg4: memref<1x10240xf32, #tpu.memory_space<vmem>>, %arg5: memref<1x2xf32, #tpu.memory_space<vmem>>, %arg6: memref<1x10240xi32, #tpu.memory_space<vmem>>, %arg7: memref<16x2xf32, #tpu.memory_space<vmem>>) attributes {dimension_semantics = [], scalar_prefetch = 0 : i64, scratch_operands = 0 : i64, tpu.core_type = #tpu.core_type<tc>} {
    %get3A = arith.constant 0 : index
    %get3A_0 = arith.constant 0 : index
    %get3A_1 = vector.load %arg3[%get3A, %get3A_0] : memref<1x10240xf32, #tpu.memory_space<vmem>>, vector<1x10240xf32>
    %get3A_2 = arith.constant 0 : index
    %get3A_3 = arith.constant 0 : index
    %get3A_4 = vector.load %arg4[%get3A_2, %get3A_3] : memref<1x10240xf32, #tpu.memory_space<vmem>>, vector<1x10240xf32>
    %get3A_5 = arith.constant 0 : index
    %get3A_6 = arith.constant 0 : index
    %get3A_7 = vector.load %arg0[%get3A_5, %get3A_6] : memref<2x10240xf32, #tpu.memory_space<vmem>>, vector<1x10240xf32>
    %get3A_8 = arith.constant 1 : index
    %get3A_9 = arith.constant 0 : index
    %get3A_10 = vector.load %arg0[%get3A_8, %get3A_9] : memref<2x10240xf32, #tpu.memory_space<vmem>>, vector<1x10240xf32>
    %add3A = arith.addf %get3A_7, %get3A_10 : vector<1x10240xf32>
    %mul3A = arith.mulf %get3A_1, %add3A : vector<1x10240xf32>
    %get3A_11 = arith.constant 0 : index
    %get3A_12 = arith.constant 0 : index
    %get3A_13 = vector.load %arg2[%get3A_11, %get3A_12] : memref<2x10240xf32, #tpu.memory_space<vmem>>, vector<1x10240xf32>
    %mul3A_14 = arith.mulf %get3A_4, %get3A_13 : vector<1x10240xf32>
    %add3A_15 = arith.addf %mul3A, %mul3A_14 : vector<1x10240xf32>
    %get3A_16 = arith.constant 0 : index
    %get3A_17 = arith.constant 0 : index
    %get3A_18 = vector.load %arg5[%get3A_16, %get3A_17] : memref<1x2xf32, #tpu.memory_space<vmem>>, vector<1x1xf32>
    %get3A_19 = vector.extract %get3A_18[0, 0] : f32 from vector<1x1xf32>
    %add3A_20 = vector.broadcast %get3A_19 : f32 to vector<1x10240xf32>
    %add3A_21 = arith.addf %add3A_15, %add3A_20 : vector<1x10240xf32>
    %get3A_22 = arith.constant 0 : index
    %get3A_23 = arith.constant 0 : index
    %get3A_24 = vector.load %arg1[%get3A_22, %get3A_23] : memref<2x10240xf32, #tpu.memory_space<vmem>>, vector<1x10240xf32>
    %get3A_25 = arith.constant 1 : index
    %get3A_26 = arith.constant 0 : index
    %get3A_27 = vector.load %arg1[%get3A_25, %get3A_26] : memref<2x10240xf32, #tpu.memory_space<vmem>>, vector<1x10240xf32>
    %add3A_28 = arith.addf %get3A_24, %get3A_27 : vector<1x10240xf32>
    %mul3A_29 = arith.mulf %get3A_1, %add3A_28 : vector<1x10240xf32>
    %get3A_30 = arith.constant 1 : index
    %get3A_31 = arith.constant 0 : index
    %get3A_32 = vector.load %arg2[%get3A_30, %get3A_31] : memref<2x10240xf32, #tpu.memory_space<vmem>>, vector<1x10240xf32>
    %mul3A_33 = arith.mulf %get3A_4, %get3A_32 : vector<1x10240xf32>
    %add3A_34 = arith.addf %mul3A_29, %mul3A_33 : vector<1x10240xf32>
    %get3A_35 = arith.constant 0 : index
    %get3A_36 = arith.constant 1 : index
    %get3A_37 = vector.load %arg5[%get3A_35, %get3A_36] : memref<1x2xf32, #tpu.memory_space<vmem>>, vector<1x1xf32>
    %get3A_38 = vector.extract %get3A_37[0, 0] : f32 from vector<1x1xf32>
    %add3A_39 = vector.broadcast %get3A_38 : f32 to vector<1x10240xf32>
    %add3A_40 = arith.addf %add3A_34, %add3A_39 : vector<1x10240xf32>
    %get3A_41 = arith.constant 0 : index
    %get3A_42 = arith.constant 0 : index
    %get3A_43 = vector.load %arg6[%get3A_41, %get3A_42] : memref<1x10240xi32, #tpu.memory_space<vmem>>, vector<1x10240xi32>
    %iota3A = tpu.iota {dimensions = array<i32: 0>} : vector<16x10240xi32>
    %eq3A = vector.broadcast %get3A_43 : vector<1x10240xi32> to vector<16x10240xi32>
    %eq3A_44 = arith.cmpi eq, %eq3A, %iota3A : vector<16x10240xi32>
    %convert_element_type3A = arith.extui %eq3A_44 : vector<16x10240xi1> to vector<16x10240xi32>
    %convert_element_type3A_45 = arith.sitofp %convert_element_type3A : vector<16x10240xi32> to vector<16x10240xf32>
    %reduce_sum3A = arith.constant dense<0.000000e+00> : vector<16xf32>
    %reduce_sum3A_46 = vector.multi_reduction <add>, %convert_element_type3A_45, %reduce_sum3A [1] : vector<16x10240xf32> to vector<16xf32>
    %broadcast_in_dim3A = vector.shape_cast %reduce_sum3A_46 : vector<16xf32> to vector<16x1xf32>
    %mul3A_47 = vector.broadcast %add3A_21 : vector<1x10240xf32> to vector<16x10240xf32>
    %mul3A_48 = arith.mulf %convert_element_type3A_45, %mul3A_47 : vector<16x10240xf32>
    %reduce_sum3A_49 = arith.constant dense<0.000000e+00> : vector<16xf32>
    %reduce_sum3A_50 = vector.multi_reduction <add>, %mul3A_48, %reduce_sum3A_49 [1] : vector<16x10240xf32> to vector<16xf32>
    %broadcast_in_dim3A_51 = vector.shape_cast %reduce_sum3A_50 : vector<16xf32> to vector<16x1xf32>
    %mul3A_52 = vector.broadcast %add3A_40 : vector<1x10240xf32> to vector<16x10240xf32>
    %mul3A_53 = arith.mulf %convert_element_type3A_45, %mul3A_52 : vector<16x10240xf32>
    %reduce_sum3A_54 = arith.constant dense<0.000000e+00> : vector<16xf32>
    %reduce_sum3A_55 = vector.multi_reduction <add>, %mul3A_53, %reduce_sum3A_54 [1] : vector<16x10240xf32> to vector<16xf32>
    %broadcast_in_dim3A_56 = vector.shape_cast %reduce_sum3A_55 : vector<16xf32> to vector<16x1xf32>
    %concatenate3A = tpu.concatenate %broadcast_in_dim3A_51, %broadcast_in_dim3A_56 in 1 : vector<16x1xf32>, vector<16x1xf32> -> vector<16x2xf32>
    %max3A = arith.constant 1.000000e+00 : f32
    %max3A_57 = vector.broadcast %max3A : f32 to vector<16x1xf32>
    %max3A_58 = arith.maximumf %broadcast_in_dim3A, %max3A_57 : vector<16x1xf32>
    %div3A = vector.broadcast %max3A_58 : vector<16x1xf32> to vector<16x2xf32>
    %div3A_59 = arith.divf %concatenate3A, %div3A : vector<16x2xf32>
    %swap3A = arith.constant 0 : index
    %swap3A_60 = arith.constant 0 : index
    %swap3A_61 = vector.load %arg7[%swap3A, %swap3A_60] : memref<16x2xf32, #tpu.memory_space<vmem>>, vector<16x2xf32>
    tpu.vector_store %arg7[%swap3A, %swap3A_60], %div3A_59 {strides = array<i32>} : memref<16x2xf32, #tpu.memory_space<vmem>>, vector<16x2xf32>,
    return
  }
}

</mosaic_0001>

<sc_bundles>
// kernel: kernel.11.cloned.1.call-start
scs
__scs_entry_jumppad:
0x0: {  	(pc) =	sbr.rel $0x88, $3  }
0x1: {  	(tag) =	ssettag $0x0;
	lr =	simm.s32 $0x1  }
0x2: {  	[smem:$0x3F9A] =	sst lr;
	_ =	strace $0xD0000000  }
0x3: {  	_ = 	snop  }
0x4: {  	_ = 	snop  }
0x5: {  	_ = 	snop  }
0x6: {  	_ = 	snop  }
0x7: {  	_ = 	snop  }
__scs_overlays_trampoline_lowered:
0x8: {  	[smem:$0x3FA9] =	sst s0  }
0x9: {  	[smem:$0x3FAA] =	sst s1  }
0xa: {  	[smem:$0x3FAB] =	sst s2  }
0xb: {  	[smem:$0x3FAC] =	sst s3  }
0xc: {  	[smem:$0x3FAD] =	sst s4  }
0xd: {  	[smem:$0x3FAE] =	sst s5  }
0xe: {  	[smem:$0x3FAF] =	sst s6  }
0xf: {  	[smem:$0x3FB0] =	sst s7  }
0x10: {  	[smem:$0x3FB1] =	sst s8  }
0x11: {  	[smem:$0x3FB2] =	sst s9;
	s0 =	simm.s32 @!p0 $0x0  }
0x12: {  	s1 =	sld [smem:$0x3F98];
	s0 =	simm.s32 @p0 $0x1  }
0x13: {  	[smem:$0x3FB3] =	sst s0;
	s0 =	simm.s32 @!p1 $0x0  }
0x14: {  	s2 =	sld [smem:$0x3F97];
	s0 =	simm.s32 @p1 $0x1  }
0x15: {  	[smem:$0x3FB4] =	sst s0;
	s0 =	simm.s32 @!p2 $0x0  }
0x16: {  	s3 =	sld [smem:$0x3FDB];
	s0 =	simm.s32 @p2 $0x1  }
0x17: {  	s4 =	simm.s32 $0x1BF5;
	[smem:$0x3FB6] =	sst s0  }
0x18: {  	s0 =	sld [smem:$0x3F99];
	_ =	swait.ge [sflag:s4], $0x0  }
0x19: {  	s7 =	sld [smem:$0x3F9A]  }
0x1a: {  	s8 =	sadd.s32 $0xFFFFE003, lr  }
0x1b: {  	s9 =	sadd.s32 $0xFFFFFEF7, lr;
	s5 =	simm.s32 $0xFFFFFFFF;
	p2 =	slt.u32 s8, $0xFFFFF086  }
0x1c: {  	p1 =	slt.u32 s9, $0xF7A;
	s5 =	simm.s32 @!p2 $0x0  }
0x1d: {  	s5 =	simm.s32 @p1 $0x1;
	p0 =	seq.s32 s7, s2  }
0x1e: {  	s7 =	smul.u32 @!p0 $0xF7A, s2;
	p2 =	seq.s32 @!p0 s5, $0x0  }
0x1f: {  	s9 =	smul.u32 $0xF7A, s1;
	s8 =	simm.s32 @!p0 $0x1BF5;
	p2 =	por !p2, p0  }
0x20: {  	[sflag:s8] =	ssyncset.s32 @!p0 $0xFFFFF086;
	s6 =	sadd.s32 @!p0 s3, s7;
	s7 =	simm.s32 @!p0 $0x108  }
0x21: {  	s3 =	sadd.s32 s3, s9;
	s6 =	sadd.s32 @!p0 $0x88, s6;
	s7 =	simm.s32 @p2 $0x1082  }
0x22: {  	[simem:s7], [sflag:s8] =	dma.local @!p0 [hbm:s6], $0xF7A  }
0x23: {  	s9 =	sor.u32 $0xD0000000, s2;
	s6 =	simm.s32 $0x108;
	_ =	swait.ge @!p0 [sflag:s8], $0x0  }
0x24: {  	s3 =	sadd.s32 $0x88, s3;
	s6 =	simm.s32 @!p1 $0x1082;
	[sflag:s4] =	ssyncset.s32 $0xFFFFF086  }
0x25: {  	[simem:s6], [sflag:s4] =	dma.local [hbm:s3], $0xF7A  }
0x26: {  	[smem:$0x3F9A] =	sst s1;
	(tag) =	ssettag s2;
	_ =	strace s9  }
0x27: {  	s1 =	sld [smem:$0x3FAA]  }
0x28: {  	s2 =	sld [smem:$0x3FAB]  }
0x29: {  	s4 =	sld [smem:$0x3FAD]  }
0x2a: {  	p0 =	seq.s32 s5, $0x0;
	s5 =	sld [smem:$0x3FAE]  }
0x2b: {  	s6 =	sld [smem:$0x3FAF]  }
0x2c: {  	s7 =	sld [smem:$0x3FB0]  }
0x2d: {  	s3 =	simm.s32 $0x108;
	s8 =	sld [smem:$0x3FB1]  }
0x2e: {  	s3 =	simm.s32 @!p0 $0x1082;
	s9 =	sld [smem:$0x3FB2]  }
0x2f: {  	lr =	sadd.s32 s0, s3;
	s0 =	sld [smem:$0x3FA9]  }
0x30: {  	s3 =	sld [smem:$0x3FAC]  }
0x31: {  	[smem:$0x3FB5] =	sst s10  }
0x32: {  	s10 =	sld [smem:$0x3FB3];
	_ =	sdelay $0x3  }
0x33: {  	p0 =	seq.s32 s10, $0x1;
	s10 =	sld [smem:$0x3FB5];
	_ =	sdelay $0x3  }
0x34: {  	[smem:$0x3FB5] =	sst s10  }
0x35: {  	s10 =	sld [smem:$0x3FB4];
	_ =	sdelay $0x3  }
0x36: {  	p1 =	seq.s32 s10, $0x1;
	s10 =	sld [smem:$0x3FB5];
	_ =	sdelay $0x3  }
0x37: {  	[smem:$0x3FB5] =	sst s10  }
0x38: {  	s10 =	sld [smem:$0x3FB6]  }
0x39: {  	_ = 	snop;
	(pc) =	sbr.ind lr, $3  }
0x3a: {  	_ = 	snop  }
0x3b: {  	_ = 	snop  }
0x3c: {  	p2 =	seq.s32 s10, $0x1;
	s10 =	sld [smem:$0x3FB5]  }
0x3d: {  	_ =	shalt  }
0x3e: {  	_ =	shalt  }
0x3f: {  	_ =	shalt  }
0x40: {  	_ =	shalt  }
0x41: {  	_ =	shalt  }
0x42: {  	_ =	shalt  }
0x43: {  	_ =	shalt  }
0x44: {  	_ =	shalt  }
0x45: {  	_ =	shalt  }
0x46: {  	_ =	shalt  }
0x47: {  	_ =	shalt  }
0x48: {  	_ =	shalt  }
0x49: {  	_ =	shalt  }
0x4a: {  	_ =	shalt  }
0x4b: {  	_ =	shalt  }
0x4c: {  	_ =	shalt  }
0x4d: {  	_ =	shalt  }
0x4e: {  	_ =	shalt  }
0x4f: {  	_ =	shalt  }
0x50: {  	_ =	shalt  }
0x51: {  	_ =	shalt  }
0x52: {  	_ =	shalt  }
0x53: {  	_ =	shalt  }
0x54: {  	_ =	shalt  }
0x55: {  	_ =	shalt  }
0x56: {  	_ =	shalt  }
0x57: {  	_ =	shalt  }
0x58: {  	_ =	shalt  }
0x59: {  	_ =	shalt  }
0x5a: {  	_ =	shalt  }
0x5b: {  	_ =	shalt  }
0x5c: {  	_ =	shalt  }
0x5d: {  	_ =	shalt  }
0x5e: {  	_ =	shalt  }
0x5f: {  	_ =	shalt  }
0x60: {  	_ =	shalt  }
0x61: {  	_ =	shalt  }
0x62: {  	_ =	shalt  }
0x63: {  	_ =	shalt  }
0x64: {  	_ =	shalt  }
0x65: {  	_ =	shalt  }
0x66: {  	_ =	shalt  }
0x67: {  	_ =	shalt  }
0x68: {  	_ =	shalt  }
0x69: {  	_ =	shalt  }
0x6a: {  	_ =	shalt  }
0x6b: {  	_ =	shalt  }
0x6c: {  	_ =	shalt  }
0x6d: {  	_ =	shalt  }
0x6e: {  	_ =	shalt  }
0x6f: {  	_ =	shalt  }
0x70: {  	_ =	shalt  }
0x71: {  	_ =	shalt  }
0x72: {  	_ =	shalt  }
0x73: {  	_ =	shalt  }
0x74: {  	_ =	shalt  }
0x75: {  	_ =	shalt  }
0x76: {  	_ =	shalt  }
0x77: {  	_ =	shalt  }
0x78: {  	_ =	shalt  }
0x79: {  	_ =	shalt  }
0x7a: {  	_ =	shalt  }
0x7b: {  	_ =	shalt  }
0x7c: {  	_ =	shalt  }
0x7d: {  	_ =	shalt  }
0x7e: {  	_ =	shalt  }
0x7f: {  	_ =	shalt  }
0x80: {  	_ =	shalt  }
0x81: {  	_ =	shalt  }
0x82: {  	_ =	shalt  }
0x83: {  	_ =	shalt  }
0x84: {  	_ =	shalt  }
0x85: {  	_ =	shalt  }
0x86: {  	_ =	shalt  }
0x87: {  	_ =	shalt  }
.Lfunc_end0:
.L_simem_size_0:
called_computation.1_lowered:
.L_overlay_start_0:
0x88: {  	s2 =	sld [smem:$0x3FD9]  }
0x89: {  	s3 =	sld [smem:$0x3FFE];
	_ =	sdelay $0x1  }
0x8a: {  	s1 =	srdreg.scid  }
0x8b: {  	s0 =	sand.u32 $0x1, s1  }
0x8c: {  	s16 =	sshll.u32 s0, $0xA;
	s2 =	sadd.s32 s3, s2  }
0x8d: {  	s2 =	sadd.s32 s2, s16  }
0x8e: {  	[smem:$0x3FC1] =	sst s2  }
0x8f: {  	_ = 	snop  }
0x90: {  	(tm) =	ssettm $0x1  }
0x91: {  	s17 =	sld [smem:$0x3FFB];
	_ =	sdelay $0x3  }
0x92: {  	_ =	strace s17  }
0x93: {  	s2 =	sld [smem:$0x3FFC];
	_ =	sdelay $0x3  }
0x94: {  	_ =	strace s2  }
0x95: {  	s2 =	sld [smem:$0x3FFD];
	_ =	sdelay $0x3  }
0x96: {  	_ =	strace s2  }
0x97: {  	_ =	strace $0x8FFFFFFF  }
0x98: {  	s18 =	sld [smem:$0x3FDB];
	_ =	sdelay $0x1  }
0x99: {  	s19 =	simm.s32 $_scs_section_size  }
0x9a: {  	s4 =	simm.s32 $_size__tile_overlayer_lowered;
	s5 =	simm.s32 $_tile_overlayer_lowered  }
0x9b: {  	s22 =	simm.s32 $0x1BFF;
	s21 =	sshll.u32 s5, $0x1;
	s2 =	sadd.s32 s19, s18  }
0x9c: {  	s6 =	simm.s32 $0x0;
	s20 =	sshll.u32 s4, $0x1;
	s4 =	sadd.s32 s21, s2  }
0x9d: {  	[timem:s6], [sflag:s22] =	dma.local [hbm:s4], s20  }
0x9e: {  	_ =	swait.ge [sflag:s22], s20  }
0x9f: {  	s3 =	ssub.s32 $0x0, s20;
	[sflag:s22] =	ssyncset.done $0x0  }
0xa0: {  	[sflag:s22] =	ssyncadd.s32 s3;
	_ =	sdelay $0x1  }
0xa1: {  	s23 =	simm.s32 $0x1B8B  }
0xa2: {  	_ =	swait.ge [sflag:s23], $0x1  }
0xa3: {  	[sflag:s23] =	ssyncset.done $0x0  }
0xa4: {  	s25 =	simm.s32 $0x1B8E;
	s24 =	sld [smem:$0x3FFE];
	[sflag:s23] =	ssyncadd.s32 $0xFFFFFFFF  }
0xa5: {  	s26 =	simm.s32 $execute0_lowered;
	[smem:$0x3FD2] =	sst s25  }
0xa6: {  	s4 =	sshll.u32 s26, $0x1;
	_ =	strace $0x80000049;
	[dreg:$0x1] =	wrdreg $0xFFFFFFFF  }
0xa7: {  	s28 =	simm.s32 $_size_execute0_lowered;
	s2 =	sadd.s32 s2, s4;
	[dreg:$0x0] =	wrdreg $0x0  }
0xa8: {  	s4 =	sshll.u32 s28, $0x1;
	[dreg:$0x2] =	wrdreg s2  }
0xa9: {  	[dreg:$0x3] =	wrdreg s4  }
0xaa: {  	[dreg:$0x4] =	wrdreg $0xC0  }
0xab: {  	_ =	task [dreg:s6], $0x5FFFF  }
0xac: {  	[dreg:$0x1] =	wrdreg $0xFFFFFFFF  }
0xad: {  	[dreg:$0x0] =	wrdreg $0x60  }
0xae: {  	[dreg:$0x2] =	wrdreg s24  }
0xaf: {  	[dreg:$0x3] =	wrdreg $0xA8000  }
0xb0: {  	[dreg:$0x4] =	wrdreg $0x9  }
0xb1: {  	_ =	task.clear_ibuf [dreg:s6], $0x5FFFF;
	_ =	strace $0x90000049  }
0xb2: {  	s29 =	simm.s32 $0x9;
	_ =	strace $0x8000004B  }
0xb3: {  	_ =	swait.ge [sflag:s29], $0x1  }
0xb4: {  	[sflag:s29] =	ssyncadd.s32 $0xFFFFFFFF  }
0xb5: {  	_ =	strace $0x9000004B  }
0xb6: {  	_ =	sfence  }
0xb7: {  	s30 =	sld [smem:$0x0];
	_ =	sdelay $0x2  }
0xb8: {  	s31 =	sshll.u32 s1, $0xD;
	s1 =	sshrl.u32 s1, $0x2  }
0xb9: {  	s3 =	sand.u32 $0x4000, s31;
	s1 =	sadd.s32 s1, s30  }
0xba: {  	s0 =	sor.u32 s3, s0;
	s1 =	sshll.u32 s1, $0x11  }
0xbb: {  	s0 =	sor.u32 s1, s0  }
0xbc: {  	s0 =	sadd.s32 $0x8F2B, s0  }
0xbd: {  	[sflag:s0] =	ssyncadd.remote.s32 $0x1  }
0xbe: {  	_ =	sfence.sel $0xFFFF  }
0xbf: {  	[dreg:$0x0] =	wrdreg $0xFFFFFFFF;
	(pc) =	sbr.abs _section_cstart, $3  }
0xc0: {  	[dreg:$0x1] =	wrdreg $0xFFFFFFFF  }
0xc1: {  	_ =	task.clear_ibuf [dreg:s6], $0x2FFFF;
	_ =	strace $0x9FFFFFFF  }
0xc2: {  	(tm) =	ssettm $0x7FFFFFFF  }
0xc3: {  	_ =	shalt  }
tec
execute0_lowered:
.L_overlay_start_1:
0x0: {  	(tag) =	ssettag $0x1  }
0x1: {  	s5 =	rddreg [dreg:$0x0]  }
0x2: {  	s2 =	rddreg [dreg:$0x1]  }
0x3: {  	s0 =	rddreg [dreg:$0x2]  }
0x4: {  	s1 =	stileid.u32;
	s4 =	srdreg.scid;
	s3 =	simm.s32 $0x0  }
0x5: {  	s16 =	simm.s32 $0x80;
	s17 =	simm.s32 $0x2800;
	s18 =	simm.s32 $0x6800  }
0x6: {  	s19 =	simm.s32 $0x1;
	s20 =	simm.s32 $0x2;
	s21 =	simm.s32 $0x2700  }
0x7: {  	s22 =	simm.s32 $0x2780;
	s23 =	simm.s32 $0x0;
	s6 =	smul.u32 $0x14000, s1  }
0x8: {  	s7 =	sand.u32 $0x1, s4;
	[smem:$0x7FF] =	sst s3;
	s9 =	sadd.s32 $0x33400, s5  }
0x9: {  	s10 =	sadd.s32 $0xA00, s5;
	s12 =	smul.u32 $0x50000, s1;
	s29 =	sshll.u32 s1, $0x6  }
0xa: {  	s4 =	smul.u32 $0x140000, s7;
	_ =	strace $0x8000004A;
	s11 =	ssub.s32 $0x2, s7  }
0xb: {  	s7 =	sshll.u32 s7, $0x4;
	s8 =	sshrl.u32 s6, $0x3;
	s25 =	sshrl.u32 s11, $0x1  }
0xc: {  	s26 =	sor.u32 s1, s7;
	s28 =	sshrl.u32 s12, $0x2;
	s6 =	sadd.s32 s6, s4  }
0xd: {  	s4 =	sadd.s32 $0x3D600, s5;
	s8 =	sadd.s32 s8, s5;
	s7 =	smul.u32 $0x2800, s26  }
0xe: {  	s14 =	ssub.s32 s11, s25;
	s15 =	sadd.s32 s28, s2;
	s30 =	smul.u32 $0x500, s26  }
0xf: {  	s6 =	sshrl.u32 s6, $0x3;
	s12 =	smax.u32 s14, $0x1;
	s14 =	simm.s32 $0x3  }
0x10: {  	s13 =	sadd.s32 s6, s5;
	s5 =	sadd.s32 $0x65600, s8;
	s31 =	sshrl.u32 s7, $0x3  }
0x11: {  	s6 =	sor.u32 $0x1C03, s29;
	s7 =	sadd.s32 s9, s30;
	s11 =	sadd.s32 $0x280, s31  }
0x12: {  	s8 =	sadd.s32 s10, s30;
	s9 =	sadd.s32 s9, s11;
	s10 =	sadd.s32 s10, s11  }
0x13: {  	s11 =	sadd.s32 $0x8D600, s13;
	s13 =	sshrl.u32 s15, $0x3;
	s15 =	simm.s32 $0x1400  }
.LBB2_1:
0x14: {  	[spmem:s13], [sflag:s6] =	dma.local [hbm:s5], $0x2800  }
0x15: {  	_ =	swait.ge [sflag:s14], $0x2800  }
0x16: {  	[sflag:s14] =	ssyncset.done $0x0  }
0x17: {  	[sflag:s14] =	ssyncadd.s32 $0xFFFFD800  }
0x18: {  	[bflag:$0x0] =	sbarrier.arrive $0xFFFF  }
0x19: {  	[tilespmem:s3], [sflag:$0x3] =	stream.linear.gather [hbm4b:s7+s3], $0x1400, $0x38;
	[tilespmem:$0x1E800] =	vst v63  }
0x1a: {  	_ =	swait.ge [sflag:s14], $0x1400  }
0x1b: {  	[sflag:s14] =	ssyncset.done $0x0  }
0x1c: {  	[sflag:s14] =	ssyncadd.s32 $0xFFFFEC00  }
0x1d: {  	[tilespmem:s15], [sflag:$0x3] =	stream.linear.gather [hbm4b:s8+s3], $0x1400, $0x38;
	[tilespmem:$0x1E800] =	vst v63  }
0x1e: {  	_ =	swait.ge [sflag:s14], $0x1400  }
0x1f: {  	[sflag:s14] =	ssyncset.done $0x0  }
0x20: {  	[sflag:s14] =	ssyncadd.s32 $0xFFFFEC00  }
0x21: {  	[tilespmem:s17], [sflag:$0x1] =	stream.indirect.gather [hbm4b:s4+s16], $0x80, s3, s16, $0xb8;
	[tilespmem:$0x1E800] =	vst v63  }
0x22: {  	_ = 	snop  }
0x23: {  	[tilespmem:s18], [sflag:$0x2] =	stream.indirect.gather [hbm4b:s4+s16], $0x80, s16, s16, $0xb8;
	[tilespmem:$0x1E800] =	vst v63  }
0x24: {  	_ =	swait.ge [sflag:s19], $0x4000  }
0x25: {  	[sflag:s19] =	ssyncset.done $0x0  }
0x26: {  	s24 =	simm.s32 $0x1400;
	[sflag:s19] =	ssyncadd.s32 $0xFFFFC000  }
0x27: {  	[spmem:s2] =	stream.indirect.scatter.add.f32 [tilespmem:s17], [sflag:$0x3], $0x80, s24, s16, $0xb8;
	[tilespmem:$0x1E800] =	vst v63  }
0x28: {  	_ =	swait.ge [sflag:s14], $0x4000  }
0x29: {  	[sflag:s14] =	ssyncset.done $0x0  }
0x2a: {  	s30 =	simm.s32 $0x100;
	[sflag:s14] =	ssyncadd.s32 $0xFFFFC000  }
0x2b: {  	[tilespmem:s17], [sflag:$0x1] =	stream.indirect.gather [hbm4b:s4+s16], $0x80, s30, s16, $0xb8;
	[tilespmem:$0x1E800] =	vst v63  }
0x2c: {  	_ =	swait.ge [sflag:s20], $0x4000  }
0x2d: {  	[sflag:s20] =	ssyncset.done $0x0  }
0x2e: {  	s31 =	simm.s32 $0x1480;
	[sflag:s20] =	ssyncadd.s32 $0xFFFFC000  }
0x2f: {  	[spmem:s2] =	stream.indirect.scatter.add.f32 [tilespmem:s18], [sflag:$0x3], $0x80, s31, s16, $0xb8;
	[tilespmem:$0x1E800] =	vst v63  }
0x30: {  	_ =	swait.ge [sflag:s14], $0x4000  }
0x31: {  	[sflag:s14] =	ssyncset.done $0x0  }
0x32: {  	s25 =	simm.s32 $0x180;
	s24 =	simm.s32 $0x400;
	[sflag:s14] =	ssyncadd.s32 $0xFFFFC000  }
.LBB2_2:
0x33: {  	[tilespmem:s18], [sflag:$0x2] =	stream.indirect.gather [hbm4b:s4+s16], $0x80, s25, s16, $0xb8;
	[tilespmem:$0x1E800] =	vst v63  }
0x34: {  	s25 =	smov.u32 s24  }
0x35: {  	p0 =	sne.s32 s24, $0x4800;
	s24 =	sadd.s32 $0x400, s24;
	_ =	swait.ge [sflag:s19], $0x4000  }
0x36: {  	s25 =	sshra.s32 s25, $0x2;
	[sflag:s19] =	ssyncset.done $0x0  }
0x37: {  	s26 =	sadd.s32 $0x1400, s25;
	[sflag:s19] =	ssyncadd.s32 $0xFFFFC000  }
0x38: {  	[spmem:s2] =	stream.indirect.scatter.add.f32 [tilespmem:s17], [sflag:$0x3], $0x80, s26, s16, $0xb8;
	[tilespmem:$0x1E800] =	vst v63  }
0x39: {  	_ =	swait.ge [sflag:s14], $0x4000  }
0x3a: {  	[sflag:s14] =	ssyncset.done $0x0  }
0x3b: {  	s26 =	sadd.s32 $0x100, s25;
	[sflag:s14] =	ssyncadd.s32 $0xFFFFC000  }
0x3c: {  	[tilespmem:s17], [sflag:$0x1] =	stream.indirect.gather [hbm4b:s4+s16], $0x80, s26, s16, $0xb8;
	[tilespmem:$0x1E800] =	vst v63  }
0x3d: {  	_ =	swait.ge [sflag:s20], $0x4000  }
0x3e: {  	[sflag:s20] =	ssyncset.done $0x0  }
.Ltmp0:
0x3f: {  	s26 =	sadd.s32 $0x1480, s25;
	[sflag:s20] =	ssyncadd.s32 $0xFFFFC000;
	(pc) =	sbr.rel @p0 .LBB2_2-.Ltmp0, $4  }
0x40: {  	[spmem:s2] =	stream.indirect.scatter.add.f32 [tilespmem:s18], [sflag:$0x3], $0x80, s26, s16, $0xb8;
	[tilespmem:$0x1E800] =	vst v63  }
0x41: {  	_ =	swait.ge [sflag:s14], $0x4000  }
0x42: {  	[sflag:s14] =	ssyncset.done $0x0  }
0x43: {  	s25 =	sadd.s32 $0x180, s25;
	[sflag:s14] =	ssyncadd.s32 $0xFFFFC000  }
0x44: {  	[tilespmem:s18], [sflag:$0x2] =	stream.indirect.gather [hbm4b:s4+s16], $0x80, s25, s16, $0xb8;
	[tilespmem:$0x1E800] =	vst v63  }
0x45: {  	_ =	swait.ge [sflag:s19], $0x4000  }
0x46: {  	[sflag:s19] =	ssyncset.done $0x0  }
0x47: {  	[sflag:s19] =	ssyncadd.s32 $0xFFFFC000  }
0x48: {  	[spmem:s2] =	stream.indirect.scatter.add.f32 [tilespmem:s17], [sflag:$0x3], $0x80, s21, s16, $0xb8;
	[tilespmem:$0x1E800] =	vst v63  }
0x49: {  	_ =	swait.ge [sflag:s14], $0x4000  }
0x4a: {  	[sflag:s14] =	ssyncset.done $0x0  }
0x4b: {  	[sflag:s14] =	ssyncadd.s32 $0xFFFFC000  }
0x4c: {  	_ =	swait.ge [sflag:s20], $0x4000  }
0x4d: {  	[sflag:s20] =	ssyncset.done $0x0  }
0x4e: {  	[sflag:s20] =	ssyncadd.s32 $0xFFFFC000  }
0x4f: {  	[spmem:s2] =	stream.indirect.scatter.add.f32 [tilespmem:s18], [sflag:$0x3], $0x80, s22, s16, $0xb8;
	[tilespmem:$0x1E800] =	vst v63  }
0x50: {  	_ =	swait.ge [sflag:s14], $0x4000  }
0x51: {  	[sflag:s14] =	ssyncset.done $0x0  }
0x52: {  	s24 =	simm.s32 $0x0;
	[sflag:s14] =	ssyncadd.s32 $0xFFFFC000  }
0x53: {  	[tilespmem:s24], [sflag:$0x3] =	stream.linear.gather [hbm4b:s9+s24], $0x1400, $0x38;
	[tilespmem:$0x1E800] =	vst v63  }
0x54: {  	_ =	swait.ge [sflag:s14], $0x1400  }
0x55: {  	[sflag:s14] =	ssyncset.done $0x0  }
0x56: {  	[sflag:s14] =	ssyncadd.s32 $0xFFFFEC00  }
0x57: {  	[tilespmem:s15], [sflag:$0x3] =	stream.linear.gather [hbm4b:s10+s24], $0x1400, $0x38;
	[tilespmem:$0x1E800] =	vst v63  }
0x58: {  	_ =	swait.ge [sflag:s14], $0x1400  }
0x59: {  	[sflag:s14] =	ssyncset.done $0x0  }
0x5a: {  	[sflag:s14] =	ssyncadd.s32 $0xFFFFEC00  }
0x5b: {  	[tilespmem:s17], [sflag:$0x1] =	stream.indirect.gather [hbm4b:s4+s16], $0x80, s24, s16, $0xb8;
	[tilespmem:$0x1E800] =	vst v63  }
0x5c: {  	_ = 	snop  }
0x5d: {  	[tilespmem:s18], [sflag:$0x2] =	stream.indirect.gather [hbm4b:s4+s16], $0x80, s16, s16, $0xb8;
	[tilespmem:$0x1E800] =	vst v63  }
0x5e: {  	_ =	swait.ge [sflag:s19], $0x4000  }
0x5f: {  	[sflag:s19] =	ssyncset.done $0x0  }
0x60: {  	s29 =	simm.s32 $0x1400;
	[sflag:s19] =	ssyncadd.s32 $0xFFFFC000  }
0x61: {  	[spmem:s2] =	stream.indirect.scatter.add.f32 [tilespmem:s17], [sflag:$0x3], $0x80, s29, s16, $0xb8;
	[tilespmem:$0x1E800] =	vst v63  }
0x62: {  	_ =	swait.ge [sflag:s14], $0x4000  }
0x63: {  	[sflag:s14] =	ssyncset.done $0x0  }
0x64: {  	s30 =	simm.s32 $0x100;
	[sflag:s14] =	ssyncadd.s32 $0xFFFFC000  }
0x65: {  	[tilespmem:s17], [sflag:$0x1] =	stream.indirect.gather [hbm4b:s4+s16], $0x80, s30, s16, $0xb8;
	[tilespmem:$0x1E800] =	vst v63  }
0x66: {  	_ =	swait.ge [sflag:s20], $0x4000  }
0x67: {  	[sflag:s20] =	ssyncset.done $0x0  }
0x68: {  	s31 =	simm.s32 $0x1480;
	[sflag:s20] =	ssyncadd.s32 $0xFFFFC000  }
0x69: {  	[spmem:s2] =	stream.indirect.scatter.add.f32 [tilespmem:s18], [sflag:$0x3], $0x80, s31, s16, $0xb8;
	[tilespmem:$0x1E800] =	vst v63  }
0x6a: {  	_ =	swait.ge [sflag:s14], $0x4000  }
0x6b: {  	[sflag:s14] =	ssyncset.done $0x0  }
0x6c: {  	s25 =	simm.s32 $0x180;
	s24 =	simm.s32 $0x400;
	[sflag:s14] =	ssyncadd.s32 $0xFFFFC000  }
.LBB2_4:
0x6d: {  	[tilespmem:s18], [sflag:$0x2] =	stream.indirect.gather [hbm4b:s4+s16], $0x80, s25, s16, $0xb8;
	[tilespmem:$0x1E800] =	vst v63  }
0x6e: {  	s25 =	smov.u32 s24  }
0x6f: {  	p0 =	sne.s32 s24, $0x4800;
	s24 =	sadd.s32 $0x400, s24;
	_ =	swait.ge [sflag:s19], $0x4000  }
0x70: {  	s25 =	sshra.s32 s25, $0x2;
	[sflag:s19] =	ssyncset.done $0x0  }
0x71: {  	s26 =	sadd.s32 $0x1400, s25;
	[sflag:s19] =	ssyncadd.s32 $0xFFFFC000  }
0x72: {  	[spmem:s2] =	stream.indirect.scatter.add.f32 [tilespmem:s17], [sflag:$0x3], $0x80, s26, s16, $0xb8;
	[tilespmem:$0x1E800] =	vst v63  }
0x73: {  	_ =	swait.ge [sflag:s14], $0x4000  }
0x74: {  	[sflag:s14] =	ssyncset.done $0x0  }
0x75: {  	s26 =	sadd.s32 $0x100, s25;
	[sflag:s14] =	ssyncadd.s32 $0xFFFFC000  }
0x76: {  	[tilespmem:s17], [sflag:$0x1] =	stream.indirect.gather [hbm4b:s4+s16], $0x80, s26, s16, $0xb8;
	[tilespmem:$0x1E800] =	vst v63  }
0x77: {  	_ =	swait.ge [sflag:s20], $0x4000  }
0x78: {  	[sflag:s20] =	ssyncset.done $0x0  }
.Ltmp1:
0x79: {  	s26 =	sadd.s32 $0x1480, s25;
	[sflag:s20] =	ssyncadd.s32 $0xFFFFC000;
	(pc) =	sbr.rel @p0 .LBB2_4-.Ltmp1, $4  }
0x7a: {  	[spmem:s2] =	stream.indirect.scatter.add.f32 [tilespmem:s18], [sflag:$0x3], $0x80, s26, s16, $0xb8;
	[tilespmem:$0x1E800] =	vst v63  }
0x7b: {  	_ =	swait.ge [sflag:s14], $0x4000  }
0x7c: {  	[sflag:s14] =	ssyncset.done $0x0  }
0x7d: {  	s25 =	sadd.s32 $0x180, s25;
	[sflag:s14] =	ssyncadd.s32 $0xFFFFC000  }
0x7e: {  	[tilespmem:s18], [sflag:$0x2] =	stream.indirect.gather [hbm4b:s4+s16], $0x80, s25, s16, $0xb8;
	[tilespmem:$0x1E800] =	vst v63  }
0x7f: {  	_ =	swait.ge [sflag:s19], $0x4000  }
0x80: {  	[sflag:s19] =	ssyncset.done $0x0  }
0x81: {  	[sflag:s19] =	ssyncadd.s32 $0xFFFFC000  }
0x82: {  	[spmem:s2] =	stream.indirect.scatter.add.f32 [tilespmem:s17], [sflag:$0x3], $0x80, s21, s16, $0xb8;
	[tilespmem:$0x1E800] =	vst v63  }
0x83: {  	_ =	swait.ge [sflag:s14], $0x4000  }
0x84: {  	[sflag:s14] =	ssyncset.done $0x0  }
0x85: {  	[sflag:s14] =	ssyncadd.s32 $0xFFFFC000  }
0x86: {  	_ =	swait.ge [sflag:s20], $0x4000  }
0x87: {  	[sflag:s20] =	ssyncset.done $0x0  }
0x88: {  	[sflag:s20] =	ssyncadd.s32 $0xFFFFC000  }
0x89: {  	[spmem:s2] =	stream.indirect.scatter.add.f32 [tilespmem:s18], [sflag:$0x3], $0x80, s22, s16, $0xb8;
	[tilespmem:$0x1E800] =	vst v63  }
0x8a: {  	_ =	swait.ge [sflag:s14], $0x4000  }
0x8b: {  	s23 =	sadd.s32 $0x1, s23;
	[sflag:s14] =	ssyncset.done $0x0  }
0x8c: {  	p0 =	sne.s32 s23, s12;
	[sflag:s14] =	ssyncadd.s32 $0xFFFFC000  }
.Ltmp2:
0x8d: {  	[bflag:$0x0] =	sbarrier.arrive $0xFFFF;
	(pc) =	sbr.rel @p0 .LBB2_1-.Ltmp2, $4  }
0x8e: {  	[hbm:s11], [sflag:s6] =	dma.local [spmem:s13], $0x2800  }
0x8f: {  	_ =	swait.ge [sflag:s14], $0x2800  }
0x90: {  	[sflag:s14] =	ssyncset.done $0x0  }
0x91: {  	[sflag:s14] =	ssyncadd.s32 $0xFFFFD800  }
0x92: {  	_ =	sfence.sel $0x180000  }
0x93: {  	[bflag:$0x0] =	sbarrier.arrive $0xFFFF  }
0x94: {  	p0 =	sne.s32 s1, $0x0;
	_ =	strace $0x9000004A  }
0x95: {  	s0 =	sadd.s32 @!p0 $0x100000, s0;
	[bflag:$0x2] =	sbarrier.arrive $0xFFFF  }
0x96: {  	[sflag:s0] =	ssyncadd.tile.s32 @!p0 $0x1;
	_ =	shalt  }
.Lfunc_end2:
_tile_overlayer_lowered:
.L_overlay_start_2:
0x97: {  	(tag) =	ssettag $0x2  }
0x98: {  	s0 =	rddreg [dreg:$0x0];
	s2 =	stileid.u32  }
0x99: {  	s1 =	rddreg [dreg:$0x1];
	p0 =	sne.s32 s2, $0x0  }
0x9a: {  	s3 =	rddreg [dreg:$0x2];
	[bflag:$0x3] =	sbarrier.arrive $0xFFFF;
	s2 =	simm.s32 @!p0 $0x1C03  }
0x9b: {  	[timem:s3], [sflag:s2] =	dma.local @!p0 [hbm:s0], s1  }
0x9c: {  	s0 =	simm.s32 @!p0 $0x3  }
0x9d: {  	_ =	swait.ge @!p0 [sflag:s0], s1  }
0x9e: {  	s1 =	ssub.s32 @!p0 $0x0, s1;
	[sflag:s0] =	ssyncset.done @!p0 $0x0  }
0x9f: {  	[sflag:s0] =	ssyncadd.s32 @!p0 s1  }
0xa0: {  	[bflag:$0x3] =	sbarrier.arrive $0xFFFF  }
0xa1: {  	_ =	shalt  }

// kernel: kernel.14.cloned.1.call-start
scs
__scs_entry_jumppad:
0x0: {  	(pc) =	sbr.rel $0x88, $3  }
0x1: {  	(tag) =	ssettag $0x0;
	lr =	simm.s32 $0x1  }
0x2: {  	[smem:$0x3F9A] =	sst lr;
	_ =	strace $0xD0000000  }
0x3: {  	_ = 	snop  }
0x4: {  	_ = 	snop  }
0x5: {  	_ = 	snop  }
0x6: {  	_ = 	snop  }
0x7: {  	_ = 	snop  }
__scs_overlays_trampoline_lowered:
0x8: {  	[smem:$0x3FA9] =	sst s0  }
0x9: {  	[smem:$0x3FAA] =	sst s1  }
0xa: {  	[smem:$0x3FAB] =	sst s2  }
0xb: {  	[smem:$0x3FAC] =	sst s3  }
0xc: {  	[smem:$0x3FAD] =	sst s4  }
0xd: {  	[smem:$0x3FAE] =	sst s5  }
0xe: {  	[smem:$0x3FAF] =	sst s6  }
0xf: {  	[smem:$0x3FB0] =	sst s7  }
0x10: {  	[smem:$0x3FB1] =	sst s8  }
0x11: {  	[smem:$0x3FB2] =	sst s9;
	s0 =	simm.s32 @!p0 $0x0  }
0x12: {  	s1 =	sld [smem:$0x3F98];
	s0 =	simm.s32 @p0 $0x1  }
0x13: {  	[smem:$0x3FB3] =	sst s0;
	s0 =	simm.s32 @!p1 $0x0  }
0x14: {  	s2 =	sld [smem:$0x3F97];
	s0 =	simm.s32 @p1 $0x1  }
0x15: {  	[smem:$0x3FB4] =	sst s0;
	s0 =	simm.s32 @!p2 $0x0  }
0x16: {  	s3 =	sld [smem:$0x3FDB];
	s0 =	simm.s32 @p2 $0x1  }
0x17: {  	s4 =	simm.s32 $0x1BF5;
	[smem:$0x3FB6] =	sst s0  }
0x18: {  	s0 =	sld [smem:$0x3F99];
	_ =	swait.ge [sflag:s4], $0x0  }
0x19: {  	s7 =	sld [smem:$0x3F9A]  }
0x1a: {  	s8 =	sadd.s32 $0xFFFFE003, lr  }
0x1b: {  	s9 =	sadd.s32 $0xFFFFFEF7, lr;
	s5 =	simm.s32 $0xFFFFFFFF;
	p2 =	slt.u32 s8, $0xFFFFF086  }
0x1c: {  	p1 =	slt.u32 s9, $0xF7A;
	s5 =	simm.s32 @!p2 $0x0  }
0x1d: {  	s5 =	simm.s32 @p1 $0x1;
	p0 =	seq.s32 s7, s2  }
0x1e: {  	s7 =	smul.u32 @!p0 $0xF7A, s2;
	p2 =	seq.s32 @!p0 s5, $0x0  }
0x1f: {  	s9 =	smul.u32 $0xF7A, s1;
	s8 =	simm.s32 @!p0 $0x1BF5;
	p2 =	por !p2, p0  }
0x20: {  	[sflag:s8] =	ssyncset.s32 @!p0 $0xFFFFF086;
	s6 =	sadd.s32 @!p0 s3, s7;
	s7 =	simm.s32 @!p0 $0x108  }
0x21: {  	s3 =	sadd.s32 s3, s9;
	s6 =	sadd.s32 @!p0 $0x88, s6;
	s7 =	simm.s32 @p2 $0x1082  }
0x22: {  	[simem:s7], [sflag:s8] =	dma.local @!p0 [hbm:s6], $0xF7A  }
0x23: {  	s9 =	sor.u32 $0xD0000000, s2;
	s6 =	simm.s32 $0x108;
	_ =	swait.ge @!p0 [sflag:s8], $0x0  }
0x24: {  	s3 =	sadd.s32 $0x88, s3;
	s6 =	simm.s32 @!p1 $0x1082;
	[sflag:s4] =	ssyncset.s32 $0xFFFFF086  }
0x25: {  	[simem:s6], [sflag:s4] =	dma.local [hbm:s3], $0xF7A  }
0x26: {  	[smem:$0x3F9A] =	sst s1;
	(tag) =	ssettag s2;
	_ =	strace s9  }
0x27: {  	s1 =	sld [smem:$0x3FAA]  }
0x28: {  	s2 =	sld [smem:$0x3FAB]  }
0x29: {  	s4 =	sld [smem:$0x3FAD]  }
0x2a: {  	p0 =	seq.s32 s5, $0x0;
	s5 =	sld [smem:$0x3FAE]  }
0x2b: {  	s6 =	sld [smem:$0x3FAF]  }
0x2c: {  	s7 =	sld [smem:$0x3FB0]  }
0x2d: {  	s3 =	simm.s32 $0x108;
	s8 =	sld [smem:$0x3FB1]  }
0x2e: {  	s3 =	simm.s32 @!p0 $0x1082;
	s9 =	sld [smem:$0x3FB2]  }
0x2f: {  	lr =	sadd.s32 s0, s3;
	s0 =	sld [smem:$0x3FA9]  }
0x30: {  	s3 =	sld [smem:$0x3FAC]  }
0x31: {  	[smem:$0x3FB5] =	sst s10  }
0x32: {  	s10 =	sld [smem:$0x3FB3];
	_ =	sdelay $0x3  }
0x33: {  	p0 =	seq.s32 s10, $0x1;
	s10 =	sld [smem:$0x3FB5];
	_ =	sdelay $0x3  }
0x34: {  	[smem:$0x3FB5] =	sst s10  }
0x35: {  	s10 =	sld [smem:$0x3FB4];
	_ =	sdelay $0x3  }
0x36: {  	p1 =	seq.s32 s10, $0x1;
	s10 =	sld [smem:$0x3FB5];
	_ =	sdelay $0x3  }
0x37: {  	[smem:$0x3FB5] =	sst s10  }
0x38: {  	s10 =	sld [smem:$0x3FB6]  }
0x39: {  	_ = 	snop;
	(pc) =	sbr.ind lr, $3  }
0x3a: {  	_ = 	snop  }
0x3b: {  	_ = 	snop  }
0x3c: {  	p2 =	seq.s32 s10, $0x1;
	s10 =	sld [smem:$0x3FB5]  }
0x3d: {  	_ =	shalt  }
0x3e: {  	_ =	shalt  }
0x3f: {  	_ =	shalt  }
0x40: {  	_ =	shalt  }
0x41: {  	_ =	shalt  }
0x42: {  	_ =	shalt  }
0x43: {  	_ =	shalt  }
0x44: {  	_ =	shalt  }
0x45: {  	_ =	shalt  }
0x46: {  	_ =	shalt  }
0x47: {  	_ =	shalt  }
0x48: {  	_ =	shalt  }
0x49: {  	_ =	shalt  }
0x4a: {  	_ =	shalt  }
0x4b: {  	_ =	shalt  }
0x4c: {  	_ =	shalt  }
0x4d: {  	_ =	shalt  }
0x4e: {  	_ =	shalt  }
0x4f: {  	_ =	shalt  }
0x50: {  	_ =	shalt  }
0x51: {  	_ =	shalt  }
0x52: {  	_ =	shalt  }
0x53: {  	_ =	shalt  }
0x54: {  	_ =	shalt  }
0x55: {  	_ =	shalt  }
0x56: {  	_ =	shalt  }
0x57: {  	_ =	shalt  }
0x58: {  	_ =	shalt  }
0x59: {  	_ =	shalt  }
0x5a: {  	_ =	shalt  }
0x5b: {  	_ =	shalt  }
0x5c: {  	_ =	shalt  }
0x5d: {  	_ =	shalt  }
0x5e: {  	_ =	shalt  }
0x5f: {  	_ =	shalt  }
0x60: {  	_ =	shalt  }
0x61: {  	_ =	shalt  }
0x62: {  	_ =	shalt  }
0x63: {  	_ =	shalt  }
0x64: {  	_ =	shalt  }
0x65: {  	_ =	shalt  }
0x66: {  	_ =	shalt  }
0x67: {  	_ =	shalt  }
0x68: {  	_ =	shalt  }
0x69: {  	_ =	shalt  }
0x6a: {  	_ =	shalt  }
0x6b: {  	_ =	shalt  }
0x6c: {  	_ =	shalt  }
0x6d: {  	_ =	shalt  }
0x6e: {  	_ =	shalt  }
0x6f: {  	_ =	shalt  }
0x70: {  	_ =	shalt  }
0x71: {  	_ =	shalt  }
0x72: {  	_ =	shalt  }
0x73: {  	_ =	shalt  }
0x74: {  	_ =	shalt  }
0x75: {  	_ =	shalt  }
0x76: {  	_ =	shalt  }
0x77: {  	_ =	shalt  }
0x78: {  	_ =	shalt  }
0x79: {  	_ =	shalt  }
0x7a: {  	_ =	shalt  }
0x7b: {  	_ =	shalt  }
0x7c: {  	_ =	shalt  }
0x7d: {  	_ =	shalt  }
0x7e: {  	_ =	shalt  }
0x7f: {  	_ =	shalt  }
0x80: {  	_ =	shalt  }
0x81: {  	_ =	shalt  }
0x82: {  	_ =	shalt  }
0x83: {  	_ =	shalt  }
0x84: {  	_ =	shalt  }
0x85: {  	_ =	shalt  }
0x86: {  	_ =	shalt  }
0x87: {  	_ =	shalt  }
.Lfunc_end0:
.L_simem_size_0:
called_computation.2_lowered:
.L_overlay_start_0:
0x88: {  	s2 =	sld [smem:$0x3FD9]  }
0x89: {  	s3 =	sld [smem:$0x3FFE];
	_ =	sdelay $0x1  }
0x8a: {  	s1 =	srdreg.scid  }
0x8b: {  	s0 =	sand.u32 $0x1, s1  }
0x8c: {  	s16 =	sshll.u32 s0, $0xA;
	s2 =	sadd.s32 s3, s2  }
0x8d: {  	s2 =	sadd.s32 s2, s16  }
0x8e: {  	[smem:$0x3FC1] =	sst s2  }
0x8f: {  	_ = 	snop  }
0x90: {  	(tm) =	ssettm $0x1  }
0x91: {  	s17 =	sld [smem:$0x3FFB];
	_ =	sdelay $0x3  }
0x92: {  	_ =	strace s17  }
0x93: {  	s2 =	sld [smem:$0x3FFC];
	_ =	sdelay $0x3  }
0x94: {  	_ =	strace s2  }
0x95: {  	s2 =	sld [smem:$0x3FFD];
	_ =	sdelay $0x3  }
0x96: {  	_ =	strace s2  }
0x97: {  	_ =	strace $0x8FFFFFFF  }
0x98: {  	s18 =	sld [smem:$0x3FDB];
	_ =	sdelay $0x1  }
0x99: {  	s19 =	simm.s32 $_scs_section_size  }
0x9a: {  	s4 =	simm.s32 $_size__tile_overlayer_lowered;
	s5 =	simm.s32 $_tile_overlayer_lowered  }
0x9b: {  	s22 =	simm.s32 $0x1BFF;
	s21 =	sshll.u32 s5, $0x1;
	s2 =	sadd.s32 s19, s18  }
0x9c: {  	s6 =	simm.s32 $0x0;
	s20 =	sshll.u32 s4, $0x1;
	s4 =	sadd.s32 s21, s2  }
0x9d: {  	[timem:s6], [sflag:s22] =	dma.local [hbm:s4], s20  }
0x9e: {  	_ =	swait.ge [sflag:s22], s20  }
0x9f: {  	s3 =	ssub.s32 $0x0, s20;
	[sflag:s22] =	ssyncset.done $0x0  }
0xa0: {  	[sflag:s22] =	ssyncadd.s32 s3;
	_ =	sdelay $0x1  }
0xa1: {  	s23 =	simm.s32 $0x1B8B  }
0xa2: {  	_ =	swait.ge [sflag:s23], $0x1  }
0xa3: {  	[sflag:s23] =	ssyncset.done $0x0  }
0xa4: {  	s25 =	simm.s32 $0x1B8E;
	s24 =	sld [smem:$0x3FFE];
	[sflag:s23] =	ssyncadd.s32 $0xFFFFFFFF  }
0xa5: {  	s26 =	simm.s32 $execute0_lowered;
	[smem:$0x3FD2] =	sst s25  }
0xa6: {  	s4 =	sshll.u32 s26, $0x1;
	_ =	strace $0x8000004C;
	[dreg:$0x1] =	wrdreg $0xFFFFFFFF  }
0xa7: {  	s28 =	simm.s32 $_size_execute0_lowered;
	s2 =	sadd.s32 s2, s4;
	[dreg:$0x0] =	wrdreg $0x0  }
0xa8: {  	s4 =	sshll.u32 s28, $0x1;
	[dreg:$0x2] =	wrdreg s2  }
0xa9: {  	[dreg:$0x3] =	wrdreg s4  }
0xaa: {  	[dreg:$0x4] =	wrdreg $0xC0  }
0xab: {  	_ =	task [dreg:s6], $0x5FFFF  }
0xac: {  	[dreg:$0x1] =	wrdreg $0xFFFFFFFF  }
0xad: {  	[dreg:$0x0] =	wrdreg $0x60  }
0xae: {  	[dreg:$0x2] =	wrdreg s24  }
0xaf: {  	[dreg:$0x3] =	wrdreg $0x54800  }
0xb0: {  	[dreg:$0x4] =	wrdreg $0x57000  }
0xb1: {  	[dreg:$0x5] =	wrdreg $0x9  }
0xb2: {  	_ =	task.clear_ibuf [dreg:s6], $0x6FFFF;
	_ =	strace $0x9000004C  }
0xb3: {  	s29 =	simm.s32 $0x9;
	_ =	strace $0x8000004E  }
0xb4: {  	_ =	swait.ge [sflag:s29], $0x1  }
0xb5: {  	[sflag:s29] =	ssyncadd.s32 $0xFFFFFFFF  }
0xb6: {  	_ =	strace $0x9000004E  }
0xb7: {  	_ =	sfence  }
0xb8: {  	s30 =	sld [smem:$0x0];
	_ =	sdelay $0x2  }
0xb9: {  	s31 =	sshll.u32 s1, $0xD;
	s1 =	sshrl.u32 s1, $0x2  }
0xba: {  	s3 =	sand.u32 $0x4000, s31;
	s1 =	sadd.s32 s1, s30  }
0xbb: {  	s0 =	sor.u32 s3, s0;
	s1 =	sshll.u32 s1, $0x11  }
0xbc: {  	s0 =	sor.u32 s1, s0  }
0xbd: {  	s0 =	sadd.s32 $0x8F2B, s0  }
0xbe: {  	[sflag:s0] =	ssyncadd.remote.s32 $0x1  }
0xbf: {  	_ =	sfence.sel $0xFFFF  }
0xc0: {  	[dreg:$0x0] =	wrdreg $0xFFFFFFFF;
	(pc) =	sbr.abs _section_cstart, $3  }
0xc1: {  	[dreg:$0x1] =	wrdreg $0xFFFFFFFF  }
0xc2: {  	_ =	task.clear_ibuf [dreg:s6], $0x2FFFF;
	_ =	strace $0x9FFFFFFF  }
0xc3: {  	(tm) =	ssettm $0x7FFFFFFF  }
tec
execute0_lowered:
.L_overlay_start_1:
0x0: {  	(tag) =	ssettag $0x1  }
0x1: {  	s8 =	rddreg [dreg:$0x0]  }
0x2: {  	s2 =	rddreg [dreg:$0x1]  }
0x3: {  	s0 =	srdreg.scid;
	s3 =	rddreg [dreg:$0x2]  }
0x4: {  	s4 =	simm.s32 $0x0;
	s15 =	simm.s32 $0x2800;
	s16 =	simm.s32 $0x5200  }
0x5: {  	s17 =	simm.s32 $0x80;
	s18 =	simm.s32 $0x5000;
	s19 =	simm.s32 $0x5100  }
0x6: {  	s20 =	simm.s32 $0x5080;
	s21 =	simm.s32 $0x5180;
	s22 =	simm.s32 $0x1  }
0x7: {  	s23 =	simm.s32 $0x2;
	s24 =	simm.s32 $0x4F00;
	s25 =	simm.s32 $0x4F80  }
0x8: {  	s26 =	simm.s32 $0x20;
	s28 =	simm.s32 $0x10;
	s7 =	sand.u32 $0x1, s0  }
0x9: {  	s29 =	simm.s32 $0x0;
	s0 =	stileid.u32;
	s9 =	smul.u32 $0x5000, s7  }
0xa: {  	[smem:$0x7FF] =	sst s4;
	s1 =	sshll.u32 s7, $0x4;
	s10 =	smul.u32 $0x500, s0  }
0xb: {  	s7 =	ssub.s32 $0x2, s7;
	s12 =	smul.u32 $0x280, s0;
	s1 =	sor.u32 s0, s1  }
0xc: {  	s6 =	sadd.s32 $0xAA00, s8;
	s31 =	sshrl.u32 s7, $0x1;
	s5 =	smul.u32 $0x500, s1  }
0xd: {  	_ =	strace $0x8000004D;
	s9 =	sadd.s32 s10, s9;
	s14 =	ssub.s32 s7, s31  }
0xe: {  	s10 =	sadd.s32 s12, s3;
	s9 =	sshrl.u32 s9, $0x3;
	s11 =	sadd.s32 s5, s8  }
0xf: {  	s5 =	sadd.s32 $0xB000, s8;
	s13 =	sadd.s32 s9, s8;
	s9 =	sadd.s32 s12, s2  }
0x10: {  	s7 =	sadd.s32 $0x33400, s11;
	s8 =	sadd.s32 $0xA00, s11;
	s11 =	sadd.s32 $0xB600, s13  }
0x11: {  	v0 =	vimm.f32 $0.0e+00;
	s12 =	sadd.s32 $0xB610, s13;
	s13 =	smax.u32 s14, $0x1;
	s14 =	simm.s32 $0x3  }
.LBB2_1:
0x12: {  	[tilespmem:s4], [sflag:$0x3] =	stream.linear.gather [hbm4b:s7+s4], $0x2800, $0x38;
	[tilespmem:$0x5980] =	vst v63  }
0x13: {  	_ =	swait.ge [sflag:s14], $0x2800  }
0x14: {  	[sflag:s14] =	ssyncset.done $0x0  }
0x15: {  	[sflag:s14] =	ssyncadd.s32 $0xFFFFD800  }
0x16: {  	[tilespmem:s15], [sflag:$0x3] =	stream.linear.gather [hbm4b:s8+s4], $0x2800, $0x38;
	[tilespmem:$0x5980] =	vst v63  }
0x17: {  	_ =	swait.ge [sflag:s14], $0x2800  }
0x18: {  	[sflag:s14] =	ssyncset.done $0x0  }
0x19: {  	[sflag:s14] =	ssyncadd.s32 $0xFFFFD800  }
0x1a: {  	[tilespmem:$0x5200] =	vst v0  }
0x1b: {  	[tilespmem:$0x5210] =	vst v0  }
0x1c: {  	[tilespmem:$0x5220] =	vst v0  }
0x1d: {  	[tilespmem:$0x5230] =	vst v0  }
0x1e: {  	[tilespmem:$0x5240] =	vst v0  }
0x1f: {  	[tilespmem:$0x5250] =	vst v0  }
0x20: {  	[tilespmem:$0x5260] =	vst v0  }
0x21: {  	[tilespmem:$0x5270] =	vst v0  }
0x22: {  	[tilespmem:$0x5280] =	vst v0  }
0x23: {  	[tilespmem:$0x5290] =	vst v0  }
0x24: {  	[tilespmem:$0x52A0] =	vst v0  }
0x25: {  	[tilespmem:$0x52B0] =	vst v0  }
0x26: {  	[tilespmem:$0x52C0] =	vst v0  }
0x27: {  	[tilespmem:$0x52D0] =	vst v0  }
0x28: {  	[tilespmem:$0x52E0] =	vst v0  }
0x29: {  	[tilespmem:$0x52F0] =	vst v0  }
0x2a: {  	[tilespmem:$0x5300] =	vst v0  }
0x2b: {  	[tilespmem:$0x5310] =	vst v0  }
0x2c: {  	[tilespmem:$0x5320] =	vst v0  }
0x2d: {  	[tilespmem:$0x5330] =	vst v0  }
0x2e: {  	[tilespmem:$0x5340] =	vst v0  }
0x2f: {  	[tilespmem:$0x5350] =	vst v0  }
0x30: {  	[tilespmem:$0x5360] =	vst v0  }
0x31: {  	[tilespmem:$0x5370] =	vst v0  }
0x32: {  	[tilespmem:$0x5380] =	vst v0  }
0x33: {  	[tilespmem:$0x5390] =	vst v0  }
0x34: {  	[tilespmem:$0x53A0] =	vst v0  }
0x35: {  	[tilespmem:$0x53B0] =	vst v0  }
0x36: {  	[tilespmem:$0x53C0] =	vst v0  }
0x37: {  	[tilespmem:$0x53D0] =	vst v0  }
0x38: {  	[tilespmem:$0x53E0] =	vst v0  }
0x39: {  	[tilespmem:$0x53F0] =	vst v0  }
0x3a: {  	[tilespmem:$0x5400] =	vst v0  }
0x3b: {  	[tilespmem:$0x5410] =	vst v0  }
0x3c: {  	[tilespmem:$0x5420] =	vst v0  }
0x3d: {  	[tilespmem:$0x5430] =	vst v0  }
0x3e: {  	[tilespmem:$0x5440] =	vst v0  }
0x3f: {  	[tilespmem:$0x5450] =	vst v0  }
0x40: {  	[tilespmem:$0x5460] =	vst v0  }
0x41: {  	[tilespmem:$0x5470] =	vst v0  }
0x42: {  	[spmem:s9] =	stream.linear.scatter [tilespmem:s16], [sflag:$0x3], $0x280, $0x38;
	[tilespmem:$0x5980] =	vst v63  }
0x43: {  	_ =	swait.ge [sflag:s14], $0x280  }
0x44: {  	[sflag:s14] =	ssyncset.done $0x0  }
0x45: {  	[sflag:s14] =	ssyncadd.s32 $0xFFFFFD80  }
0x46: {  	[spmem:s10] =	stream.linear.scatter [tilespmem:s16], [sflag:$0x3], $0x280, $0x38;
	[tilespmem:$0x5980] =	vst v63  }
0x47: {  	_ =	swait.ge [sflag:s14], $0x280  }
0x48: {  	[sflag:s14] =	ssyncset.done $0x0  }
0x49: {  	[sflag:s14] =	ssyncadd.s32 $0xFFFFFD80  }
0x4a: {  	[bflag:$0x0] =	sbarrier.arrive $0xFFFF  }
0x4b: {  	[tilespmem:s18], [sflag:$0x1] =	stream.indirect.gather [hbm4b:s5+s17], $0x1, s4, s17, $0xb8;
	[tilespmem:$0x5980] =	vst v63  }
0x4c: {  	_ = 	snop  }
0x4d: {  	[tilespmem:s19], [sflag:$0x1] =	stream.indirect.gather [hbm4b:s6+s17], $0x1, s4, s17, $0xb8;
	[tilespmem:$0x5980] =	vst v63  }
0x4e: {  	_ = 	snop  }
0x4f: {  	[tilespmem:s20], [sflag:$0x2] =	stream.indirect.gather [hbm4b:s5+s17], $0x1, s17, s17, $0xb8;
	[tilespmem:$0x5980] =	vst v63  }
0x50: {  	_ = 	snop  }
0x51: {  	[tilespmem:s21], [sflag:$0x2] =	stream.indirect.gather [hbm4b:s6+s17], $0x1, s17, s17, $0xb8;
	[tilespmem:$0x5980] =	vst v63  }
0x52: {  	_ =	swait.ge [sflag:s22], $0x80  }
0x53: {  	[sflag:s22] =	ssyncset.done $0x0  }
0x54: {  	[sflag:s22] =	ssyncadd.s32 $0xFFFFFF80  }
0x55: {  	_ =	swait.ge [sflag:s22], $0x80  }
0x56: {  	[sflag:s22] =	ssyncset.done $0x0  }
0x57: {  	s30 =	simm.s32 $0x2800;
	[sflag:s22] =	ssyncadd.s32 $0xFFFFFF80  }
0x58: {  	[spmem:s2] =	stream.indirect.scatter.add.f32 [tilespmem:s18], [sflag:$0x3], $0x1, s30, s17, $0xb8;
	[tilespmem:$0x5980] =	vst v63  }
0x59: {  	_ =	swait.ge [sflag:s14], $0x80  }
0x5a: {  	[sflag:s14] =	ssyncset.done $0x0  }
0x5b: {  	[sflag:s14] =	ssyncadd.s32 $0xFFFFFF80  }
0x5c: {  	[spmem:s3] =	stream.indirect.scatter.add.f32 [tilespmem:s19], [sflag:$0x3], $0x1, s30, s17, $0xb8;
	[tilespmem:$0x5980] =	vst v63  }
0x5d: {  	_ =	swait.ge [sflag:s14], $0x80  }
0x5e: {  	[sflag:s14] =	ssyncset.done $0x0  }
0x5f: {  	s30 =	simm.s32 $0x100;
	[sflag:s14] =	ssyncadd.s32 $0xFFFFFF80  }
0x60: {  	[tilespmem:s18], [sflag:$0x1] =	stream.indirect.gather [hbm4b:s5+s17], $0x1, s30, s17, $0xb8;
	[tilespmem:$0x5980] =	vst v63  }
0x61: {  	_ = 	snop  }
0x62: {  	[tilespmem:s19], [sflag:$0x1] =	stream.indirect.gather [hbm4b:s6+s17], $0x1, s30, s17, $0xb8;
	[tilespmem:$0x5980] =	vst v63  }
0x63: {  	_ =	swait.ge [sflag:s23], $0x80  }
0x64: {  	[sflag:s23] =	ssyncset.done $0x0  }
0x65: {  	[sflag:s23] =	ssyncadd.s32 $0xFFFFFF80  }
0x66: {  	_ =	swait.ge [sflag:s23], $0x80  }
0x67: {  	[sflag:s23] =	ssyncset.done $0x0  }
0x68: {  	s30 =	simm.s32 $0x2880;
	[sflag:s23] =	ssyncadd.s32 $0xFFFFFF80  }
0x69: {  	[spmem:s2] =	stream.indirect.scatter.add.f32 [tilespmem:s20], [sflag:$0x3], $0x1, s30, s17, $0xb8;
	[tilespmem:$0x5980] =	vst v63  }
0x6a: {  	_ =	swait.ge [sflag:s14], $0x80  }
0x6b: {  	[sflag:s14] =	ssyncset.done $0x0  }
0x6c: {  	[sflag:s14] =	ssyncadd.s32 $0xFFFFFF80  }
0x6d: {  	[spmem:s3] =	stream.indirect.scatter.add.f32 [tilespmem:s21], [sflag:$0x3], $0x1, s30, s17, $0xb8;
	[tilespmem:$0x5980] =	vst v63  }
0x6e: {  	_ =	swait.ge [sflag:s14], $0x80  }
0x6f: {  	[sflag:s14] =	ssyncset.done $0x0  }
0x70: {  	s31 =	simm.s32 $0x180;
	s30 =	simm.s32 $0x400;
	[sflag:s14] =	ssyncadd.s32 $0xFFFFFF80  }
0x71: {  	[tilespmem:s20], [sflag:$0x2] =	stream.indirect.gather [hbm4b:s5+s17], $0x1, s31, s17, $0xb8;
	[tilespmem:$0x5980] =	vst v63  }
.LBB2_2:
0x72: {  	[tilespmem:s21], [sflag:$0x2] =	stream.indirect.gather [hbm4b:s6+s17], $0x1, s31, s17, $0xb8;
	[tilespmem:$0x5980] =	vst v63  }
0x73: {  	s31 =	smov.u32 s30  }
0x74: {  	p0 =	sne.s32 s30, $0x9800;
	s30 =	sadd.s32 $0x400, s30;
	_ =	swait.ge [sflag:s22], $0x80  }
0x75: {  	[sflag:s22] =	ssyncset.done $0x0  }
0x76: {  	[sflag:s22] =	ssyncadd.s32 $0xFFFFFF80  }
0x77: {  	_ =	swait.ge [sflag:s22], $0x80  }
0x78: {  	s31 =	sshra.s32 s31, $0x2;
	[sflag:s22] =	ssyncset.done $0x0  }
0x79: {  	s1 =	sadd.s32 $0x2800, s31;
	[sflag:s22] =	ssyncadd.s32 $0xFFFFFF80  }
0x7a: {  	[spmem:s2] =	stream.indirect.scatter.add.f32 [tilespmem:s18], [sflag:$0x3], $0x1, s1, s17, $0xb8;
	[tilespmem:$0x5980] =	vst v63  }
0x7b: {  	_ =	swait.ge [sflag:s14], $0x80  }
0x7c: {  	[sflag:s14] =	ssyncset.done $0x0  }
0x7d: {  	[sflag:s14] =	ssyncadd.s32 $0xFFFFFF80  }
0x7e: {  	[spmem:s3] =	stream.indirect.scatter.add.f32 [tilespmem:s19], [sflag:$0x3], $0x1, s1, s17, $0xb8;
	[tilespmem:$0x5980] =	vst v63  }
0x7f: {  	_ =	swait.ge [sflag:s14], $0x80  }
0x80: {  	[sflag:s14] =	ssyncset.done $0x0  }
0x81: {  	s1 =	sadd.s32 $0x100, s31;
	[sflag:s14] =	ssyncadd.s32 $0xFFFFFF80  }
0x82: {  	[tilespmem:s18], [sflag:$0x1] =	stream.indirect.gather [hbm4b:s5+s17], $0x1, s1, s17, $0xb8;
	[tilespmem:$0x5980] =	vst v63  }
0x83: {  	_ = 	snop  }
0x84: {  	[tilespmem:s19], [sflag:$0x1] =	stream.indirect.gather [hbm4b:s6+s17], $0x1, s1, s17, $0xb8;
	[tilespmem:$0x5980] =	vst v63  }
0x85: {  	_ =	swait.ge [sflag:s23], $0x80  }
0x86: {  	[sflag:s23] =	ssyncset.done $0x0  }
0x87: {  	[sflag:s23] =	ssyncadd.s32 $0xFFFFFF80  }
0x88: {  	_ =	swait.ge [sflag:s23], $0x80  }
0x89: {  	[sflag:s23] =	ssyncset.done $0x0  }
0x8a: {  	s1 =	sadd.s32 $0x2880, s31;
	[sflag:s23] =	ssyncadd.s32 $0xFFFFFF80  }
0x8b: {  	[spmem:s2] =	stream.indirect.scatter.add.f32 [tilespmem:s20], [sflag:$0x3], $0x1, s1, s17, $0xb8;
	[tilespmem:$0x5980] =	vst v63  }
0x8c: {  	_ =	swait.ge [sflag:s14], $0x80  }
0x8d: {  	[sflag:s14] =	ssyncset.done $0x0  }
0x8e: {  	[sflag:s14] =	ssyncadd.s32 $0xFFFFFF80  }
0x8f: {  	[spmem:s3] =	stream.indirect.scatter.add.f32 [tilespmem:s21], [sflag:$0x3], $0x1, s1, s17, $0xb8;
	[tilespmem:$0x5980] =	vst v63  }
.Ltmp0:
0x90: {  	_ = 	snop;
	(pc) =	sbr.rel @p0 .LBB2_2-.Ltmp0, $4  }
0x91: {  	_ =	swait.ge [sflag:s14], $0x80  }
0x92: {  	[sflag:s14] =	ssyncset.done $0x0  }
0x93: {  	s31 =	sadd.s32 $0x180, s31;
	[sflag:s14] =	ssyncadd.s32 $0xFFFFFF80  }
0x94: {  	[tilespmem:s20], [sflag:$0x2] =	stream.indirect.gather [hbm4b:s5+s17], $0x1, s31, s17, $0xb8;
	[tilespmem:$0x5980] =	vst v63  }
0x95: {  	[tilespmem:s21], [sflag:$0x2] =	stream.indirect.gather [hbm4b:s6+s17], $0x1, s31, s17, $0xb8;
	[tilespmem:$0x5980] =	vst v63  }
0x96: {  	_ =	swait.ge [sflag:s22], $0x80  }
0x97: {  	[sflag:s22] =	ssyncset.done $0x0  }
0x98: {  	[sflag:s22] =	ssyncadd.s32 $0xFFFFFF80  }
0x99: {  	_ =	swait.ge [sflag:s22], $0x80  }
0x9a: {  	[sflag:s22] =	ssyncset.done $0x0  }
0x9b: {  	[sflag:s22] =	ssyncadd.s32 $0xFFFFFF80  }
0x9c: {  	[spmem:s2] =	stream.indirect.scatter.add.f32 [tilespmem:s18], [sflag:$0x3], $0x1, s24, s17, $0xb8;
	[tilespmem:$0x5980] =	vst v63  }
0x9d: {  	_ =	swait.ge [sflag:s14], $0x80  }
0x9e: {  	[sflag:s14] =	ssyncset.done $0x0  }
0x9f: {  	[sflag:s14] =	ssyncadd.s32 $0xFFFFFF80  }
0xa0: {  	[spmem:s3] =	stream.indirect.scatter.add.f32 [tilespmem:s19], [sflag:$0x3], $0x1, s24, s17, $0xb8;
	[tilespmem:$0x5980] =	vst v63  }
0xa1: {  	_ =	swait.ge [sflag:s14], $0x80  }
0xa2: {  	[sflag:s14] =	ssyncset.done $0x0  }
0xa3: {  	[sflag:s14] =	ssyncadd.s32 $0xFFFFFF80  }
0xa4: {  	_ =	swait.ge [sflag:s23], $0x80  }
0xa5: {  	[sflag:s23] =	ssyncset.done $0x0  }
0xa6: {  	[sflag:s23] =	ssyncadd.s32 $0xFFFFFF80  }
0xa7: {  	_ =	swait.ge [sflag:s23], $0x80  }
0xa8: {  	[sflag:s23] =	ssyncset.done $0x0  }
0xa9: {  	[sflag:s23] =	ssyncadd.s32 $0xFFFFFF80  }
0xaa: {  	[spmem:s2] =	stream.indirect.scatter.add.f32 [tilespmem:s20], [sflag:$0x3], $0x1, s25, s17, $0xb8;
	[tilespmem:$0x5980] =	vst v63  }
0xab: {  	_ =	swait.ge [sflag:s14], $0x80  }
0xac: {  	[sflag:s14] =	ssyncset.done $0x0  }
0xad: {  	[sflag:s14] =	ssyncadd.s32 $0xFFFFFF80  }
0xae: {  	[spmem:s3] =	stream.indirect.scatter.add.f32 [tilespmem:s21], [sflag:$0x3], $0x1, s25, s17, $0xb8;
	[tilespmem:$0x5980] =	vst v63  }
0xaf: {  	_ =	swait.ge [sflag:s14], $0x80  }
0xb0: {  	[sflag:s14] =	ssyncset.done $0x0  }
0xb1: {  	s1 =	sshll.u32 s0, $0x6;
	[sflag:s14] =	ssyncadd.s32 $0xFFFFFF80  }
0xb2: {  	s30 =	sshrl.u32 s9, $0x3;
	s1 =	sor.u32 $0x1C03, s1;
	[bflag:$0x0] =	sbarrier.arrive $0xFFFF  }
0xb3: {  	[hbm:s11@s26], [sflag:s1] =	dma.strided [spmem:s30@s28], $0x50, s22, $0x10   }
0xb4: {  	s29 =	sadd.s32 $0x1, s29;
	_ =	swait.ge [sflag:s14], $0x50  }
0xb5: {  	p0 =	sne.s32 s29, s13;
	[sflag:s14] =	ssyncset.done $0x0  }
.Ltmp1:
0xb6: {  	s31 =	sshrl.u32 s10, $0x3;
	[sflag:s14] =	ssyncadd.s32 $0xFFFFFFB0;
	(pc) =	sbr.rel @p0 .LBB2_1-.Ltmp1, $4  }
0xb7: {  	[hbm:s12@s26], [sflag:s1] =	dma.strided [spmem:s31@s28], $0x50, s22, $0x10   }
0xb8: {  	_ =	swait.ge [sflag:s14], $0x50  }
0xb9: {  	[sflag:s14] =	ssyncset.done $0x0  }
0xba: {  	[sflag:s14] =	ssyncadd.s32 $0xFFFFFFB0  }
0xbb: {  	_ =	sfence.sel $0x180000  }
0xbc: {  	[bflag:$0x0] =	sbarrier.arrive $0xFFFF  }
0xbd: {  	_ =	strace $0x9000004D  }
0xbe: {  	[bflag:$0x2] =	sbarrier.arrive $0xFFFF  }
0xbf: {  	p0 =	sne.s32 s0, $0x0;
	s0 =	rddreg [dreg:$0x3]  }
0xc0: {  	s0 =	sadd.s32 @!p0 $0x100000, s0  }
0xc1: {  	[sflag:s0] =	ssyncadd.tile.s32 @!p0 $0x1;
	_ =	shalt  }
.Lfunc_end2:
_tile_overlayer_lowered:
.L_overlay_start_2:
0xc2: {  	(tag) =	ssettag $0x2  }
0xc3: {  	s0 =	rddreg [dreg:$0x0];
	s2 =	stileid.u32  }
0xc4: {  	s1 =	rddreg [dreg:$0x1];
	p0 =	sne.s32 s2, $0x0  }
0xc5: {  	s3 =	rddreg [dreg:$0x2];
	[bflag:$0x3] =	sbarrier.arrive $0xFFFF;
	s2 =	simm.s32 @!p0 $0x1C03  }
0xc6: {  	[timem:s3], [sflag:s2] =	dma.local @!p0 [hbm:s0], s1  }
0xc7: {  	s0 =	simm.s32 @!p0 $0x3  }
0xc8: {  	_ =	swait.ge @!p0 [sflag:s0], s1  }
0xc9: {  	s1 =	ssub.s32 @!p0 $0x0, s1;
	[sflag:s0] =	ssyncset.done @!p0 $0x0  }
0xca: {  	[sflag:s0] =	ssyncadd.s32 @!p0 s1  }
0xcb: {  	[bflag:$0x3] =	sbarrier.arrive $0xFFFF  }
0xcc: {  	_ =	shalt  }

// kernel: kernel.8.cloned.1.call-start
scs
__scs_entry_jumppad:
0x0: {  	(pc) =	sbr.rel $0x88, $3  }
0x1: {  	(tag) =	ssettag $0x0;
	lr =	simm.s32 $0x1  }
0x2: {  	[smem:$0x3F9A] =	sst lr;
	_ =	strace $0xD0000000  }
0x3: {  	_ = 	snop  }
0x4: {  	_ = 	snop  }
0x5: {  	_ = 	snop  }
0x6: {  	_ = 	snop  }
0x7: {  	_ = 	snop  }
__scs_overlays_trampoline_lowered:
0x8: {  	[smem:$0x3FA9] =	sst s0  }
0x9: {  	[smem:$0x3FAA] =	sst s1  }
0xa: {  	[smem:$0x3FAB] =	sst s2  }
0xb: {  	[smem:$0x3FAC] =	sst s3  }
0xc: {  	[smem:$0x3FAD] =	sst s4  }
0xd: {  	[smem:$0x3FAE] =	sst s5  }
0xe: {  	[smem:$0x3FAF] =	sst s6  }
0xf: {  	[smem:$0x3FB0] =	sst s7  }
0x10: {  	[smem:$0x3FB1] =	sst s8  }
0x11: {  	[smem:$0x3FB2] =	sst s9;
	s0 =	simm.s32 @!p0 $0x0  }
0x12: {  	s1 =	sld [smem:$0x3F98];
	s0 =	simm.s32 @p0 $0x1  }
0x13: {  	[smem:$0x3FB3] =	sst s0;
	s0 =	simm.s32 @!p1 $0x0  }
0x14: {  	s2 =	sld [smem:$0x3F97];
	s0 =	simm.s32 @p1 $0x1  }
0x15: {  	[smem:$0x3FB4] =	sst s0;
	s0 =	simm.s32 @!p2 $0x0  }
0x16: {  	s3 =	sld [smem:$0x3FDB];
	s0 =	simm.s32 @p2 $0x1  }
0x17: {  	s4 =	simm.s32 $0x1BF5;
	[smem:$0x3FB6] =	sst s0  }
0x18: {  	s0 =	sld [smem:$0x3F99];
	_ =	swait.ge [sflag:s4], $0x0  }
0x19: {  	s7 =	sld [smem:$0x3F9A]  }
0x1a: {  	s8 =	sadd.s32 $0xFFFFE003, lr  }
0x1b: {  	s9 =	sadd.s32 $0xFFFFFEF7, lr;
	s5 =	simm.s32 $0xFFFFFFFF;
	p2 =	slt.u32 s8, $0xFFFFF086  }
0x1c: {  	p1 =	slt.u32 s9, $0xF7A;
	s5 =	simm.s32 @!p2 $0x0  }
0x1d: {  	s5 =	simm.s32 @p1 $0x1;
	p0 =	seq.s32 s7, s2  }
0x1e: {  	s7 =	smul.u32 @!p0 $0xF7A, s2;
	p2 =	seq.s32 @!p0 s5, $0x0  }
0x1f: {  	s9 =	smul.u32 $0xF7A, s1;
	s8 =	simm.s32 @!p0 $0x1BF5;
	p2 =	por !p2, p0  }
0x20: {  	[sflag:s8] =	ssyncset.s32 @!p0 $0xFFFFF086;
	s6 =	sadd.s32 @!p0 s3, s7;
	s7 =	simm.s32 @!p0 $0x108  }
0x21: {  	s3 =	sadd.s32 s3, s9;
	s6 =	sadd.s32 @!p0 $0x88, s6;
	s7 =	simm.s32 @p2 $0x1082  }
0x22: {  	[simem:s7], [sflag:s8] =	dma.local @!p0 [hbm:s6], $0xF7A  }
0x23: {  	s9 =	sor.u32 $0xD0000000, s2;
	s6 =	simm.s32 $0x108;
	_ =	swait.ge @!p0 [sflag:s8], $0x0  }
0x24: {  	s3 =	sadd.s32 $0x88, s3;
	s6 =	simm.s32 @!p1 $0x1082;
	[sflag:s4] =	ssyncset.s32 $0xFFFFF086  }
0x25: {  	[simem:s6], [sflag:s4] =	dma.local [hbm:s3], $0xF7A  }
0x26: {  	[smem:$0x3F9A] =	sst s1;
	(tag) =	ssettag s2;
	_ =	strace s9  }
0x27: {  	s1 =	sld [smem:$0x3FAA]  }
0x28: {  	s2 =	sld [smem:$0x3FAB]  }
0x29: {  	s4 =	sld [smem:$0x3FAD]  }
0x2a: {  	p0 =	seq.s32 s5, $0x0;
	s5 =	sld [smem:$0x3FAE]  }
0x2b: {  	s6 =	sld [smem:$0x3FAF]  }
0x2c: {  	s7 =	sld [smem:$0x3FB0]  }
0x2d: {  	s3 =	simm.s32 $0x108;
	s8 =	sld [smem:$0x3FB1]  }
0x2e: {  	s3 =	simm.s32 @!p0 $0x1082;
	s9 =	sld [smem:$0x3FB2]  }
0x2f: {  	lr =	sadd.s32 s0, s3;
	s0 =	sld [smem:$0x3FA9]  }
0x30: {  	s3 =	sld [smem:$0x3FAC]  }
0x31: {  	[smem:$0x3FB5] =	sst s10  }
0x32: {  	s10 =	sld [smem:$0x3FB3];
	_ =	sdelay $0x3  }
0x33: {  	p0 =	seq.s32 s10, $0x1;
	s10 =	sld [smem:$0x3FB5];
	_ =	sdelay $0x3  }
0x34: {  	[smem:$0x3FB5] =	sst s10  }
0x35: {  	s10 =	sld [smem:$0x3FB4];
	_ =	sdelay $0x3  }
0x36: {  	p1 =	seq.s32 s10, $0x1;
	s10 =	sld [smem:$0x3FB5];
	_ =	sdelay $0x3  }
0x37: {  	[smem:$0x3FB5] =	sst s10  }
0x38: {  	s10 =	sld [smem:$0x3FB6]  }
0x39: {  	_ = 	snop;
	(pc) =	sbr.ind lr, $3  }
0x3a: {  	_ = 	snop  }
0x3b: {  	_ = 	snop  }
0x3c: {  	p2 =	seq.s32 s10, $0x1;
	s10 =	sld [smem:$0x3FB5]  }
0x3d: {  	_ =	shalt  }
0x3e: {  	_ =	shalt  }
0x3f: {  	_ =	shalt  }
0x40: {  	_ =	shalt  }
0x41: {  	_ =	shalt  }
0x42: {  	_ =	shalt  }
0x43: {  	_ =	shalt  }
0x44: {  	_ =	shalt  }
0x45: {  	_ =	shalt  }
0x46: {  	_ =	shalt  }
0x47: {  	_ =	shalt  }
0x48: {  	_ =	shalt  }
0x49: {  	_ =	shalt  }
0x4a: {  	_ =	shalt  }
0x4b: {  	_ =	shalt  }
0x4c: {  	_ =	shalt  }
0x4d: {  	_ =	shalt  }
0x4e: {  	_ =	shalt  }
0x4f: {  	_ =	shalt  }
0x50: {  	_ =	shalt  }
0x51: {  	_ =	shalt  }
0x52: {  	_ =	shalt  }
0x53: {  	_ =	shalt  }
0x54: {  	_ =	shalt  }
0x55: {  	_ =	shalt  }
0x56: {  	_ =	shalt  }
0x57: {  	_ =	shalt  }
0x58: {  	_ =	shalt  }
0x59: {  	_ =	shalt  }
0x5a: {  	_ =	shalt  }
0x5b: {  	_ =	shalt  }
0x5c: {  	_ =	shalt  }
0x5d: {  	_ =	shalt  }
0x5e: {  	_ =	shalt  }
0x5f: {  	_ =	shalt  }
0x60: {  	_ =	shalt  }
0x61: {  	_ =	shalt  }
0x62: {  	_ =	shalt  }
0x63: {  	_ =	shalt  }
0x64: {  	_ =	shalt  }
0x65: {  	_ =	shalt  }
0x66: {  	_ =	shalt  }
0x67: {  	_ =	shalt  }
0x68: {  	_ =	shalt  }
0x69: {  	_ =	shalt  }
0x6a: {  	_ =	shalt  }
0x6b: {  	_ =	shalt  }
0x6c: {  	_ =	shalt  }
0x6d: {  	_ =	shalt  }
0x6e: {  	_ =	shalt  }
0x6f: {  	_ =	shalt  }
0x70: {  	_ =	shalt  }
0x71: {  	_ =	shalt  }
0x72: {  	_ =	shalt  }
0x73: {  	_ =	shalt  }
0x74: {  	_ =	shalt  }
0x75: {  	_ =	shalt  }
0x76: {  	_ =	shalt  }
0x77: {  	_ =	shalt  }
0x78: {  	_ =	shalt  }
0x79: {  	_ =	shalt  }
0x7a: {  	_ =	shalt  }
0x7b: {  	_ =	shalt  }
0x7c: {  	_ =	shalt  }
0x7d: {  	_ =	shalt  }
0x7e: {  	_ =	shalt  }
0x7f: {  	_ =	shalt  }
0x80: {  	_ =	shalt  }
0x81: {  	_ =	shalt  }
0x82: {  	_ =	shalt  }
0x83: {  	_ =	shalt  }
0x84: {  	_ =	shalt  }
0x85: {  	_ =	shalt  }
0x86: {  	_ =	shalt  }
0x87: {  	_ =	shalt  }
.Lfunc_end0:
.L_simem_size_0:
called_computation_lowered:
.L_overlay_start_0:
0x88: {  	s2 =	sld [smem:$0x3FD9]  }
0x89: {  	s3 =	sld [smem:$0x3FFE];
	_ =	sdelay $0x1  }
0x8a: {  	s1 =	srdreg.scid  }
0x8b: {  	s0 =	sand.u32 $0x1, s1  }
0x8c: {  	s16 =	sshll.u32 s0, $0xA;
	s2 =	sadd.s32 s3, s2  }
0x8d: {  	s2 =	sadd.s32 s2, s16  }
0x8e: {  	[smem:$0x3FC1] =	sst s2  }
0x8f: {  	_ = 	snop  }
0x90: {  	(tm) =	ssettm $0x1  }
0x91: {  	s17 =	sld [smem:$0x3FFB];
	_ =	sdelay $0x3  }
0x92: {  	_ =	strace s17  }
0x93: {  	s2 =	sld [smem:$0x3FFC];
	_ =	sdelay $0x3  }
0x94: {  	_ =	strace s2  }
0x95: {  	s2 =	sld [smem:$0x3FFD];
	_ =	sdelay $0x3  }
0x96: {  	_ =	strace s2  }
0x97: {  	_ =	strace $0x8FFFFFFF  }
0x98: {  	s18 =	sld [smem:$0x3FDB];
	_ =	sdelay $0x1  }
0x99: {  	s19 =	simm.s32 $_scs_section_size  }
0x9a: {  	s4 =	simm.s32 $_size__tile_overlayer_lowered;
	s5 =	simm.s32 $_tile_overlayer_lowered  }
0x9b: {  	s22 =	simm.s32 $0x1BFF;
	s21 =	sshll.u32 s5, $0x1;
	s2 =	sadd.s32 s19, s18  }
0x9c: {  	s6 =	simm.s32 $0x0;
	s20 =	sshll.u32 s4, $0x1;
	s4 =	sadd.s32 s21, s2  }
0x9d: {  	[timem:s6], [sflag:s22] =	dma.local [hbm:s4], s20  }
0x9e: {  	_ =	swait.ge [sflag:s22], s20  }
0x9f: {  	s3 =	ssub.s32 $0x0, s20;
	[sflag:s22] =	ssyncset.done $0x0  }
0xa0: {  	[sflag:s22] =	ssyncadd.s32 s3;
	_ =	sdelay $0x1  }
0xa1: {  	s23 =	simm.s32 $0x1B8B  }
0xa2: {  	_ =	swait.ge [sflag:s23], $0x1  }
0xa3: {  	[sflag:s23] =	ssyncset.done $0x0  }
0xa4: {  	s25 =	simm.s32 $0x1B8E;
	s24 =	sld [smem:$0x3FFE];
	[sflag:s23] =	ssyncadd.s32 $0xFFFFFFFF  }
0xa5: {  	s26 =	simm.s32 $execute0_lowered;
	[smem:$0x3FD2] =	sst s25  }
0xa6: {  	s4 =	sshll.u32 s26, $0x1;
	_ =	strace $0x80000046;
	[dreg:$0x1] =	wrdreg $0xFFFFFFFF  }
0xa7: {  	s28 =	simm.s32 $_size_execute0_lowered;
	s2 =	sadd.s32 s2, s4;
	[dreg:$0x0] =	wrdreg $0x0  }
0xa8: {  	s4 =	sshll.u32 s28, $0x1;
	[dreg:$0x2] =	wrdreg s2  }
0xa9: {  	[dreg:$0x3] =	wrdreg s4  }
0xaa: {  	[dreg:$0x4] =	wrdreg $0xC0  }
0xab: {  	_ =	task [dreg:s6], $0x5FFFF  }
0xac: {  	[dreg:$0x1] =	wrdreg $0xFFFFFFFF  }
0xad: {  	[dreg:$0x0] =	wrdreg $0x60  }
0xae: {  	[dreg:$0x2] =	wrdreg s24  }
0xaf: {  	[dreg:$0x3] =	wrdreg $0x2B000  }
0xb0: {  	[dreg:$0x4] =	wrdreg $0x9  }
0xb1: {  	_ =	task.clear_ibuf [dreg:s6], $0x5FFFF;
	_ =	strace $0x90000046  }
0xb2: {  	s29 =	simm.s32 $0x9;
	_ =	strace $0x80000048  }
0xb3: {  	_ =	swait.ge [sflag:s29], $0x1  }
0xb4: {  	[sflag:s29] =	ssyncadd.s32 $0xFFFFFFFF  }
0xb5: {  	_ =	strace $0x90000048  }
0xb6: {  	_ =	sfence  }
0xb7: {  	s30 =	sld [smem:$0x0];
	_ =	sdelay $0x2  }
0xb8: {  	s31 =	sshll.u32 s1, $0xD;
	s1 =	sshrl.u32 s1, $0x2  }
0xb9: {  	s3 =	sand.u32 $0x4000, s31;
	s1 =	sadd.s32 s1, s30  }
0xba: {  	s0 =	sor.u32 s3, s0;
	s1 =	sshll.u32 s1, $0x11  }
0xbb: {  	s0 =	sor.u32 s1, s0  }
0xbc: {  	s0 =	sadd.s32 $0x8F2B, s0  }
0xbd: {  	[sflag:s0] =	ssyncadd.remote.s32 $0x1  }
0xbe: {  	_ =	sfence.sel $0xFFFF  }
0xbf: {  	[dreg:$0x0] =	wrdreg $0xFFFFFFFF;
	(pc) =	sbr.abs _section_cstart, $3  }
0xc0: {  	[dreg:$0x1] =	wrdreg $0xFFFFFFFF  }
0xc1: {  	_ =	task.clear_ibuf [dreg:s6], $0x2FFFF;
	_ =	strace $0x9FFFFFFF  }
0xc2: {  	(tm) =	ssettm $0x7FFFFFFF  }
0xc3: {  	_ =	shalt  }
tec
execute0_lowered:
.L_overlay_start_1:
0x0: {  	(tag) =	ssettag $0x1  }
0x1: {  	s4 =	rddreg [dreg:$0x0]  }
0x2: {  	s1 =	rddreg [dreg:$0x1]  }
0x3: {  	s2 =	srdreg.scid;
	s0 =	rddreg [dreg:$0x2];
	s3 =	simm.s32 $0x0  }
0x4: {  	s10 =	simm.s32 $0x80;
	s11 =	simm.s32 $0x2800;
	s12 =	simm.s32 $0x1  }
0x5: {  	s15 =	simm.s32 $0x20;
	s16 =	simm.s32 $0x10;
	s17 =	simm.s32 $0x0  }
0x6: {  	s5 =	sand.u32 $0x1, s2;
	s2 =	stileid.u32;
	[smem:$0x7FF] =	sst s3  }
0x7: {  	s6 =	sshll.u32 s5, $0x4;
	s7 =	smul.u32 $0x500, s2;
	_ =	strace $0x80000047  }
0x8: {  	s8 =	sshll.u32 s5, $0x7;
	s5 =	ssub.s32 $0x2, s5;
	s30 =	smul.u32 $0xA00, s2  }
0x9: {  	s13 =	sshll.u32 s2, $0x6;
	s6 =	sor.u32 s2, s6;
	s9 =	sshrl.u32 s5, $0x1  }
0xa: {  	s13 =	sor.u32 $0x1C02, s13;
	s6 =	smul.u32 $0x500, s6;
	s7 =	sor.u32 s8, s7  }
0xb: {  	s9 =	ssub.s32 s5, s9;
	s31 =	sshrl.u32 s30, $0x2;
	s8 =	simm.s32 $0x2  }
0xc: {  	s7 =	sshrl.u32 s7, $0x3;
	s5 =	sadd.s32 s31, s1;
	s6 =	sadd.s32 s6, s4  }
0xd: {  	s7 =	sadd.s32 s7, s4;
	s14 =	sshrl.u32 s5, $0x3;
	s4 =	sadd.s32 $0xA00, s6  }
0xe: {  	v0 =	vimm.f32 $1.000000000e+00;
	v1 =	vimm.f32 $0.0e+00;
	s6 =	sadd.s32 $0xAA00, s7;
	s7 =	smax.u32 s9, $0x1;
	s9 =	simm.s32 $0x2880  }
.LBB2_1:
0xf: {  	[tilespmem:$0x2800] =	vst v0  }
0x10: {  	[tilespmem:$0x2810] =	vst v0  }
0x11: {  	[tilespmem:$0x2820] =	vst v0  }
0x12: {  	[tilespmem:$0x2830] =	vst v0  }
0x13: {  	[tilespmem:$0x2840] =	vst v0  }
0x14: {  	[tilespmem:$0x2850] =	vst v0  }
0x15: {  	[tilespmem:$0x2860] =	vst v0  }
0x16: {  	[tilespmem:$0x2870] =	vst v0  }
0x17: {  	[tilespmem:$0x2880] =	vst v1  }
0x18: {  	[tilespmem:$0x2890] =	vst v1  }
0x19: {  	[tilespmem:$0x28A0] =	vst v1  }
0x1a: {  	[tilespmem:$0x28B0] =	vst v1  }
0x1b: {  	[tilespmem:$0x28C0] =	vst v1  }
0x1c: {  	[tilespmem:$0x28D0] =	vst v1  }
0x1d: {  	[tilespmem:$0x28E0] =	vst v1  }
0x1e: {  	[tilespmem:$0x28F0] =	vst v1  }
0x1f: {  	[tilespmem:$0x2900] =	vst v1  }
0x20: {  	[tilespmem:$0x2910] =	vst v1  }
0x21: {  	[tilespmem:$0x2920] =	vst v1  }
0x22: {  	[tilespmem:$0x2930] =	vst v1  }
0x23: {  	[tilespmem:$0x2940] =	vst v1  }
0x24: {  	[tilespmem:$0x2950] =	vst v1  }
0x25: {  	[tilespmem:$0x2960] =	vst v1  }
0x26: {  	[tilespmem:$0x2970] =	vst v1  }
0x27: {  	[tilespmem:$0x2980] =	vst v1  }
0x28: {  	[tilespmem:$0x2990] =	vst v1  }
0x29: {  	[tilespmem:$0x29A0] =	vst v1  }
0x2a: {  	[tilespmem:$0x29B0] =	vst v1  }
0x2b: {  	[tilespmem:$0x29C0] =	vst v1  }
0x2c: {  	[tilespmem:$0x29D0] =	vst v1  }
0x2d: {  	[tilespmem:$0x29E0] =	vst v1  }
0x2e: {  	[tilespmem:$0x29F0] =	vst v1  }
0x2f: {  	[tilespmem:$0x2A00] =	vst v1  }
0x30: {  	[tilespmem:$0x2A10] =	vst v1  }
0x31: {  	[tilespmem:$0x2A20] =	vst v1  }
0x32: {  	[tilespmem:$0x2A30] =	vst v1  }
0x33: {  	[tilespmem:$0x2A40] =	vst v1  }
0x34: {  	[tilespmem:$0x2A50] =	vst v1  }
0x35: {  	[tilespmem:$0x2A60] =	vst v1  }
0x36: {  	[tilespmem:$0x2A70] =	vst v1  }
0x37: {  	[tilespmem:$0x2A80] =	vst v1  }
0x38: {  	[tilespmem:$0x2A90] =	vst v1  }
0x39: {  	[tilespmem:$0x2AA0] =	vst v1  }
0x3a: {  	[tilespmem:$0x2AB0] =	vst v1  }
0x3b: {  	[tilespmem:$0x2AC0] =	vst v1  }
0x3c: {  	[tilespmem:$0x2AD0] =	vst v1  }
0x3d: {  	[tilespmem:$0x2AE0] =	vst v1  }
0x3e: {  	[tilespmem:$0x2AF0] =	vst v1  }
0x3f: {  	[tilespmem:s3], [sflag:$0x2] =	stream.linear.gather [hbm4b:s4+s3], $0x2800, $0x38;
	[tilespmem:$0x2D80] =	vst v63  }
0x40: {  	_ =	swait.ge [sflag:s8], $0x2800  }
0x41: {  	[sflag:s8] =	ssyncset.done $0x0  }
0x42: {  	[sflag:s8] =	ssyncadd.s32 $0xFFFFD800  }
0x43: {  	[spmem:s5] =	stream.linear.scatter [tilespmem:s9], [sflag:$0x2], $0x280, $0x38;
	[tilespmem:$0x2D80] =	vst v63  }
0x44: {  	_ =	swait.ge [sflag:s8], $0x280  }
0x45: {  	[sflag:s8] =	ssyncset.done $0x0  }
0x46: {  	[sflag:s8] =	ssyncadd.s32 $0xFFFFFD80  }
0x47: {  	s18 =	simm.s32 $0x0;
	[bflag:$0x0] =	sbarrier.arrive $0xFFFF  }
.LBB2_2:
0x48: {  	p0 =	sne.s32 s18, $0x9E00  }
.Ltmp0:
0x49: {  	_ = 	snop;
	(pc) =	sbr.rel @p0 .LBB2_2-.Ltmp0, $3  }
0x4a: {  	_ =	sdelay $0x1  }
0x4b: {  	s19 =	sshra.s32 s18, $0x2;
	s18 =	sadd.s32 $0x200, s18  }
0x4c: {  	[spmem:s1] =	stream.indirect.scatter.add.f32 [tilespmem:s11], [sflag:$0x1], $0x1, s19, s10, $0xb8;
	[tilespmem:$0x2D80] =	vst v63  }
0x4d: {  	_ =	swait.ge [sflag:s12], $0x80  }
0x4e: {  	s18 =	simm.s32 $0x4F;
	[sflag:s12] =	ssyncset.done $0x0  }
.LBB2_4:
0x4f: {  	p0 =	sne.s32 s18, $0x1;
	s18 =	sadd.s32 $0xFFFFFFFF, s18;
	[sflag:s12] =	ssyncadd.s32 $0xFFFFFF80  }
.Ltmp1:
0x50: {  	(pc) =	sbr.rel @p0 .LBB2_4-.Ltmp1, $3  }
0x51: {  	_ =	sdelay $0x1  }
0x52: {  	_ =	swait.ge [sflag:s12], $0x80  }
0x53: {  	[sflag:s12] =	ssyncset.done $0x0  }
0x54: {  	s17 =	sadd.s32 $0x1, s17  }
0x55: {  	[sflag:s12] =	ssyncadd.s32 $0xFFFFFF80;
	p0 =	sne.s32 s17, s7  }
.Ltmp2:
0x56: {  	[bflag:$0x0] =	sbarrier.arrive $0xFFFF;
	(pc) =	sbr.rel @p0 .LBB2_1-.Ltmp2, $4  }
0x57: {  	[hbm:s6@s15], [sflag:s13] =	dma.strided [spmem:s14@s16], $0x50, s12, $0x10   }
0x58: {  	_ =	swait.ge [sflag:s8], $0x50  }
0x59: {  	[sflag:s8] =	ssyncset.done $0x0  }
0x5a: {  	[sflag:s8] =	ssyncadd.s32 $0xFFFFFFB0  }
0x5b: {  	_ =	sfence.sel $0x180000  }
0x5c: {  	[bflag:$0x0] =	sbarrier.arrive $0xFFFF  }
0x5d: {  	p0 =	sne.s32 s2, $0x0;
	_ =	strace $0x90000047  }
0x5e: {  	s0 =	sadd.s32 @!p0 $0x100000, s0;
	[bflag:$0x2] =	sbarrier.arrive $0xFFFF  }
0x5f: {  	[sflag:s0] =	ssyncadd.tile.s32 @!p0 $0x1;
	_ =	shalt  }
.Lfunc_end2:
_tile_overlayer_lowered:
.L_overlay_start_2:
0x60: {  	(tag) =	ssettag $0x2  }
0x61: {  	s0 =	rddreg [dreg:$0x0];
	s2 =	stileid.u32  }
0x62: {  	s1 =	rddreg [dreg:$0x1];
	p0 =	sne.s32 s2, $0x0  }
0x63: {  	s3 =	rddreg [dreg:$0x2];
	[bflag:$0x3] =	sbarrier.arrive $0xFFFF;
	s2 =	simm.s32 @!p0 $0x1C02  }
0x64: {  	[timem:s3], [sflag:s2] =	dma.local @!p0 [hbm:s0], s1  }
0x65: {  	s0 =	simm.s32 @!p0 $0x2  }
0x66: {  	_ =	swait.ge @!p0 [sflag:s0], s1  }
0x67: {  	s1 =	ssub.s32 @!p0 $0x0, s1;
	[sflag:s0] =	ssyncset.done @!p0 $0x0  }
0x68: {  	[sflag:s0] =	ssyncadd.s32 @!p0 s1  }
0x69: {  	[bflag:$0x3] =	sbarrier.arrive $0xFFFF  }
0x6a: {  	_ =	shalt  }

</sc_bundles>
